<compile_context>
chip_gen: v7x
topology: tpu7x:2x2x1
jax: 0.10.2.dev20260603
libtpu: 0.0.44.dev20260713+nightly
codegen_flags: <defaults>
</compile_context>

<pallas_src>
import jax
import jax.numpy as jnp
from jax import lax
from jax.experimental import pallas as pl
from jax.experimental.pallas import tpu as pltpu
from jax.experimental.pallas import tpu_sc as plsc

BATCH = 16384
SEQ = 50
DIM = 64
NUM_WORKERS = 32
B_PER_W = BATCH // NUM_WORKERS
NB = 2
ROWS = NB * SEQ
SLOTS = B_PER_W // NB
NBUF = 8
GROUPS = SLOTS // NBUF - 1


def _emb_body(table_hbm, idx_hbm, out_hbm, idx_v, rows_v, *sems):
    gsem = sems[:NBUF]
    wsem = sems[NBUF:]
    wid = lax.axis_index("s") * 2 + lax.axis_index("c")
    base = wid * B_PER_W
    pltpu.sync_copy(idx_hbm.at[pl.ds(base, B_PER_W)], idx_v)

    def gathers(slot, b):
        for j in range(NB):
            pltpu.async_copy(
                table_hbm.at[idx_v.at[slot * NB + j]],
                rows_v.at[b * NB + j], gsem[b])

    def gathers_wait(slot, b):
        for j in range(NB):
            pltpu.make_async_copy(
                table_hbm.at[idx_v.at[slot * NB + j]],
                rows_v.at[b * NB + j], gsem[b]).wait()

    def wb(slot, b):
        pltpu.async_copy(rows_v.at[pl.ds(b * NB, NB)],
                         out_hbm.at[pl.ds(base + slot * NB, NB)], wsem[b])

    def wb_wait(slot, b):
        pltpu.make_async_copy(rows_v.at[pl.ds(b * NB, NB)],
                              out_hbm.at[pl.ds(base + slot * NB, NB)],
                              wsem[b]).wait()

    for b in range(NBUF):
        gathers(b, b)

    def group(g, carry):
        for b in range(NBUF):
            slot = g * NBUF + b
            gathers_wait(slot, b)
            wb(slot, b)
            wb_wait(slot, b)
            gathers(slot + NBUF, b)
        return carry

    lax.fori_loop(0, GROUPS, group, 0)

    for b in range(NBUF):
        slot = GROUPS * NBUF + b
        gathers_wait(slot, b)
        wb(slot, b)
    for b in range(NBUF):
        wb_wait(GROUPS * NBUF + b, b)


@jax.jit
def kernel(token_ids, indexing):
    mesh = plsc.VectorSubcoreMesh(core_axis_name="c", subcore_axis_name="s")
    out = pl.kernel(
        _emb_body,
        out_type=jax.ShapeDtypeStruct((BATCH, SEQ, DIM), jnp.float32),
        mesh=mesh,
        scratch_types=[
            pltpu.VMEM((B_PER_W, SEQ), jnp.int32),
            pltpu.VMEM((NBUF * NB, SEQ, DIM), jnp.float32),
        ] + [pltpu.SemaphoreType.DMA] * (2 * NBUF),
        compiler_params=pltpu.CompilerParams(use_tc_tiling_on_sc=False),
    )(indexing, token_ids)
    return out

# --- scband reference (transcript-rebuilt; emitter-appended) ---
"""Pipeline reference for scband-embedding-4157528343088 (READ-ONLY COPY).

The authoritative reference and input builder live on the scoring server;
editing this copy changes nothing except your own understanding.
"""

import jax, jax.numpy as jnp
import numpy as np

NUM_EMBEDDINGS = 1000000
EMBEDDING_DIM = 64

def setup_inputs(seed: int = 0) -> dict:
    key = jax.random.key(seed)
    k1, k2 = jax.random.split(key)
    token_ids = jax.random.randint(k1, (16384, 50), 0, NUM_EMBEDDINGS, dtype=jnp.int64 if jax.config.jax_enable_x64 else jnp.int32)
    sigma = np.sqrt(2.0 / (NUM_EMBEDDINGS + EMBEDDING_DIM))
    table = jax.random.truncated_normal(k2, -3.0, 3.0, (NUM_EMBEDDINGS, EMBEDDING_DIM), dtype=jnp.float32) * sigma
    return {"token_ids": token_ids, "indexing": table}

def reference(token_ids, indexing):
    y = jnp.take(indexing, token_ids, axis=0)
    return y

if __name__ == "__main__":
    import jax
    _d = setup_inputs()
    print(jax.jit(kernel)(*tuple(_d.values())))

</pallas_src>

<mosaic_0001>
#map = affine_map<(d0, d1) -> (0, 0)>
#map1 = affine_map<(d0, d1) -> (0, 0, 0)>
module attributes {stable_mosaic.version = 14 : i64} {
  func.func @_emb_body(%arg0: i32, %arg1: i32, %arg2: memref<1000000x64xf32, #tpu.memory_space<hbm>>, %arg3: memref<16384x50xi32, #tpu.memory_space<hbm>>, %arg4: memref<16384x50x64xf32, #tpu.memory_space<hbm>>, %arg5: memref<512x50xi32, #tpu.memory_space<vmem>>, %arg6: memref<16x50x64xf32, #tpu.memory_space<vmem>>, %arg7: memref<!tpu.dma_semaphore, #tpu.memory_space<semaphore_mem>>, %arg8: memref<!tpu.dma_semaphore, #tpu.memory_space<semaphore_mem>>, %arg9: memref<!tpu.dma_semaphore, #tpu.memory_space<semaphore_mem>>, %arg10: memref<!tpu.dma_semaphore, #tpu.memory_space<semaphore_mem>>, %arg11: memref<!tpu.dma_semaphore, #tpu.memory_space<semaphore_mem>>, %arg12: memref<!tpu.dma_semaphore, #tpu.memory_space<semaphore_mem>>, %arg13: memref<!tpu.dma_semaphore, #tpu.memory_space<semaphore_mem>>, %arg14: memref<!tpu.dma_semaphore, #tpu.memory_space<semaphore_mem>>, %arg15: memref<!tpu.dma_semaphore, #tpu.memory_space<semaphore_mem>>, %arg16: memref<!tpu.dma_semaphore, #tpu.memory_space<semaphore_mem>>, %arg17: memref<!tpu.dma_semaphore, #tpu.memory_space<semaphore_mem>>, %arg18: memref<!tpu.dma_semaphore, #tpu.memory_space<semaphore_mem>>, %arg19: memref<!tpu.dma_semaphore, #tpu.memory_space<semaphore_mem>>, %arg20: memref<!tpu.dma_semaphore, #tpu.memory_space<semaphore_mem>>, %arg21: memref<!tpu.dma_semaphore, #tpu.memory_space<semaphore_mem>>, %arg22: memref<!tpu.dma_semaphore, #tpu.memory_space<semaphore_mem>>) attributes {dimension_semantics = [#tpu.dimension_semantics<core_parallel>, #tpu.dimension_semantics<subcore_parallel>], iteration_bounds = array<i64: 2, 16>, scalar_prefetch = 0 : i64, scratch_operands = 18 : i64, tpu.core_type = #tpu.core_type<sc_vector_subcore>, window_params = [{transform_indices = #map}, {transform_indices = #map}, {transform_indices = #map1}]} {
    %mul3A = arith.constant 2 : i32
    %mul3A_0 = arith.muli %arg1, %mul3A : i32
    %add3A = arith.addi %mul3A_0, %arg0 : i32
    %mul3A_1 = arith.constant 512 : i32
    %mul3A_2 = arith.muli %add3A, %mul3A_1 : i32
    "tpu.region"() ({
      %run_scoped3A = tpu.sem_alloc : memref<!tpu.dma_semaphore, #tpu.memory_space<semaphore_mem>>
      %dma_start3A_646 = arith.constant 0 : i32
      %dma_start3A_647 = tpu.memref_slice %arg3[%mul3A_2, %dma_start3A_646] : memref<16384x50xi32, #tpu.memory_space<hbm>> -> memref<512x50xi32, #tpu.memory_space<hbm>>
      %dma_start3A_648 = arith.constant 0 : i32
      %dma_start3A_649 = tpu.memref_slice %arg3[%mul3A_2, %dma_start3A_648] : memref<16384x50xi32, #tpu.memory_space<hbm>> -> memref<512x50xi32, #tpu.memory_space<hbm>>
      tpu.enqueue_dma source(%dma_start3A_649 : memref<512x50xi32, #tpu.memory_space<hbm>>) target(%arg5 : memref<512x50xi32, #tpu.memory_space<vmem>>) target_semaphore(%run_scoped3A : memref<!tpu.dma_semaphore, #tpu.memory_space<semaphore_mem>>)
      %dma_wait3A_650 = arith.constant 0 : i32
      %dma_wait3A_651 = tpu.memref_slice %arg3[%mul3A_2, %dma_wait3A_650] : memref<16384x50xi32, #tpu.memory_space<hbm>> -> memref<512x50xi32, #tpu.memory_space<hbm>>
      %dma_wait3A_652 = arith.constant 0 : i32
      %dma_wait3A_653 = tpu.memref_slice %arg3[%mul3A_2, %dma_wait3A_652] : memref<16384x50xi32, #tpu.memory_space<hbm>> -> memref<512x50xi32, #tpu.memory_space<hbm>>
      tpu.wait_dma2 semaphore(%run_scoped3A : memref<!tpu.dma_semaphore, #tpu.memory_space<semaphore_mem>>) src(%dma_wait3A_653 : memref<512x50xi32, #tpu.memory_space<hbm>>) dst(%arg5 : memref<512x50xi32, #tpu.memory_space<vmem>>)
      tpu.yield
    }) : () -> ()
    %dma_start3A = arith.constant 0 : i32
    %dma_start3A_3 = arith.constant 0 : i32
    %dma_start3A_4 = arith.constant 0 : i32
    %dma_start3A_5 = arith.constant 0 : i32
    %dma_start3A_6 = tpu.memref_slice %arg6[%dma_start3A_3, %dma_start3A_4, %dma_start3A_5] : memref<16x50x64xf32, #tpu.memory_space<vmem>> -> memref<1x50x64xf32, #tpu.memory_space<vmem>>
    %dma_start3A_7 = tpu.memref_squeeze %dma_start3A_6 : memref<1x50x64xf32, #tpu.memory_space<vmem>> -> memref<50x64xf32, #tpu.memory_space<vmem>>
    %dma_start3A_8 = arith.constant 0 : i32
    %dma_start3A_9 = tpu.memref_slice %arg5[%dma_start3A, %dma_start3A_8] : memref<512x50xi32, #tpu.memory_space<vmem>> -> memref<1x50xi32, #tpu.memory_space<vmem>>
    %dma_start3A_10 = tpu.memref_squeeze %dma_start3A_9 : memref<1x50xi32, #tpu.memory_space<vmem>> -> memref<50xi32, #tpu.memory_space<vmem>>
    %dma_start3A_11 = arith.constant 0 : i32
    %dma_start3A_12 = arith.constant 0 : i32
    %dma_start3A_13 = tpu.memref_slice %arg2[%dma_start3A_11, %dma_start3A_12] : memref<1000000x64xf32, #tpu.memory_space<hbm>> -> memref<1000000x64xf32, #tpu.memory_space<hbm>>
    tpu.enqueue_indirect_dma source(%dma_start3A_13 : memref<1000000x64xf32, #tpu.memory_space<hbm>>) target(%dma_start3A_7 : memref<50x64xf32, #tpu.memory_space<vmem>>) offsets(%dma_start3A_10 : memref<50xi32, #tpu.memory_space<vmem>>) semaphore(%arg7 : memref<!tpu.dma_semaphore, #tpu.memory_space<semaphore_mem>>)
    %dma_start3A_14 = arith.constant 1 : i32
    %dma_start3A_15 = arith.constant 1 : i32
    %dma_start3A_16 = arith.constant 0 : i32
    %dma_start3A_17 = arith.constant 0 : i32
    %dma_start3A_18 = tpu.memref_slice %arg6[%dma_start3A_15, %dma_start3A_16, %dma_start3A_17] : memref<16x50x64xf32, #tpu.memory_space<vmem>> -> memref<1x50x64xf32, #tpu.memory_space<vmem>>
    %dma_start3A_19 = tpu.memref_squeeze %dma_start3A_18 : memref<1x50x64xf32, #tpu.memory_space<vmem>> -> memref<50x64xf32, #tpu.memory_space<vmem>>
    %dma_start3A_20 = arith.constant 0 : i32
    %dma_start3A_21 = tpu.memref_slice %arg5[%dma_start3A_14, %dma_start3A_20] : memref<512x50xi32, #tpu.memory_space<vmem>> -> memref<1x50xi32, #tpu.memory_space<vmem>>
    %dma_start3A_22 = tpu.memref_squeeze %dma_start3A_21 : memref<1x50xi32, #tpu.memory_space<vmem>> -> memref<50xi32, #tpu.memory_space<vmem>>
    %dma_start3A_23 = arith.constant 0 : i32
    %dma_start3A_24 = arith.constant 0 : i32
    %dma_start3A_25 = tpu.memref_slice %arg2[%dma_start3A_23, %dma_start3A_24] : memref<1000000x64xf32, #tpu.memory_space<hbm>> -> memref<1000000x64xf32, #tpu.memory_space<hbm>>
    tpu.enqueue_indirect_dma source(%dma_start3A_25 : memref<1000000x64xf32, #tpu.memory_space<hbm>>) target(%dma_start3A_19 : memref<50x64xf32, #tpu.memory_space<vmem>>) offsets(%dma_start3A_22 : memref<50xi32, #tpu.memory_space<vmem>>) semaphore(%arg7 : memref<!tpu.dma_semaphore, #tpu.memory_space<semaphore_mem>>)
    %dma_start3A_26 = arith.constant 2 : i32
    %dma_start3A_27 = arith.constant 2 : i32
    %dma_start3A_28 = arith.constant 0 : i32
    %dma_start3A_29 = arith.constant 0 : i32
    %dma_start3A_30 = tpu.memref_slice %arg6[%dma_start3A_27, %dma_start3A_28, %dma_start3A_29] : memref<16x50x64xf32, #tpu.memory_space<vmem>> -> memref<1x50x64xf32, #tpu.memory_space<vmem>>
    %dma_start3A_31 = tpu.memref_squeeze %dma_start3A_30 : memref<1x50x64xf32, #tpu.memory_space<vmem>> -> memref<50x64xf32, #tpu.memory_space<vmem>>
    %dma_start3A_32 = arith.constant 0 : i32
    %dma_start3A_33 = tpu.memref_slice %arg5[%dma_start3A_26, %dma_start3A_32] : memref<512x50xi32, #tpu.memory_space<vmem>> -> memref<1x50xi32, #tpu.memory_space<vmem>>
    %dma_start3A_34 = tpu.memref_squeeze %dma_start3A_33 : memref<1x50xi32, #tpu.memory_space<vmem>> -> memref<50xi32, #tpu.memory_space<vmem>>
    %dma_start3A_35 = arith.constant 0 : i32
    %dma_start3A_36 = arith.constant 0 : i32
    %dma_start3A_37 = tpu.memref_slice %arg2[%dma_start3A_35, %dma_start3A_36] : memref<1000000x64xf32, #tpu.memory_space<hbm>> -> memref<1000000x64xf32, #tpu.memory_space<hbm>>
    tpu.enqueue_indirect_dma source(%dma_start3A_37 : memref<1000000x64xf32, #tpu.memory_space<hbm>>) target(%dma_start3A_31 : memref<50x64xf32, #tpu.memory_space<vmem>>) offsets(%dma_start3A_34 : memref<50xi32, #tpu.memory_space<vmem>>) semaphore(%arg8 : memref<!tpu.dma_semaphore, #tpu.memory_space<semaphore_mem>>)
    %dma_start3A_38 = arith.constant 3 : i32
    %dma_start3A_39 = arith.constant 3 : i32
    %dma_start3A_40 = arith.constant 0 : i32
    %dma_start3A_41 = arith.constant 0 : i32
    %dma_start3A_42 = tpu.memref_slice %arg6[%dma_start3A_39, %dma_start3A_40, %dma_start3A_41] : memref<16x50x64xf32, #tpu.memory_space<vmem>> -> memref<1x50x64xf32, #tpu.memory_space<vmem>>
    %dma_start3A_43 = tpu.memref_squeeze %dma_start3A_42 : memref<1x50x64xf32, #tpu.memory_space<vmem>> -> memref<50x64xf32, #tpu.memory_space<vmem>>
    %dma_start3A_44 = arith.constant 0 : i32
    %dma_start3A_45 = tpu.memref_slice %arg5[%dma_start3A_38, %dma_start3A_44] : memref<512x50xi32, #tpu.memory_space<vmem>> -> memref<1x50xi32, #tpu.memory_space<vmem>>
    %dma_start3A_46 = tpu.memref_squeeze %dma_start3A_45 : memref<1x50xi32, #tpu.memory_space<vmem>> -> memref<50xi32, #tpu.memory_space<vmem>>
    %dma_start3A_47 = arith.constant 0 : i32
    %dma_start3A_48 = arith.constant 0 : i32
    %dma_start3A_49 = tpu.memref_slice %arg2[%dma_start3A_47, %dma_start3A_48] : memref<1000000x64xf32, #tpu.memory_space<hbm>> -> memref<1000000x64xf32, #tpu.memory_space<hbm>>
    tpu.enqueue_indirect_dma source(%dma_start3A_49 : memref<1000000x64xf32, #tpu.memory_space<hbm>>) target(%dma_start3A_43 : memref<50x64xf32, #tpu.memory_space<vmem>>) offsets(%dma_start3A_46 : memref<50xi32, #tpu.memory_space<vmem>>) semaphore(%arg8 : memref<!tpu.dma_semaphore, #tpu.memory_space<semaphore_mem>>)
    %dma_start3A_50 = arith.constant 4 : i32
    %dma_start3A_51 = arith.constant 4 : i32
    %dma_start3A_52 = arith.constant 0 : i32
    %dma_start3A_53 = arith.constant 0 : i32
    %dma_start3A_54 = tpu.memref_slice %arg6[%dma_start3A_51, %dma_start3A_52, %dma_start3A_53] : memref<16x50x64xf32, #tpu.memory_space<vmem>> -> memref<1x50x64xf32, #tpu.memory_space<vmem>>
    %dma_start3A_55 = tpu.memref_squeeze %dma_start3A_54 : memref<1x50x64xf32, #tpu.memory_space<vmem>> -> memref<50x64xf32, #tpu.memory_space<vmem>>
    %dma_start3A_56 = arith.constant 0 : i32
    %dma_start3A_57 = tpu.memref_slice %arg5[%dma_start3A_50, %dma_start3A_56] : memref<512x50xi32, #tpu.memory_space<vmem>> -> memref<1x50xi32, #tpu.memory_space<vmem>>
    %dma_start3A_58 = tpu.memref_squeeze %dma_start3A_57 : memref<1x50xi32, #tpu.memory_space<vmem>> -> memref<50xi32, #tpu.memory_space<vmem>>
    %dma_start3A_59 = arith.constant 0 : i32
    %dma_start3A_60 = arith.constant 0 : i32
    %dma_start3A_61 = tpu.memref_slice %arg2[%dma_start3A_59, %dma_start3A_60] : memref<1000000x64xf32, #tpu.memory_space<hbm>> -> memref<1000000x64xf32, #tpu.memory_space<hbm>>
    tpu.enqueue_indirect_dma source(%dma_start3A_61 : memref<1000000x64xf32, #tpu.memory_space<hbm>>) target(%dma_start3A_55 : memref<50x64xf32, #tpu.memory_space<vmem>>) offsets(%dma_start3A_58 : memref<50xi32, #tpu.memory_space<vmem>>) semaphore(%arg9 : memref<!tpu.dma_semaphore, #tpu.memory_space<semaphore_mem>>)
    %dma_start3A_62 = arith.constant 5 : i32
    %dma_start3A_63 = arith.constant 5 : i32
    %dma_start3A_64 = arith.constant 0 : i32
    %dma_start3A_65 = arith.constant 0 : i32
    %dma_start3A_66 = tpu.memref_slice %arg6[%dma_start3A_63, %dma_start3A_64, %dma_start3A_65] : memref<16x50x64xf32, #tpu.memory_space<vmem>> -> memref<1x50x64xf32, #tpu.memory_space<vmem>>
    %dma_start3A_67 = tpu.memref_squeeze %dma_start3A_66 : memref<1x50x64xf32, #tpu.memory_space<vmem>> -> memref<50x64xf32, #tpu.memory_space<vmem>>
    %dma_start3A_68 = arith.constant 0 : i32
    %dma_start3A_69 = tpu.memref_slice %arg5[%dma_start3A_62, %dma_start3A_68] : memref<512x50xi32, #tpu.memory_space<vmem>> -> memref<1x50xi32, #tpu.memory_space<vmem>>
    %dma_start3A_70 = tpu.memref_squeeze %dma_start3A_69 : memref<1x50xi32, #tpu.memory_space<vmem>> -> memref<50xi32, #tpu.memory_space<vmem>>
    %dma_start3A_71 = arith.constant 0 : i32
    %dma_start3A_72 = arith.constant 0 : i32
    %dma_start3A_73 = tpu.memref_slice %arg2[%dma_start3A_71, %dma_start3A_72] : memref<1000000x64xf32, #tpu.memory_space<hbm>> -> memref<1000000x64xf32, #tpu.memory_space<hbm>>
    tpu.enqueue_indirect_dma source(%dma_start3A_73 : memref<1000000x64xf32, #tpu.memory_space<hbm>>) target(%dma_start3A_67 : memref<50x64xf32, #tpu.memory_space<vmem>>) offsets(%dma_start3A_70 : memref<50xi32, #tpu.memory_space<vmem>>) semaphore(%arg9 : memref<!tpu.dma_semaphore, #tpu.memory_space<semaphore_mem>>)
    %dma_start3A_74 = arith.constant 6 : i32
    %dma_start3A_75 = arith.constant 6 : i32
    %dma_start3A_76 = arith.constant 0 : i32
    %dma_start3A_77 = arith.constant 0 : i32
    %dma_start3A_78 = tpu.memref_slice %arg6[%dma_start3A_75, %dma_start3A_76, %dma_start3A_77] : memref<16x50x64xf32, #tpu.memory_space<vmem>> -> memref<1x50x64xf32, #tpu.memory_space<vmem>>
    %dma_start3A_79 = tpu.memref_squeeze %dma_start3A_78 : memref<1x50x64xf32, #tpu.memory_space<vmem>> -> memref<50x64xf32, #tpu.memory_space<vmem>>
    %dma_start3A_80 = arith.constant 0 : i32
    %dma_start3A_81 = tpu.memref_slice %arg5[%dma_start3A_74, %dma_start3A_80] : memref<512x50xi32, #tpu.memory_space<vmem>> -> memref<1x50xi32, #tpu.memory_space<vmem>>
    %dma_start3A_82 = tpu.memref_squeeze %dma_start3A_81 : memref<1x50xi32, #tpu.memory_space<vmem>> -> memref<50xi32, #tpu.memory_space<vmem>>
    %dma_start3A_83 = arith.constant 0 : i32
    %dma_start3A_84 = arith.constant 0 : i32
    %dma_start3A_85 = tpu.memref_slice %arg2[%dma_start3A_83, %dma_start3A_84] : memref<1000000x64xf32, #tpu.memory_space<hbm>> -> memref<1000000x64xf32, #tpu.memory_space<hbm>>
    tpu.enqueue_indirect_dma source(%dma_start3A_85 : memref<1000000x64xf32, #tpu.memory_space<hbm>>) target(%dma_start3A_79 : memref<50x64xf32, #tpu.memory_space<vmem>>) offsets(%dma_start3A_82 : memref<50xi32, #tpu.memory_space<vmem>>) semaphore(%arg10 : memref<!tpu.dma_semaphore, #tpu.memory_space<semaphore_mem>>)
    %dma_start3A_86 = arith.constant 7 : i32
    %dma_start3A_87 = arith.constant 7 : i32
    %dma_start3A_88 = arith.constant 0 : i32
    %dma_start3A_89 = arith.constant 0 : i32
    %dma_start3A_90 = tpu.memref_slice %arg6[%dma_start3A_87, %dma_start3A_88, %dma_start3A_89] : memref<16x50x64xf32, #tpu.memory_space<vmem>> -> memref<1x50x64xf32, #tpu.memory_space<vmem>>
    %dma_start3A_91 = tpu.memref_squeeze %dma_start3A_90 : memref<1x50x64xf32, #tpu.memory_space<vmem>> -> memref<50x64xf32, #tpu.memory_space<vmem>>
    %dma_start3A_92 = arith.constant 0 : i32
    %dma_start3A_93 = tpu.memref_slice %arg5[%dma_start3A_86, %dma_start3A_92] : memref<512x50xi32, #tpu.memory_space<vmem>> -> memref<1x50xi32, #tpu.memory_space<vmem>>
    %dma_start3A_94 = tpu.memref_squeeze %dma_start3A_93 : memref<1x50xi32, #tpu.memory_space<vmem>> -> memref<50xi32, #tpu.memory_space<vmem>>
    %dma_start3A_95 = arith.constant 0 : i32
    %dma_start3A_96 = arith.constant 0 : i32
    %dma_start3A_97 = tpu.memref_slice %arg2[%dma_start3A_95, %dma_start3A_96] : memref<1000000x64xf32, #tpu.memory_space<hbm>> -> memref<1000000x64xf32, #tpu.memory_space<hbm>>
    tpu.enqueue_indirect_dma source(%dma_start3A_97 : memref<1000000x64xf32, #tpu.memory_space<hbm>>) target(%dma_start3A_91 : memref<50x64xf32, #tpu.memory_space<vmem>>) offsets(%dma_start3A_94 : memref<50xi32, #tpu.memory_space<vmem>>) semaphore(%arg10 : memref<!tpu.dma_semaphore, #tpu.memory_space<semaphore_mem>>)
    %dma_start3A_98 = arith.constant 8 : i32
    %dma_start3A_99 = arith.constant 8 : i32
    %dma_start3A_100 = arith.constant 0 : i32
    %dma_start3A_101 = arith.constant 0 : i32
    %dma_start3A_102 = tpu.memref_slice %arg6[%dma_start3A_99, %dma_start3A_100, %dma_start3A_101] : memref<16x50x64xf32, #tpu.memory_space<vmem>> -> memref<1x50x64xf32, #tpu.memory_space<vmem>>
    %dma_start3A_103 = tpu.memref_squeeze %dma_start3A_102 : memref<1x50x64xf32, #tpu.memory_space<vmem>> -> memref<50x64xf32, #tpu.memory_space<vmem>>
    %dma_start3A_104 = arith.constant 0 : i32
    %dma_start3A_105 = tpu.memref_slice %arg5[%dma_start3A_98, %dma_start3A_104] : memref<512x50xi32, #tpu.memory_space<vmem>> -> memref<1x50xi32, #tpu.memory_space<vmem>>
    %dma_start3A_106 = tpu.memref_squeeze %dma_start3A_105 : memref<1x50xi32, #tpu.memory_space<vmem>> -> memref<50xi32, #tpu.memory_space<vmem>>
    %dma_start3A_107 = arith.constant 0 : i32
    %dma_start3A_108 = arith.constant 0 : i32
    %dma_start3A_109 = tpu.memref_slice %arg2[%dma_start3A_107, %dma_start3A_108] : memref<1000000x64xf32, #tpu.memory_space<hbm>> -> memref<1000000x64xf32, #tpu.memory_space<hbm>>
    tpu.enqueue_indirect_dma source(%dma_start3A_109 : memref<1000000x64xf32, #tpu.memory_space<hbm>>) target(%dma_start3A_103 : memref<50x64xf32, #tpu.memory_space<vmem>>) offsets(%dma_start3A_106 : memref<50xi32, #tpu.memory_space<vmem>>) semaphore(%arg11 : memref<!tpu.dma_semaphore, #tpu.memory_space<semaphore_mem>>)
    %dma_start3A_110 = arith.constant 9 : i32
    %dma_start3A_111 = arith.constant 9 : i32
    %dma_start3A_112 = arith.constant 0 : i32
    %dma_start3A_113 = arith.constant 0 : i32
    %dma_start3A_114 = tpu.memref_slice %arg6[%dma_start3A_111, %dma_start3A_112, %dma_start3A_113] : memref<16x50x64xf32, #tpu.memory_space<vmem>> -> memref<1x50x64xf32, #tpu.memory_space<vmem>>
    %dma_start3A_115 = tpu.memref_squeeze %dma_start3A_114 : memref<1x50x64xf32, #tpu.memory_space<vmem>> -> memref<50x64xf32, #tpu.memory_space<vmem>>
    %dma_start3A_116 = arith.constant 0 : i32
    %dma_start3A_117 = tpu.memref_slice %arg5[%dma_start3A_110, %dma_start3A_116] : memref<512x50xi32, #tpu.memory_space<vmem>> -> memref<1x50xi32, #tpu.memory_space<vmem>>
    %dma_start3A_118 = tpu.memref_squeeze %dma_start3A_117 : memref<1x50xi32, #tpu.memory_space<vmem>> -> memref<50xi32, #tpu.memory_space<vmem>>
    %dma_start3A_119 = arith.constant 0 : i32
    %dma_start3A_120 = arith.constant 0 : i32
    %dma_start3A_121 = tpu.memref_slice %arg2[%dma_start3A_119, %dma_start3A_120] : memref<1000000x64xf32, #tpu.memory_space<hbm>> -> memref<1000000x64xf32, #tpu.memory_space<hbm>>
    tpu.enqueue_indirect_dma source(%dma_start3A_121 : memref<1000000x64xf32, #tpu.memory_space<hbm>>) target(%dma_start3A_115 : memref<50x64xf32, #tpu.memory_space<vmem>>) offsets(%dma_start3A_118 : memref<50xi32, #tpu.memory_space<vmem>>) semaphore(%arg11 : memref<!tpu.dma_semaphore, #tpu.memory_space<semaphore_mem>>)
    %dma_start3A_122 = arith.constant 10 : i32
    %dma_start3A_123 = arith.constant 10 : i32
    %dma_start3A_124 = arith.constant 0 : i32
    %dma_start3A_125 = arith.constant 0 : i32
    %dma_start3A_126 = tpu.memref_slice %arg6[%dma_start3A_123, %dma_start3A_124, %dma_start3A_125] : memref<16x50x64xf32, #tpu.memory_space<vmem>> -> memref<1x50x64xf32, #tpu.memory_space<vmem>>
    %dma_start3A_127 = tpu.memref_squeeze %dma_start3A_126 : memref<1x50x64xf32, #tpu.memory_space<vmem>> -> memref<50x64xf32, #tpu.memory_space<vmem>>
    %dma_start3A_128 = arith.constant 0 : i32
    %dma_start3A_129 = tpu.memref_slice %arg5[%dma_start3A_122, %dma_start3A_128] : memref<512x50xi32, #tpu.memory_space<vmem>> -> memref<1x50xi32, #tpu.memory_space<vmem>>
    %dma_start3A_130 = tpu.memref_squeeze %dma_start3A_129 : memref<1x50xi32, #tpu.memory_space<vmem>> -> memref<50xi32, #tpu.memory_space<vmem>>
    %dma_start3A_131 = arith.constant 0 : i32
    %dma_start3A_132 = arith.constant 0 : i32
    %dma_start3A_133 = tpu.memref_slice %arg2[%dma_start3A_131, %dma_start3A_132] : memref<1000000x64xf32, #tpu.memory_space<hbm>> -> memref<1000000x64xf32, #tpu.memory_space<hbm>>
    tpu.enqueue_indirect_dma source(%dma_start3A_133 : memref<1000000x64xf32, #tpu.memory_space<hbm>>) target(%dma_start3A_127 : memref<50x64xf32, #tpu.memory_space<vmem>>) offsets(%dma_start3A_130 : memref<50xi32, #tpu.memory_space<vmem>>) semaphore(%arg12 : memref<!tpu.dma_semaphore, #tpu.memory_space<semaphore_mem>>)
    %dma_start3A_134 = arith.constant 11 : i32
    %dma_start3A_135 = arith.constant 11 : i32
    %dma_start3A_136 = arith.constant 0 : i32
    %dma_start3A_137 = arith.constant 0 : i32
    %dma_start3A_138 = tpu.memref_slice %arg6[%dma_start3A_135, %dma_start3A_136, %dma_start3A_137] : memref<16x50x64xf32, #tpu.memory_space<vmem>> -> memref<1x50x64xf32, #tpu.memory_space<vmem>>
    %dma_start3A_139 = tpu.memref_squeeze %dma_start3A_138 : memref<1x50x64xf32, #tpu.memory_space<vmem>> -> memref<50x64xf32, #tpu.memory_space<vmem>>
    %dma_start3A_140 = arith.constant 0 : i32
    %dma_start3A_141 = tpu.memref_slice %arg5[%dma_start3A_134, %dma_start3A_140] : memref<512x50xi32, #tpu.memory_space<vmem>> -> memref<1x50xi32, #tpu.memory_space<vmem>>
    %dma_start3A_142 = tpu.memref_squeeze %dma_start3A_141 : memref<1x50xi32, #tpu.memory_space<vmem>> -> memref<50xi32, #tpu.memory_space<vmem>>
    %dma_start3A_143 = arith.constant 0 : i32
    %dma_start3A_144 = arith.constant 0 : i32
    %dma_start3A_145 = tpu.memref_slice %arg2[%dma_start3A_143, %dma_start3A_144] : memref<1000000x64xf32, #tpu.memory_space<hbm>> -> memref<1000000x64xf32, #tpu.memory_space<hbm>>
    tpu.enqueue_indirect_dma source(%dma_start3A_145 : memref<1000000x64xf32, #tpu.memory_space<hbm>>) target(%dma_start3A_139 : memref<50x64xf32, #tpu.memory_space<vmem>>) offsets(%dma_start3A_142 : memref<50xi32, #tpu.memory_space<vmem>>) semaphore(%arg12 : memref<!tpu.dma_semaphore, #tpu.memory_space<semaphore_mem>>)
    %dma_start3A_146 = arith.constant 12 : i32
    %dma_start3A_147 = arith.constant 12 : i32
    %dma_start3A_148 = arith.constant 0 : i32
    %dma_start3A_149 = arith.constant 0 : i32
    %dma_start3A_150 = tpu.memref_slice %arg6[%dma_start3A_147, %dma_start3A_148, %dma_start3A_149] : memref<16x50x64xf32, #tpu.memory_space<vmem>> -> memref<1x50x64xf32, #tpu.memory_space<vmem>>
    %dma_start3A_151 = tpu.memref_squeeze %dma_start3A_150 : memref<1x50x64xf32, #tpu.memory_space<vmem>> -> memref<50x64xf32, #tpu.memory_space<vmem>>
    %dma_start3A_152 = arith.constant 0 : i32
    %dma_start3A_153 = tpu.memref_slice %arg5[%dma_start3A_146, %dma_start3A_152] : memref<512x50xi32, #tpu.memory_space<vmem>> -> memref<1x50xi32, #tpu.memory_space<vmem>>
    %dma_start3A_154 = tpu.memref_squeeze %dma_start3A_153 : memref<1x50xi32, #tpu.memory_space<vmem>> -> memref<50xi32, #tpu.memory_space<vmem>>
    %dma_start3A_155 = arith.constant 0 : i32
    %dma_start3A_156 = arith.constant 0 : i32
    %dma_start3A_157 = tpu.memref_slice %arg2[%dma_start3A_155, %dma_start3A_156] : memref<1000000x64xf32, #tpu.memory_space<hbm>> -> memref<1000000x64xf32, #tpu.memory_space<hbm>>
    tpu.enqueue_indirect_dma source(%dma_start3A_157 : memref<1000000x64xf32, #tpu.memory_space<hbm>>) target(%dma_start3A_151 : memref<50x64xf32, #tpu.memory_space<vmem>>) offsets(%dma_start3A_154 : memref<50xi32, #tpu.memory_space<vmem>>) semaphore(%arg13 : memref<!tpu.dma_semaphore, #tpu.memory_space<semaphore_mem>>)
    %dma_start3A_158 = arith.constant 13 : i32
    %dma_start3A_159 = arith.constant 13 : i32
    %dma_start3A_160 = arith.constant 0 : i32
    %dma_start3A_161 = arith.constant 0 : i32
    %dma_start3A_162 = tpu.memref_slice %arg6[%dma_start3A_159, %dma_start3A_160, %dma_start3A_161] : memref<16x50x64xf32, #tpu.memory_space<vmem>> -> memref<1x50x64xf32, #tpu.memory_space<vmem>>
    %dma_start3A_163 = tpu.memref_squeeze %dma_start3A_162 : memref<1x50x64xf32, #tpu.memory_space<vmem>> -> memref<50x64xf32, #tpu.memory_space<vmem>>
    %dma_start3A_164 = arith.constant 0 : i32
    %dma_start3A_165 = tpu.memref_slice %arg5[%dma_start3A_158, %dma_start3A_164] : memref<512x50xi32, #tpu.memory_space<vmem>> -> memref<1x50xi32, #tpu.memory_space<vmem>>
    %dma_start3A_166 = tpu.memref_squeeze %dma_start3A_165 : memref<1x50xi32, #tpu.memory_space<vmem>> -> memref<50xi32, #tpu.memory_space<vmem>>
    %dma_start3A_167 = arith.constant 0 : i32
    %dma_start3A_168 = arith.constant 0 : i32
    %dma_start3A_169 = tpu.memref_slice %arg2[%dma_start3A_167, %dma_start3A_168] : memref<1000000x64xf32, #tpu.memory_space<hbm>> -> memref<1000000x64xf32, #tpu.memory_space<hbm>>
    tpu.enqueue_indirect_dma source(%dma_start3A_169 : memref<1000000x64xf32, #tpu.memory_space<hbm>>) target(%dma_start3A_163 : memref<50x64xf32, #tpu.memory_space<vmem>>) offsets(%dma_start3A_166 : memref<50xi32, #tpu.memory_space<vmem>>) semaphore(%arg13 : memref<!tpu.dma_semaphore, #tpu.memory_space<semaphore_mem>>)
    %dma_start3A_170 = arith.constant 14 : i32
    %dma_start3A_171 = arith.constant 14 : i32
    %dma_start3A_172 = arith.constant 0 : i32
    %dma_start3A_173 = arith.constant 0 : i32
    %dma_start3A_174 = tpu.memref_slice %arg6[%dma_start3A_171, %dma_start3A_172, %dma_start3A_173] : memref<16x50x64xf32, #tpu.memory_space<vmem>> -> memref<1x50x64xf32, #tpu.memory_space<vmem>>
    %dma_start3A_175 = tpu.memref_squeeze %dma_start3A_174 : memref<1x50x64xf32, #tpu.memory_space<vmem>> -> memref<50x64xf32, #tpu.memory_space<vmem>>
    %dma_start3A_176 = arith.constant 0 : i32
    %dma_start3A_177 = tpu.memref_slice %arg5[%dma_start3A_170, %dma_start3A_176] : memref<512x50xi32, #tpu.memory_space<vmem>> -> memref<1x50xi32, #tpu.memory_space<vmem>>
    %dma_start3A_178 = tpu.memref_squeeze %dma_start3A_177 : memref<1x50xi32, #tpu.memory_space<vmem>> -> memref<50xi32, #tpu.memory_space<vmem>>
    %dma_start3A_179 = arith.constant 0 : i32
    %dma_start3A_180 = arith.constant 0 : i32
    %dma_start3A_181 = tpu.memref_slice %arg2[%dma_start3A_179, %dma_start3A_180] : memref<1000000x64xf32, #tpu.memory_space<hbm>> -> memref<1000000x64xf32, #tpu.memory_space<hbm>>
    tpu.enqueue_indirect_dma source(%dma_start3A_181 : memref<1000000x64xf32, #tpu.memory_space<hbm>>) target(%dma_start3A_175 : memref<50x64xf32, #tpu.memory_space<vmem>>) offsets(%dma_start3A_178 : memref<50xi32, #tpu.memory_space<vmem>>) semaphore(%arg14 : memref<!tpu.dma_semaphore, #tpu.memory_space<semaphore_mem>>)
    %dma_start3A_182 = arith.constant 15 : i32
    %dma_start3A_183 = arith.constant 15 : i32
    %dma_start3A_184 = arith.constant 0 : i32
    %dma_start3A_185 = arith.constant 0 : i32
    %dma_start3A_186 = tpu.memref_slice %arg6[%dma_start3A_183, %dma_start3A_184, %dma_start3A_185] : memref<16x50x64xf32, #tpu.memory_space<vmem>> -> memref<1x50x64xf32, #tpu.memory_space<vmem>>
    %dma_start3A_187 = tpu.memref_squeeze %dma_start3A_186 : memref<1x50x64xf32, #tpu.memory_space<vmem>> -> memref<50x64xf32, #tpu.memory_space<vmem>>
    %dma_start3A_188 = arith.constant 0 : i32
    %dma_start3A_189 = tpu.memref_slice %arg5[%dma_start3A_182, %dma_start3A_188] : memref<512x50xi32, #tpu.memory_space<vmem>> -> memref<1x50xi32, #tpu.memory_space<vmem>>
    %dma_start3A_190 = tpu.memref_squeeze %dma_start3A_189 : memref<1x50xi32, #tpu.memory_space<vmem>> -> memref<50xi32, #tpu.memory_space<vmem>>
    %dma_start3A_191 = arith.constant 0 : i32
    %dma_start3A_192 = arith.constant 0 : i32
    %dma_start3A_193 = tpu.memref_slice %arg2[%dma_start3A_191, %dma_start3A_192] : memref<1000000x64xf32, #tpu.memory_space<hbm>> -> memref<1000000x64xf32, #tpu.memory_space<hbm>>
    tpu.enqueue_indirect_dma source(%dma_start3A_193 : memref<1000000x64xf32, #tpu.memory_space<hbm>>) target(%dma_start3A_187 : memref<50x64xf32, #tpu.memory_space<vmem>>) offsets(%dma_start3A_190 : memref<50xi32, #tpu.memory_space<vmem>>) semaphore(%arg14 : memref<!tpu.dma_semaphore, #tpu.memory_space<semaphore_mem>>)
    %scan3A = arith.constant 0 : i32
    %scan3A_194 = arith.constant 0 : i32
    %scan3A_195 = arith.constant 31 : i32
    %scan3A_196 = arith.addi %scan3A_194, %scan3A_195 : i32
    %scan3A_197 = arith.constant 1 : i32
    scf.for %scan3A_646 = %scan3A_194 to %scan3A_196 step %scan3A_197  : i32 {
      %mul3A_647 = arith.constant 8 : i32
      %mul3A_648 = arith.muli %scan3A_646, %mul3A_647 : i32
      %add3A_649 = arith.constant 0 : i32
      %add3A_650 = arith.addi %mul3A_648, %add3A_649 : i32
      %mul3A_651 = arith.constant 2 : i32
      %mul3A_652 = arith.muli %add3A_650, %mul3A_651 : i32
      %add3A_653 = arith.constant 0 : i32
      %add3A_654 = arith.addi %mul3A_652, %add3A_653 : i32
      %dma_wait3A_655 = arith.constant 0 : i32
      %dma_wait3A_656 = arith.constant 0 : i32
      %dma_wait3A_657 = arith.constant 0 : i32
      %dma_wait3A_658 = tpu.memref_slice %arg6[%dma_wait3A_655, %dma_wait3A_656, %dma_wait3A_657] : memref<16x50x64xf32, #tpu.memory_space<vmem>> -> memref<1x50x64xf32, #tpu.memory_space<vmem>>
      %dma_wait3A_659 = tpu.memref_squeeze %dma_wait3A_658 : memref<1x50x64xf32, #tpu.memory_space<vmem>> -> memref<50x64xf32, #tpu.memory_space<vmem>>
      %dma_wait3A_660 = arith.constant 0 : i32
      %dma_wait3A_661 = tpu.memref_slice %arg5[%add3A_654, %dma_wait3A_660] : memref<512x50xi32, #tpu.memory_space<vmem>> -> memref<1x50xi32, #tpu.memory_space<vmem>>
      %dma_wait3A_662 = tpu.memref_squeeze %dma_wait3A_661 : memref<1x50xi32, #tpu.memory_space<vmem>> -> memref<50xi32, #tpu.memory_space<vmem>>
      %dma_wait3A_663 = arith.constant 0 : i32
      %dma_wait3A_664 = arith.constant 0 : i32
      %dma_wait3A_665 = tpu.memref_slice %arg2[%dma_wait3A_663, %dma_wait3A_664] : memref<1000000x64xf32, #tpu.memory_space<hbm>> -> memref<1000000x64xf32, #tpu.memory_space<hbm>>
      tpu.wait_indirect_dma semaphore(%arg7 : memref<!tpu.dma_semaphore, #tpu.memory_space<semaphore_mem>>) src(%dma_wait3A_665 : memref<1000000x64xf32, #tpu.memory_space<hbm>>) dst(%dma_wait3A_659 : memref<50x64xf32, #tpu.memory_space<vmem>>)
      %mul3A_666 = arith.constant 2 : i32
      %mul3A_667 = arith.muli %add3A_650, %mul3A_666 : i32
      %add3A_668 = arith.constant 1 : i32
      %add3A_669 = arith.addi %mul3A_667, %add3A_668 : i32
      %dma_wait3A_670 = arith.constant 1 : i32
      %dma_wait3A_671 = arith.constant 0 : i32
      %dma_wait3A_672 = arith.constant 0 : i32
      %dma_wait3A_673 = tpu.memref_slice %arg6[%dma_wait3A_670, %dma_wait3A_671, %dma_wait3A_672] : memref<16x50x64xf32, #tpu.memory_space<vmem>> -> memref<1x50x64xf32, #tpu.memory_space<vmem>>
      %dma_wait3A_674 = tpu.memref_squeeze %dma_wait3A_673 : memref<1x50x64xf32, #tpu.memory_space<vmem>> -> memref<50x64xf32, #tpu.memory_space<vmem>>
      %dma_wait3A_675 = arith.constant 0 : i32
      %dma_wait3A_676 = tpu.memref_slice %arg5[%add3A_669, %dma_wait3A_675] : memref<512x50xi32, #tpu.memory_space<vmem>> -> memref<1x50xi32, #tpu.memory_space<vmem>>
      %dma_wait3A_677 = tpu.memref_squeeze %dma_wait3A_676 : memref<1x50xi32, #tpu.memory_space<vmem>> -> memref<50xi32, #tpu.memory_space<vmem>>
      %dma_wait3A_678 = arith.constant 0 : i32
      %dma_wait3A_679 = arith.constant 0 : i32
      %dma_wait3A_680 = tpu.memref_slice %arg2[%dma_wait3A_678, %dma_wait3A_679] : memref<1000000x64xf32, #tpu.memory_space<hbm>> -> memref<1000000x64xf32, #tpu.memory_space<hbm>>
      tpu.wait_indirect_dma semaphore(%arg7 : memref<!tpu.dma_semaphore, #tpu.memory_space<semaphore_mem>>) src(%dma_wait3A_680 : memref<1000000x64xf32, #tpu.memory_space<hbm>>) dst(%dma_wait3A_674 : memref<50x64xf32, #tpu.memory_space<vmem>>)
      %mul3A_681 = arith.constant 2 : i32
      %mul3A_682 = arith.muli %add3A_650, %mul3A_681 : i32
      %add3A_683 = arith.addi %mul3A_2, %mul3A_682 : i32
      %dma_start3A_684 = arith.constant 0 : i32
      %dma_start3A_685 = arith.constant 0 : i32
      %dma_start3A_686 = arith.constant 0 : i32
      %dma_start3A_687 = tpu.memref_slice %arg6[%dma_start3A_684, %dma_start3A_685, %dma_start3A_686] : memref<16x50x64xf32, #tpu.memory_space<vmem>> -> memref<2x50x64xf32, #tpu.memory_space<vmem>>
      %dma_start3A_688 = arith.constant 0 : i32
      %dma_start3A_689 = arith.constant 0 : i32
      %dma_start3A_690 = tpu.memref_slice %arg4[%add3A_683, %dma_start3A_688, %dma_start3A_689] : memref<16384x50x64xf32, #tpu.memory_space<hbm>> -> memref<2x50x64xf32, #tpu.memory_space<hbm>>
      %dma_start3A_691 = arith.constant 0 : i32
      %dma_start3A_692 = arith.constant 0 : i32
      %dma_start3A_693 = tpu.memref_slice %arg4[%add3A_683, %dma_start3A_691, %dma_start3A_692] : memref<16384x50x64xf32, #tpu.memory_space<hbm>> -> memref<2x50x64xf32, #tpu.memory_space<hbm>>
      %dma_start3A_694 = arith.constant 0 : i32
      %dma_start3A_695 = arith.constant 0 : i32
      %dma_start3A_696 = arith.constant 0 : i32
      %dma_start3A_697 = tpu.memref_slice %arg6[%dma_start3A_694, %dma_start3A_695, %dma_start3A_696] : memref<16x50x64xf32, #tpu.memory_space<vmem>> -> memref<2x50x64xf32, #tpu.memory_space<vmem>>
      tpu.enqueue_dma source(%dma_start3A_697 : memref<2x50x64xf32, #tpu.memory_space<vmem>>) target(%dma_start3A_693 : memref<2x50x64xf32, #tpu.memory_space<hbm>>) target_semaphore(%arg15 : memref<!tpu.dma_semaphore, #tpu.memory_space<semaphore_mem>>)
      %mul3A_698 = arith.constant 2 : i32
      %mul3A_699 = arith.muli %add3A_650, %mul3A_698 : i32
      %add3A_700 = arith.addi %mul3A_2, %mul3A_699 : i32
      %dma_wait3A_701 = arith.constant 0 : i32
      %dma_wait3A_702 = arith.constant 0 : i32
      %dma_wait3A_703 = arith.constant 0 : i32
      %dma_wait3A_704 = tpu.memref_slice %arg6[%dma_wait3A_701, %dma_wait3A_702, %dma_wait3A_703] : memref<16x50x64xf32, #tpu.memory_space<vmem>> -> memref<2x50x64xf32, #tpu.memory_space<vmem>>
      %dma_wait3A_705 = arith.constant 0 : i32
      %dma_wait3A_706 = arith.constant 0 : i32
      %dma_wait3A_707 = tpu.memref_slice %arg4[%add3A_700, %dma_wait3A_705, %dma_wait3A_706] : memref<16384x50x64xf32, #tpu.memory_space<hbm>> -> memref<2x50x64xf32, #tpu.memory_space<hbm>>
      %dma_wait3A_708 = arith.constant 0 : i32
      %dma_wait3A_709 = arith.constant 0 : i32
      %dma_wait3A_710 = tpu.memref_slice %arg4[%add3A_700, %dma_wait3A_708, %dma_wait3A_709] : memref<16384x50x64xf32, #tpu.memory_space<hbm>> -> memref<2x50x64xf32, #tpu.memory_space<hbm>>
      %dma_wait3A_711 = arith.constant 0 : i32
      %dma_wait3A_712 = arith.constant 0 : i32
      %dma_wait3A_713 = arith.constant 0 : i32
      %dma_wait3A_714 = tpu.memref_slice %arg6[%dma_wait3A_711, %dma_wait3A_712, %dma_wait3A_713] : memref<16x50x64xf32, #tpu.memory_space<vmem>> -> memref<2x50x64xf32, #tpu.memory_space<vmem>>
      tpu.wait_dma2 semaphore(%arg15 : memref<!tpu.dma_semaphore, #tpu.memory_space<semaphore_mem>>) src(%dma_wait3A_714 : memref<2x50x64xf32, #tpu.memory_space<vmem>>) dst(%dma_wait3A_710 : memref<2x50x64xf32, #tpu.memory_space<hbm>>)
      %add3A_715 = arith.constant 8 : i32
      %add3A_716 = arith.addi %add3A_650, %add3A_715 : i32
      %mul3A_717 = arith.constant 2 : i32
      %mul3A_718 = arith.muli %add3A_716, %mul3A_717 : i32
      %add3A_719 = arith.constant 0 : i32
      %add3A_720 = arith.addi %mul3A_718, %add3A_719 : i32
      %dma_start3A_721 = arith.constant 0 : i32
      %dma_start3A_722 = arith.constant 0 : i32
      %dma_start3A_723 = arith.constant 0 : i32
      %dma_start3A_724 = tpu.memref_slice %arg6[%dma_start3A_721, %dma_start3A_722, %dma_start3A_723] : memref<16x50x64xf32, #tpu.memory_space<vmem>> -> memref<1x50x64xf32, #tpu.memory_space<vmem>>
      %dma_start3A_725 = tpu.memref_squeeze %dma_start3A_724 : memref<1x50x64xf32, #tpu.memory_space<vmem>> -> memref<50x64xf32, #tpu.memory_space<vmem>>
      %dma_start3A_726 = arith.constant 0 : i32
      %dma_start3A_727 = tpu.memref_slice %arg5[%add3A_720, %dma_start3A_726] : memref<512x50xi32, #tpu.memory_space<vmem>> -> memref<1x50xi32, #tpu.memory_space<vmem>>
      %dma_start3A_728 = tpu.memref_squeeze %dma_start3A_727 : memref<1x50xi32, #tpu.memory_space<vmem>> -> memref<50xi32, #tpu.memory_space<vmem>>
      %dma_start3A_729 = arith.constant 0 : i32
      %dma_start3A_730 = arith.constant 0 : i32
      %dma_start3A_731 = tpu.memref_slice %arg2[%dma_start3A_729, %dma_start3A_730] : memref<1000000x64xf32, #tpu.memory_space<hbm>> -> memref<1000000x64xf32, #tpu.memory_space<hbm>>
      tpu.enqueue_indirect_dma source(%dma_start3A_731 : memref<1000000x64xf32, #tpu.memory_space<hbm>>) target(%dma_start3A_725 : memref<50x64xf32, #tpu.memory_space<vmem>>) offsets(%dma_start3A_728 : memref<50xi32, #tpu.memory_space<vmem>>) semaphore(%arg7 : memref<!tpu.dma_semaphore, #tpu.memory_space<semaphore_mem>>)
      %mul3A_732 = arith.constant 2 : i32
      %mul3A_733 = arith.muli %add3A_716, %mul3A_732 : i32
      %add3A_734 = arith.constant 1 : i32
      %add3A_735 = arith.addi %mul3A_733, %add3A_734 : i32
      %dma_start3A_736 = arith.constant 1 : i32
      %dma_start3A_737 = arith.constant 0 : i32
      %dma_start3A_738 = arith.constant 0 : i32
      %dma_start3A_739 = tpu.memref_slice %arg6[%dma_start3A_736, %dma_start3A_737, %dma_start3A_738] : memref<16x50x64xf32, #tpu.memory_space<vmem>> -> memref<1x50x64xf32, #tpu.memory_space<vmem>>
      %dma_start3A_740 = tpu.memref_squeeze %dma_start3A_739 : memref<1x50x64xf32, #tpu.memory_space<vmem>> -> memref<50x64xf32, #tpu.memory_space<vmem>>
      %dma_start3A_741 = arith.constant 0 : i32
      %dma_start3A_742 = tpu.memref_slice %arg5[%add3A_735, %dma_start3A_741] : memref<512x50xi32, #tpu.memory_space<vmem>> -> memref<1x50xi32, #tpu.memory_space<vmem>>
      %dma_start3A_743 = tpu.memref_squeeze %dma_start3A_742 : memref<1x50xi32, #tpu.memory_space<vmem>> -> memref<50xi32, #tpu.memory_space<vmem>>
      %dma_start3A_744 = arith.constant 0 : i32
      %dma_start3A_745 = arith.constant 0 : i32
      %dma_start3A_746 = tpu.memref_slice %arg2[%dma_start3A_744, %dma_start3A_745] : memref<1000000x64xf32, #tpu.memory_space<hbm>> -> memref<1000000x64xf32, #tpu.memory_space<hbm>>
      tpu.enqueue_indirect_dma source(%dma_start3A_746 : memref<1000000x64xf32, #tpu.memory_space<hbm>>) target(%dma_start3A_740 : memref<50x64xf32, #tpu.memory_space<vmem>>) offsets(%dma_start3A_743 : memref<50xi32, #tpu.memory_space<vmem>>) semaphore(%arg7 : memref<!tpu.dma_semaphore, #tpu.memory_space<semaphore_mem>>)
      %mul3A_747 = arith.constant 8 : i32
      %mul3A_748 = arith.muli %scan3A_646, %mul3A_747 : i32
      %add3A_749 = arith.constant 1 : i32
      %add3A_750 = arith.addi %mul3A_748, %add3A_749 : i32
      %mul3A_751 = arith.constant 2 : i32
      %mul3A_752 = arith.muli %add3A_750, %mul3A_751 : i32
      %add3A_753 = arith.constant 0 : i32
      %add3A_754 = arith.addi %mul3A_752, %add3A_753 : i32
      %dma_wait3A_755 = arith.constant 2 : i32
      %dma_wait3A_756 = arith.constant 0 : i32
      %dma_wait3A_757 = arith.constant 0 : i32
      %dma_wait3A_758 = tpu.memref_slice %arg6[%dma_wait3A_755, %dma_wait3A_756, %dma_wait3A_757] : memref<16x50x64xf32, #tpu.memory_space<vmem>> -> memref<1x50x64xf32, #tpu.memory_space<vmem>>
      %dma_wait3A_759 = tpu.memref_squeeze %dma_wait3A_758 : memref<1x50x64xf32, #tpu.memory_space<vmem>> -> memref<50x64xf32, #tpu.memory_space<vmem>>
      %dma_wait3A_760 = arith.constant 0 : i32
      %dma_wait3A_761 = tpu.memref_slice %arg5[%add3A_754, %dma_wait3A_760] : memref<512x50xi32, #tpu.memory_space<vmem>> -> memref<1x50xi32, #tpu.memory_space<vmem>>
      %dma_wait3A_762 = tpu.memref_squeeze %dma_wait3A_761 : memref<1x50xi32, #tpu.memory_space<vmem>> -> memref<50xi32, #tpu.memory_space<vmem>>
      %dma_wait3A_763 = arith.constant 0 : i32
      %dma_wait3A_764 = arith.constant 0 : i32
      %dma_wait3A_765 = tpu.memref_slice %arg2[%dma_wait3A_763, %dma_wait3A_764] : memref<1000000x64xf32, #tpu.memory_space<hbm>> -> memref<1000000x64xf32, #tpu.memory_space<hbm>>
      tpu.wait_indirect_dma semaphore(%arg8 : memref<!tpu.dma_semaphore, #tpu.memory_space<semaphore_mem>>) src(%dma_wait3A_765 : memref<1000000x64xf32, #tpu.memory_space<hbm>>) dst(%dma_wait3A_759 : memref<50x64xf32, #tpu.memory_space<vmem>>)
      %mul3A_766 = arith.constant 2 : i32
      %mul3A_767 = arith.muli %add3A_750, %mul3A_766 : i32
      %add3A_768 = arith.constant 1 : i32
      %add3A_769 = arith.addi %mul3A_767, %add3A_768 : i32
      %dma_wait3A_770 = arith.constant 3 : i32
      %dma_wait3A_771 = arith.constant 0 : i32
      %dma_wait3A_772 = arith.constant 0 : i32
      %dma_wait3A_773 = tpu.memref_slice %arg6[%dma_wait3A_770, %dma_wait3A_771, %dma_wait3A_772] : memref<16x50x64xf32, #tpu.memory_space<vmem>> -> memref<1x50x64xf32, #tpu.memory_space<vmem>>
      %dma_wait3A_774 = tpu.memref_squeeze %dma_wait3A_773 : memref<1x50x64xf32, #tpu.memory_space<vmem>> -> memref<50x64xf32, #tpu.memory_space<vmem>>
      %dma_wait3A_775 = arith.constant 0 : i32
      %dma_wait3A_776 = tpu.memref_slice %arg5[%add3A_769, %dma_wait3A_775] : memref<512x50xi32, #tpu.memory_space<vmem>> -> memref<1x50xi32, #tpu.memory_space<vmem>>
      %dma_wait3A_777 = tpu.memref_squeeze %dma_wait3A_776 : memref<1x50xi32, #tpu.memory_space<vmem>> -> memref<50xi32, #tpu.memory_space<vmem>>
      %dma_wait3A_778 = arith.constant 0 : i32
      %dma_wait3A_779 = arith.constant 0 : i32
      %dma_wait3A_780 = tpu.memref_slice %arg2[%dma_wait3A_778, %dma_wait3A_779] : memref<1000000x64xf32, #tpu.memory_space<hbm>> -> memref<1000000x64xf32, #tpu.memory_space<hbm>>
      tpu.wait_indirect_dma semaphore(%arg8 : memref<!tpu.dma_semaphore, #tpu.memory_space<semaphore_mem>>) src(%dma_wait3A_780 : memref<1000000x64xf32, #tpu.memory_space<hbm>>) dst(%dma_wait3A_774 : memref<50x64xf32, #tpu.memory_space<vmem>>)
      %mul3A_781 = arith.constant 2 : i32
      %mul3A_782 = arith.muli %add3A_750, %mul3A_781 : i32
      %add3A_783 = arith.addi %mul3A_2, %mul3A_782 : i32
      %dma_start3A_784 = arith.constant 2 : i32
      %dma_start3A_785 = arith.constant 0 : i32
      %dma_start3A_786 = arith.constant 0 : i32
      %dma_start3A_787 = tpu.memref_slice %arg6[%dma_start3A_784, %dma_start3A_785, %dma_start3A_786] : memref<16x50x64xf32, #tpu.memory_space<vmem>> -> memref<2x50x64xf32, #tpu.memory_space<vmem>>
      %dma_start3A_788 = arith.constant 0 : i32
      %dma_start3A_789 = arith.constant 0 : i32
      %dma_start3A_790 = tpu.memref_slice %arg4[%add3A_783, %dma_start3A_788, %dma_start3A_789] : memref<16384x50x64xf32, #tpu.memory_space<hbm>> -> memref<2x50x64xf32, #tpu.memory_space<hbm>>
      %dma_start3A_791 = arith.constant 0 : i32
      %dma_start3A_792 = arith.constant 0 : i32
      %dma_start3A_793 = tpu.memref_slice %arg4[%add3A_783, %dma_start3A_791, %dma_start3A_792] : memref<16384x50x64xf32, #tpu.memory_space<hbm>> -> memref<2x50x64xf32, #tpu.memory_space<hbm>>
      %dma_start3A_794 = arith.constant 2 : i32
      %dma_start3A_795 = arith.constant 0 : i32
      %dma_start3A_796 = arith.constant 0 : i32
      %dma_start3A_797 = tpu.memref_slice %arg6[%dma_start3A_794, %dma_start3A_795, %dma_start3A_796] : memref<16x50x64xf32, #tpu.memory_space<vmem>> -> memref<2x50x64xf32, #tpu.memory_space<vmem>>
      tpu.enqueue_dma source(%dma_start3A_797 : memref<2x50x64xf32, #tpu.memory_space<vmem>>) target(%dma_start3A_793 : memref<2x50x64xf32, #tpu.memory_space<hbm>>) target_semaphore(%arg16 : memref<!tpu.dma_semaphore, #tpu.memory_space<semaphore_mem>>)
      %mul3A_798 = arith.constant 2 : i32
      %mul3A_799 = arith.muli %add3A_750, %mul3A_798 : i32
      %add3A_800 = arith.addi %mul3A_2, %mul3A_799 : i32
      %dma_wait3A_801 = arith.constant 2 : i32
      %dma_wait3A_802 = arith.constant 0 : i32
      %dma_wait3A_803 = arith.constant 0 : i32
      %dma_wait3A_804 = tpu.memref_slice %arg6[%dma_wait3A_801, %dma_wait3A_802, %dma_wait3A_803] : memref<16x50x64xf32, #tpu.memory_space<vmem>> -> memref<2x50x64xf32, #tpu.memory_space<vmem>>
      %dma_wait3A_805 = arith.constant 0 : i32
      %dma_wait3A_806 = arith.constant 0 : i32
      %dma_wait3A_807 = tpu.memref_slice %arg4[%add3A_800, %dma_wait3A_805, %dma_wait3A_806] : memref<16384x50x64xf32, #tpu.memory_space<hbm>> -> memref<2x50x64xf32, #tpu.memory_space<hbm>>
      %dma_wait3A_808 = arith.constant 0 : i32
      %dma_wait3A_809 = arith.constant 0 : i32
      %dma_wait3A_810 = tpu.memref_slice %arg4[%add3A_800, %dma_wait3A_808, %dma_wait3A_809] : memref<16384x50x64xf32, #tpu.memory_space<hbm>> -> memref<2x50x64xf32, #tpu.memory_space<hbm>>
      %dma_wait3A_811 = arith.constant 2 : i32
      %dma_wait3A_812 = arith.constant 0 : i32
      %dma_wait3A_813 = arith.constant 0 : i32
      %dma_wait3A_814 = tpu.memref_slice %arg6[%dma_wait3A_811, %dma_wait3A_812, %dma_wait3A_813] : memref<16x50x64xf32, #tpu.memory_space<vmem>> -> memref<2x50x64xf32, #tpu.memory_space<vmem>>
      tpu.wait_dma2 semaphore(%arg16 : memref<!tpu.dma_semaphore, #tpu.memory_space<semaphore_mem>>) src(%dma_wait3A_814 : memref<2x50x64xf32, #tpu.memory_space<vmem>>) dst(%dma_wait3A_810 : memref<2x50x64xf32, #tpu.memory_space<hbm>>)
      %add3A_815 = arith.constant 8 : i32
      %add3A_816 = arith.addi %add3A_750, %add3A_815 : i32
      %mul3A_817 = arith.constant 2 : i32
      %mul3A_818 = arith.muli %add3A_816, %mul3A_817 : i32
      %add3A_819 = arith.constant 0 : i32
      %add3A_820 = arith.addi %mul3A_818, %add3A_819 : i32
      %dma_start3A_821 = arith.constant 2 : i32
      %dma_start3A_822 = arith.constant 0 : i32
      %dma_start3A_823 = arith.constant 0 : i32
      %dma_start3A_824 = tpu.memref_slice %arg6[%dma_start3A_821, %dma_start3A_822, %dma_start3A_823] : memref<16x50x64xf32, #tpu.memory_space<vmem>> -> memref<1x50x64xf32, #tpu.memory_space<vmem>>
      %dma_start3A_825 = tpu.memref_squeeze %dma_start3A_824 : memref<1x50x64xf32, #tpu.memory_space<vmem>> -> memref<50x64xf32, #tpu.memory_space<vmem>>
      %dma_start3A_826 = arith.constant 0 : i32
      %dma_start3A_827 = tpu.memref_slice %arg5[%add3A_820, %dma_start3A_826] : memref<512x50xi32, #tpu.memory_space<vmem>> -> memref<1x50xi32, #tpu.memory_space<vmem>>
      %dma_start3A_828 = tpu.memref_squeeze %dma_start3A_827 : memref<1x50xi32, #tpu.memory_space<vmem>> -> memref<50xi32, #tpu.memory_space<vmem>>
      %dma_start3A_829 = arith.constant 0 : i32
      %dma_start3A_830 = arith.constant 0 : i32
      %dma_start3A_831 = tpu.memref_slice %arg2[%dma_start3A_829, %dma_start3A_830] : memref<1000000x64xf32, #tpu.memory_space<hbm>> -> memref<1000000x64xf32, #tpu.memory_space<hbm>>
      tpu.enqueue_indirect_dma source(%dma_start3A_831 : memref<1000000x64xf32, #tpu.memory_space<hbm>>) target(%dma_start3A_825 : memref<50x64xf32, #tpu.memory_space<vmem>>) offsets(%dma_start3A_828 : memref<50xi32, #tpu.memory_space<vmem>>) semaphore(%arg8 : memref<!tpu.dma_semaphore, #tpu.memory_space<semaphore_mem>>)
      %mul3A_832 = arith.constant 2 : i32
      %mul3A_833 = arith.muli %add3A_816, %mul3A_832 : i32
      %add3A_834 = arith.constant 1 : i32
      %add3A_835 = arith.addi %mul3A_833, %add3A_834 : i32
      %dma_start3A_836 = arith.constant 3 : i32
      %dma_start3A_837 = arith.constant 0 : i32
      %dma_start3A_838 = arith.constant 0 : i32
      %dma_start3A_839 = tpu.memref_slice %arg6[%dma_start3A_836, %dma_start3A_837, %dma_start3A_838] : memref<16x50x64xf32, #tpu.memory_space<vmem>> -> memref<1x50x64xf32, #tpu.memory_space<vmem>>
      %dma_start3A_840 = tpu.memref_squeeze %dma_start3A_839 : memref<1x50x64xf32, #tpu.memory_space<vmem>> -> memref<50x64xf32, #tpu.memory_space<vmem>>
      %dma_start3A_841 = arith.constant 0 : i32
      %dma_start3A_842 = tpu.memref_slice %arg5[%add3A_835, %dma_start3A_841] : memref<512x50xi32, #tpu.memory_space<vmem>> -> memref<1x50xi32, #tpu.memory_space<vmem>>
      %dma_start3A_843 = tpu.memref_squeeze %dma_start3A_842 : memref<1x50xi32, #tpu.memory_space<vmem>> -> memref<50xi32, #tpu.memory_space<vmem>>
      %dma_start3A_844 = arith.constant 0 : i32
      %dma_start3A_845 = arith.constant 0 : i32
      %dma_start3A_846 = tpu.memref_slice %arg2[%dma_start3A_844, %dma_start3A_845] : memref<1000000x64xf32, #tpu.memory_space<hbm>> -> memref<1000000x64xf32, #tpu.memory_space<hbm>>
      tpu.enqueue_indirect_dma source(%dma_start3A_846 : memref<1000000x64xf32, #tpu.memory_space<hbm>>) target(%dma_start3A_840 : memref<50x64xf32, #tpu.memory_space<vmem>>) offsets(%dma_start3A_843 : memref<50xi32, #tpu.memory_space<vmem>>) semaphore(%arg8 : memref<!tpu.dma_semaphore, #tpu.memory_space<semaphore_mem>>)
      %mul3A_847 = arith.constant 8 : i32
      %mul3A_848 = arith.muli %scan3A_646, %mul3A_847 : i32
      %add3A_849 = arith.constant 2 : i32
      %add3A_850 = arith.addi %mul3A_848, %add3A_849 : i32
      %mul3A_851 = arith.constant 2 : i32
      %mul3A_852 = arith.muli %add3A_850, %mul3A_851 : i32
      %add3A_853 = arith.constant 0 : i32
      %add3A_854 = arith.addi %mul3A_852, %add3A_853 : i32
      %dma_wait3A_855 = arith.constant 4 : i32
      %dma_wait3A_856 = arith.constant 0 : i32
      %dma_wait3A_857 = arith.constant 0 : i32
      %dma_wait3A_858 = tpu.memref_slice %arg6[%dma_wait3A_855, %dma_wait3A_856, %dma_wait3A_857] : memref<16x50x64xf32, #tpu.memory_space<vmem>> -> memref<1x50x64xf32, #tpu.memory_space<vmem>>
      %dma_wait3A_859 = tpu.memref_squeeze %dma_wait3A_858 : memref<1x50x64xf32, #tpu.memory_space<vmem>> -> memref<50x64xf32, #tpu.memory_space<vmem>>
      %dma_wait3A_860 = arith.constant 0 : i32
      %dma_wait3A_861 = tpu.memref_slice %arg5[%add3A_854, %dma_wait3A_860] : memref<512x50xi32, #tpu.memory_space<vmem>> -> memref<1x50xi32, #tpu.memory_space<vmem>>
      %dma_wait3A_862 = tpu.memref_squeeze %dma_wait3A_861 : memref<1x50xi32, #tpu.memory_space<vmem>> -> memref<50xi32, #tpu.memory_space<vmem>>
      %dma_wait3A_863 = arith.constant 0 : i32
      %dma_wait3A_864 = arith.constant 0 : i32
      %dma_wait3A_865 = tpu.memref_slice %arg2[%dma_wait3A_863, %dma_wait3A_864] : memref<1000000x64xf32, #tpu.memory_space<hbm>> -> memref<1000000x64xf32, #tpu.memory_space<hbm>>
      tpu.wait_indirect_dma semaphore(%arg9 : memref<!tpu.dma_semaphore, #tpu.memory_space<semaphore_mem>>) src(%dma_wait3A_865 : memref<1000000x64xf32, #tpu.memory_space<hbm>>) dst(%dma_wait3A_859 : memref<50x64xf32, #tpu.memory_space<vmem>>)
      %mul3A_866 = arith.constant 2 : i32
      %mul3A_867 = arith.muli %add3A_850, %mul3A_866 : i32
      %add3A_868 = arith.constant 1 : i32
      %add3A_869 = arith.addi %mul3A_867, %add3A_868 : i32
      %dma_wait3A_870 = arith.constant 5 : i32
      %dma_wait3A_871 = arith.constant 0 : i32
      %dma_wait3A_872 = arith.constant 0 : i32
      %dma_wait3A_873 = tpu.memref_slice %arg6[%dma_wait3A_870, %dma_wait3A_871, %dma_wait3A_872] : memref<16x50x64xf32, #tpu.memory_space<vmem>> -> memref<1x50x64xf32, #tpu.memory_space<vmem>>
      %dma_wait3A_874 = tpu.memref_squeeze %dma_wait3A_873 : memref<1x50x64xf32, #tpu.memory_space<vmem>> -> memref<50x64xf32, #tpu.memory_space<vmem>>
      %dma_wait3A_875 = arith.constant 0 : i32
      %dma_wait3A_876 = tpu.memref_slice %arg5[%add3A_869, %dma_wait3A_875] : memref<512x50xi32, #tpu.memory_space<vmem>> -> memref<1x50xi32, #tpu.memory_space<vmem>>
      %dma_wait3A_877 = tpu.memref_squeeze %dma_wait3A_876 : memref<1x50xi32, #tpu.memory_space<vmem>> -> memref<50xi32, #tpu.memory_space<vmem>>
      %dma_wait3A_878 = arith.constant 0 : i32
      %dma_wait3A_879 = arith.constant 0 : i32
      %dma_wait3A_880 = tpu.memref_slice %arg2[%dma_wait3A_878, %dma_wait3A_879] : memref<1000000x64xf32, #tpu.memory_space<hbm>> -> memref<1000000x64xf32, #tpu.memory_space<hbm>>
      tpu.wait_indirect_dma semaphore(%arg9 : memref<!tpu.dma_semaphore, #tpu.memory_space<semaphore_mem>>) src(%dma_wait3A_880 : memref<1000000x64xf32, #tpu.memory_space<hbm>>) dst(%dma_wait3A_874 : memref<50x64xf32, #tpu.memory_space<vmem>>)
      %mul3A_881 = arith.constant 2 : i32
      %mul3A_882 = arith.muli %add3A_850, %mul3A_881 : i32
      %add3A_883 = arith.addi %mul3A_2, %mul3A_882 : i32
      %dma_start3A_884 = arith.constant 4 : i32
      %dma_start3A_885 = arith.constant 0 : i32
      %dma_start3A_886 = arith.constant 0 : i32
      %dma_start3A_887 = tpu.memref_slice %arg6[%dma_start3A_884, %dma_start3A_885, %dma_start3A_886] : memref<16x50x64xf32, #tpu.memory_space<vmem>> -> memref<2x50x64xf32, #tpu.memory_space<vmem>>
      %dma_start3A_888 = arith.constant 0 : i32
      %dma_start3A_889 = arith.constant 0 : i32
      %dma_start3A_890 = tpu.memref_slice %arg4[%add3A_883, %dma_start3A_888, %dma_start3A_889] : memref<16384x50x64xf32, #tpu.memory_space<hbm>> -> memref<2x50x64xf32, #tpu.memory_space<hbm>>
      %dma_start3A_891 = arith.constant 0 : i32
      %dma_start3A_892 = arith.constant 0 : i32
      %dma_start3A_893 = tpu.memref_slice %arg4[%add3A_883, %dma_start3A_891, %dma_start3A_892] : memref<16384x50x64xf32, #tpu.memory_space<hbm>> -> memref<2x50x64xf32, #tpu.memory_space<hbm>>
      %dma_start3A_894 = arith.constant 4 : i32
      %dma_start3A_895 = arith.constant 0 : i32
      %dma_start3A_896 = arith.constant 0 : i32
      %dma_start3A_897 = tpu.memref_slice %arg6[%dma_start3A_894, %dma_start3A_895, %dma_start3A_896] : memref<16x50x64xf32, #tpu.memory_space<vmem>> -> memref<2x50x64xf32, #tpu.memory_space<vmem>>
      tpu.enqueue_dma source(%dma_start3A_897 : memref<2x50x64xf32, #tpu.memory_space<vmem>>) target(%dma_start3A_893 : memref<2x50x64xf32, #tpu.memory_space<hbm>>) target_semaphore(%arg17 : memref<!tpu.dma_semaphore, #tpu.memory_space<semaphore_mem>>)
      %mul3A_898 = arith.constant 2 : i32
      %mul3A_899 = arith.muli %add3A_850, %mul3A_898 : i32
      %add3A_900 = arith.addi %mul3A_2, %mul3A_899 : i32
      %dma_wait3A_901 = arith.constant 4 : i32
      %dma_wait3A_902 = arith.constant 0 : i32
      %dma_wait3A_903 = arith.constant 0 : i32
      %dma_wait3A_904 = tpu.memref_slice %arg6[%dma_wait3A_901, %dma_wait3A_902, %dma_wait3A_903] : memref<16x50x64xf32, #tpu.memory_space<vmem>> -> memref<2x50x64xf32, #tpu.memory_space<vmem>>
      %dma_wait3A_905 = arith.constant 0 : i32
      %dma_wait3A_906 = arith.constant 0 : i32
      %dma_wait3A_907 = tpu.memref_slice %arg4[%add3A_900, %dma_wait3A_905, %dma_wait3A_906] : memref<16384x50x64xf32, #tpu.memory_space<hbm>> -> memref<2x50x64xf32, #tpu.memory_space<hbm>>
      %dma_wait3A_908 = arith.constant 0 : i32
      %dma_wait3A_909 = arith.constant 0 : i32
      %dma_wait3A_910 = tpu.memref_slice %arg4[%add3A_900, %dma_wait3A_908, %dma_wait3A_909] : memref<16384x50x64xf32, #tpu.memory_space<hbm>> -> memref<2x50x64xf32, #tpu.memory_space<hbm>>
      %dma_wait3A_911 = arith.constant 4 : i32
      %dma_wait3A_912 = arith.constant 0 : i32
      %dma_wait3A_913 = arith.constant 0 : i32
      %dma_wait3A_914 = tpu.memref_slice %arg6[%dma_wait3A_911, %dma_wait3A_912, %dma_wait3A_913] : memref<16x50x64xf32, #tpu.memory_space<vmem>> -> memref<2x50x64xf32, #tpu.memory_space<vmem>>
      tpu.wait_dma2 semaphore(%arg17 : memref<!tpu.dma_semaphore, #tpu.memory_space<semaphore_mem>>) src(%dma_wait3A_914 : memref<2x50x64xf32, #tpu.memory_space<vmem>>) dst(%dma_wait3A_910 : memref<2x50x64xf32, #tpu.memory_space<hbm>>)
      %add3A_915 = arith.constant 8 : i32
      %add3A_916 = arith.addi %add3A_850, %add3A_915 : i32
      %mul3A_917 = arith.constant 2 : i32
      %mul3A_918 = arith.muli %add3A_916, %mul3A_917 : i32
      %add3A_919 = arith.constant 0 : i32
      %add3A_920 = arith.addi %mul3A_918, %add3A_919 : i32
      %dma_start3A_921 = arith.constant 4 : i32
      %dma_start3A_922 = arith.constant 0 : i32
      %dma_start3A_923 = arith.constant 0 : i32
      %dma_start3A_924 = tpu.memref_slice %arg6[%dma_start3A_921, %dma_start3A_922, %dma_start3A_923] : memref<16x50x64xf32, #tpu.memory_space<vmem>> -> memref<1x50x64xf32, #tpu.memory_space<vmem>>
      %dma_start3A_925 = tpu.memref_squeeze %dma_start3A_924 : memref<1x50x64xf32, #tpu.memory_space<vmem>> -> memref<50x64xf32, #tpu.memory_space<vmem>>
      %dma_start3A_926 = arith.constant 0 : i32
      %dma_start3A_927 = tpu.memref_slice %arg5[%add3A_920, %dma_start3A_926] : memref<512x50xi32, #tpu.memory_space<vmem>> -> memref<1x50xi32, #tpu.memory_space<vmem>>
      %dma_start3A_928 = tpu.memref_squeeze %dma_start3A_927 : memref<1x50xi32, #tpu.memory_space<vmem>> -> memref<50xi32, #tpu.memory_space<vmem>>
      %dma_start3A_929 = arith.constant 0 : i32
      %dma_start3A_930 = arith.constant 0 : i32
      %dma_start3A_931 = tpu.memref_slice %arg2[%dma_start3A_929, %dma_start3A_930] : memref<1000000x64xf32, #tpu.memory_space<hbm>> -> memref<1000000x64xf32, #tpu.memory_space<hbm>>
      tpu.enqueue_indirect_dma source(%dma_start3A_931 : memref<1000000x64xf32, #tpu.memory_space<hbm>>) target(%dma_start3A_925 : memref<50x64xf32, #tpu.memory_space<vmem>>) offsets(%dma_start3A_928 : memref<50xi32, #tpu.memory_space<vmem>>) semaphore(%arg9 : memref<!tpu.dma_semaphore, #tpu.memory_space<semaphore_mem>>)
      %mul3A_932 = arith.constant 2 : i32
      %mul3A_933 = arith.muli %add3A_916, %mul3A_932 : i32
      %add3A_934 = arith.constant 1 : i32
      %add3A_935 = arith.addi %mul3A_933, %add3A_934 : i32
      %dma_start3A_936 = arith.constant 5 : i32
      %dma_start3A_937 = arith.constant 0 : i32
      %dma_start3A_938 = arith.constant 0 : i32
      %dma_start3A_939 = tpu.memref_slice %arg6[%dma_start3A_936, %dma_start3A_937, %dma_start3A_938] : memref<16x50x64xf32, #tpu.memory_space<vmem>> -> memref<1x50x64xf32, #tpu.memory_space<vmem>>
      %dma_start3A_940 = tpu.memref_squeeze %dma_start3A_939 : memref<1x50x64xf32, #tpu.memory_space<vmem>> -> memref<50x64xf32, #tpu.memory_space<vmem>>
      %dma_start3A_941 = arith.constant 0 : i32
      %dma_start3A_942 = tpu.memref_slice %arg5[%add3A_935, %dma_start3A_941] : memref<512x50xi32, #tpu.memory_space<vmem>> -> memref<1x50xi32, #tpu.memory_space<vmem>>
      %dma_start3A_943 = tpu.memref_squeeze %dma_start3A_942 : memref<1x50xi32, #tpu.memory_space<vmem>> -> memref<50xi32, #tpu.memory_space<vmem>>
      %dma_start3A_944 = arith.constant 0 : i32
      %dma_start3A_945 = arith.constant 0 : i32
      %dma_start3A_946 = tpu.memref_slice %arg2[%dma_start3A_944, %dma_start3A_945] : memref<1000000x64xf32, #tpu.memory_space<hbm>> -> memref<1000000x64xf32, #tpu.memory_space<hbm>>
      tpu.enqueue_indirect_dma source(%dma_start3A_946 : memref<1000000x64xf32, #tpu.memory_space<hbm>>) target(%dma_start3A_940 : memref<50x64xf32, #tpu.memory_space<vmem>>) offsets(%dma_start3A_943 : memref<50xi32, #tpu.memory_space<vmem>>) semaphore(%arg9 : memref<!tpu.dma_semaphore, #tpu.memory_space<semaphore_mem>>)
      %mul3A_947 = arith.constant 8 : i32
      %mul3A_948 = arith.muli %scan3A_646, %mul3A_947 : i32
      %add3A_949 = arith.constant 3 : i32
      %add3A_950 = arith.addi %mul3A_948, %add3A_949 : i32
      %mul3A_951 = arith.constant 2 : i32
      %mul3A_952 = arith.muli %add3A_950, %mul3A_951 : i32
      %add3A_953 = arith.constant 0 : i32
      %add3A_954 = arith.addi %mul3A_952, %add3A_953 : i32
      %dma_wait3A_955 = arith.constant 6 : i32
      %dma_wait3A_956 = arith.constant 0 : i32
      %dma_wait3A_957 = arith.constant 0 : i32
      %dma_wait3A_958 = tpu.memref_slice %arg6[%dma_wait3A_955, %dma_wait3A_956, %dma_wait3A_957] : memref<16x50x64xf32, #tpu.memory_space<vmem>> -> memref<1x50x64xf32, #tpu.memory_space<vmem>>
      %dma_wait3A_959 = tpu.memref_squeeze %dma_wait3A_958 : memref<1x50x64xf32, #tpu.memory_space<vmem>> -> memref<50x64xf32, #tpu.memory_space<vmem>>
      %dma_wait3A_960 = arith.constant 0 : i32
      %dma_wait3A_961 = tpu.memref_slice %arg5[%add3A_954, %dma_wait3A_960] : memref<512x50xi32, #tpu.memory_space<vmem>> -> memref<1x50xi32, #tpu.memory_space<vmem>>
      %dma_wait3A_962 = tpu.memref_squeeze %dma_wait3A_961 : memref<1x50xi32, #tpu.memory_space<vmem>> -> memref<50xi32, #tpu.memory_space<vmem>>
      %dma_wait3A_963 = arith.constant 0 : i32
      %dma_wait3A_964 = arith.constant 0 : i32
      %dma_wait3A_965 = tpu.memref_slice %arg2[%dma_wait3A_963, %dma_wait3A_964] : memref<1000000x64xf32, #tpu.memory_space<hbm>> -> memref<1000000x64xf32, #tpu.memory_space<hbm>>
      tpu.wait_indirect_dma semaphore(%arg10 : memref<!tpu.dma_semaphore, #tpu.memory_space<semaphore_mem>>) src(%dma_wait3A_965 : memref<1000000x64xf32, #tpu.memory_space<hbm>>) dst(%dma_wait3A_959 : memref<50x64xf32, #tpu.memory_space<vmem>>)
      %mul3A_966 = arith.constant 2 : i32
      %mul3A_967 = arith.muli %add3A_950, %mul3A_966 : i32
      %add3A_968 = arith.constant 1 : i32
      %add3A_969 = arith.addi %mul3A_967, %add3A_968 : i32
      %dma_wait3A_970 = arith.constant 7 : i32
      %dma_wait3A_971 = arith.constant 0 : i32
      %dma_wait3A_972 = arith.constant 0 : i32
      %dma_wait3A_973 = tpu.memref_slice %arg6[%dma_wait3A_970, %dma_wait3A_971, %dma_wait3A_972] : memref<16x50x64xf32, #tpu.memory_space<vmem>> -> memref<1x50x64xf32, #tpu.memory_space<vmem>>
      %dma_wait3A_974 = tpu.memref_squeeze %dma_wait3A_973 : memref<1x50x64xf32, #tpu.memory_space<vmem>> -> memref<50x64xf32, #tpu.memory_space<vmem>>
      %dma_wait3A_975 = arith.constant 0 : i32
      %dma_wait3A_976 = tpu.memref_slice %arg5[%add3A_969, %dma_wait3A_975] : memref<512x50xi32, #tpu.memory_space<vmem>> -> memref<1x50xi32, #tpu.memory_space<vmem>>
      %dma_wait3A_977 = tpu.memref_squeeze %dma_wait3A_976 : memref<1x50xi32, #tpu.memory_space<vmem>> -> memref<50xi32, #tpu.memory_space<vmem>>
      %dma_wait3A_978 = arith.constant 0 : i32
      %dma_wait3A_979 = arith.constant 0 : i32
      %dma_wait3A_980 = tpu.memref_slice %arg2[%dma_wait3A_978, %dma_wait3A_979] : memref<1000000x64xf32, #tpu.memory_space<hbm>> -> memref<1000000x64xf32, #tpu.memory_space<hbm>>
      tpu.wait_indirect_dma semaphore(%arg10 : memref<!tpu.dma_semaphore, #tpu.memory_space<semaphore_mem>>) src(%dma_wait3A_980 : memref<1000000x64xf32, #tpu.memory_space<hbm>>) dst(%dma_wait3A_974 : memref<50x64xf32, #tpu.memory_space<vmem>>)
      %mul3A_981 = arith.constant 2 : i32
      %mul3A_982 = arith.muli %add3A_950, %mul3A_981 : i32
      %add3A_983 = arith.addi %mul3A_2, %mul3A_982 : i32
      %dma_start3A_984 = arith.constant 6 : i32
      %dma_start3A_985 = arith.constant 0 : i32
      %dma_start3A_986 = arith.constant 0 : i32
      %dma_start3A_987 = tpu.memref_slice %arg6[%dma_start3A_984, %dma_start3A_985, %dma_start3A_986] : memref<16x50x64xf32, #tpu.memory_space<vmem>> -> memref<2x50x64xf32, #tpu.memory_space<vmem>>
      %dma_start3A_988 = arith.constant 0 : i32
      %dma_start3A_989 = arith.constant 0 : i32
      %dma_start3A_990 = tpu.memref_slice %arg4[%add3A_983, %dma_start3A_988, %dma_start3A_989] : memref<16384x50x64xf32, #tpu.memory_space<hbm>> -> memref<2x50x64xf32, #tpu.memory_space<hbm>>
      %dma_start3A_991 = arith.constant 0 : i32
      %dma_start3A_992 = arith.constant 0 : i32
      %dma_start3A_993 = tpu.memref_slice %arg4[%add3A_983, %dma_start3A_991, %dma_start3A_992] : memref<16384x50x64xf32, #tpu.memory_space<hbm>> -> memref<2x50x64xf32, #tpu.memory_space<hbm>>
      %dma_start3A_994 = arith.constant 6 : i32
      %dma_start3A_995 = arith.constant 0 : i32
      %dma_start3A_996 = arith.constant 0 : i32
      %dma_start3A_997 = tpu.memref_slice %arg6[%dma_start3A_994, %dma_start3A_995, %dma_start3A_996] : memref<16x50x64xf32, #tpu.memory_space<vmem>> -> memref<2x50x64xf32, #tpu.memory_space<vmem>>
      tpu.enqueue_dma source(%dma_start3A_997 : memref<2x50x64xf32, #tpu.memory_space<vmem>>) target(%dma_start3A_993 : memref<2x50x64xf32, #tpu.memory_space<hbm>>) target_semaphore(%arg18 : memref<!tpu.dma_semaphore, #tpu.memory_space<semaphore_mem>>)
      %mul3A_998 = arith.constant 2 : i32
      %mul3A_999 = arith.muli %add3A_950, %mul3A_998 : i32
      %add3A_1000 = arith.addi %mul3A_2, %mul3A_999 : i32
      %dma_wait3A_1001 = arith.constant 6 : i32
      %dma_wait3A_1002 = arith.constant 0 : i32
      %dma_wait3A_1003 = arith.constant 0 : i32
      %dma_wait3A_1004 = tpu.memref_slice %arg6[%dma_wait3A_1001, %dma_wait3A_1002, %dma_wait3A_1003] : memref<16x50x64xf32, #tpu.memory_space<vmem>> -> memref<2x50x64xf32, #tpu.memory_space<vmem>>
      %dma_wait3A_1005 = arith.constant 0 : i32
      %dma_wait3A_1006 = arith.constant 0 : i32
      %dma_wait3A_1007 = tpu.memref_slice %arg4[%add3A_1000, %dma_wait3A_1005, %dma_wait3A_1006] : memref<16384x50x64xf32, #tpu.memory_space<hbm>> -> memref<2x50x64xf32, #tpu.memory_space<hbm>>
      %dma_wait3A_1008 = arith.constant 0 : i32
      %dma_wait3A_1009 = arith.constant 0 : i32
      %dma_wait3A_1010 = tpu.memref_slice %arg4[%add3A_1000, %dma_wait3A_1008, %dma_wait3A_1009] : memref<16384x50x64xf32, #tpu.memory_space<hbm>> -> memref<2x50x64xf32, #tpu.memory_space<hbm>>
      %dma_wait3A_1011 = arith.constant 6 : i32
      %dma_wait3A_1012 = arith.constant 0 : i32
      %dma_wait3A_1013 = arith.constant 0 : i32
      %dma_wait3A_1014 = tpu.memref_slice %arg6[%dma_wait3A_1011, %dma_wait3A_1012, %dma_wait3A_1013] : memref<16x50x64xf32, #tpu.memory_space<vmem>> -> memref<2x50x64xf32, #tpu.memory_space<vmem>>
      tpu.wait_dma2 semaphore(%arg18 : memref<!tpu.dma_semaphore, #tpu.memory_space<semaphore_mem>>) src(%dma_wait3A_1014 : memref<2x50x64xf32, #tpu.memory_space<vmem>>) dst(%dma_wait3A_1010 : memref<2x50x64xf32, #tpu.memory_space<hbm>>)
      %add3A_1015 = arith.constant 8 : i32
      %add3A_1016 = arith.addi %add3A_950, %add3A_1015 : i32
      %mul3A_1017 = arith.constant 2 : i32
      %mul3A_1018 = arith.muli %add3A_1016, %mul3A_1017 : i32
      %add3A_1019 = arith.constant 0 : i32
      %add3A_1020 = arith.addi %mul3A_1018, %add3A_1019 : i32
      %dma_start3A_1021 = arith.constant 6 : i32
      %dma_start3A_1022 = arith.constant 0 : i32
      %dma_start3A_1023 = arith.constant 0 : i32
      %dma_start3A_1024 = tpu.memref_slice %arg6[%dma_start3A_1021, %dma_start3A_1022, %dma_start3A_1023] : memref<16x50x64xf32, #tpu.memory_space<vmem>> -> memref<1x50x64xf32, #tpu.memory_space<vmem>>
      %dma_start3A_1025 = tpu.memref_squeeze %dma_start3A_1024 : memref<1x50x64xf32, #tpu.memory_space<vmem>> -> memref<50x64xf32, #tpu.memory_space<vmem>>
      %dma_start3A_1026 = arith.constant 0 : i32
      %dma_start3A_1027 = tpu.memref_slice %arg5[%add3A_1020, %dma_start3A_1026] : memref<512x50xi32, #tpu.memory_space<vmem>> -> memref<1x50xi32, #tpu.memory_space<vmem>>
      %dma_start3A_1028 = tpu.memref_squeeze %dma_start3A_1027 : memref<1x50xi32, #tpu.memory_space<vmem>> -> memref<50xi32, #tpu.memory_space<vmem>>
      %dma_start3A_1029 = arith.constant 0 : i32
      %dma_start3A_1030 = arith.constant 0 : i32
      %dma_start3A_1031 = tpu.memref_slice %arg2[%dma_start3A_1029, %dma_start3A_1030] : memref<1000000x64xf32, #tpu.memory_space<hbm>> -> memref<1000000x64xf32, #tpu.memory_space<hbm>>
      tpu.enqueue_indirect_dma source(%dma_start3A_1031 : memref<1000000x64xf32, #tpu.memory_space<hbm>>) target(%dma_start3A_1025 : memref<50x64xf32, #tpu.memory_space<vmem>>) offsets(%dma_start3A_1028 : memref<50xi32, #tpu.memory_space<vmem>>) semaphore(%arg10 : memref<!tpu.dma_semaphore, #tpu.memory_space<semaphore_mem>>)
      %mul3A_1032 = arith.constant 2 : i32
      %mul3A_1033 = arith.muli %add3A_1016, %mul3A_1032 : i32
      %add3A_1034 = arith.constant 1 : i32
      %add3A_1035 = arith.addi %mul3A_1033, %add3A_1034 : i32
      %dma_start3A_1036 = arith.constant 7 : i32
      %dma_start3A_1037 = arith.constant 0 : i32
      %dma_start3A_1038 = arith.constant 0 : i32
      %dma_start3A_1039 = tpu.memref_slice %arg6[%dma_start3A_1036, %dma_start3A_1037, %dma_start3A_1038] : memref<16x50x64xf32, #tpu.memory_space<vmem>> -> memref<1x50x64xf32, #tpu.memory_space<vmem>>
      %dma_start3A_1040 = tpu.memref_squeeze %dma_start3A_1039 : memref<1x50x64xf32, #tpu.memory_space<vmem>> -> memref<50x64xf32, #tpu.memory_space<vmem>>
      %dma_start3A_1041 = arith.constant 0 : i32
      %dma_start3A_1042 = tpu.memref_slice %arg5[%add3A_1035, %dma_start3A_1041] : memref<512x50xi32, #tpu.memory_space<vmem>> -> memref<1x50xi32, #tpu.memory_space<vmem>>
      %dma_start3A_1043 = tpu.memref_squeeze %dma_start3A_1042 : memref<1x50xi32, #tpu.memory_space<vmem>> -> memref<50xi32, #tpu.memory_space<vmem>>
      %dma_start3A_1044 = arith.constant 0 : i32
      %dma_start3A_1045 = arith.constant 0 : i32
      %dma_start3A_1046 = tpu.memref_slice %arg2[%dma_start3A_1044, %dma_start3A_1045] : memref<1000000x64xf32, #tpu.memory_space<hbm>> -> memref<1000000x64xf32, #tpu.memory_space<hbm>>
      tpu.enqueue_indirect_dma source(%dma_start3A_1046 : memref<1000000x64xf32, #tpu.memory_space<hbm>>) target(%dma_start3A_1040 : memref<50x64xf32, #tpu.memory_space<vmem>>) offsets(%dma_start3A_1043 : memref<50xi32, #tpu.memory_space<vmem>>) semaphore(%arg10 : memref<!tpu.dma_semaphore, #tpu.memory_space<semaphore_mem>>)
      %mul3A_1047 = arith.constant 8 : i32
      %mul3A_1048 = arith.muli %scan3A_646, %mul3A_1047 : i32
      %add3A_1049 = arith.constant 4 : i32
      %add3A_1050 = arith.addi %mul3A_1048, %add3A_1049 : i32
      %mul3A_1051 = arith.constant 2 : i32
      %mul3A_1052 = arith.muli %add3A_1050, %mul3A_1051 : i32
      %add3A_1053 = arith.constant 0 : i32
      %add3A_1054 = arith.addi %mul3A_1052, %add3A_1053 : i32
      %dma_wait3A_1055 = arith.constant 8 : i32
      %dma_wait3A_1056 = arith.constant 0 : i32
      %dma_wait3A_1057 = arith.constant 0 : i32
      %dma_wait3A_1058 = tpu.memref_slice %arg6[%dma_wait3A_1055, %dma_wait3A_1056, %dma_wait3A_1057] : memref<16x50x64xf32, #tpu.memory_space<vmem>> -> memref<1x50x64xf32, #tpu.memory_space<vmem>>
      %dma_wait3A_1059 = tpu.memref_squeeze %dma_wait3A_1058 : memref<1x50x64xf32, #tpu.memory_space<vmem>> -> memref<50x64xf32, #tpu.memory_space<vmem>>
      %dma_wait3A_1060 = arith.constant 0 : i32
      %dma_wait3A_1061 = tpu.memref_slice %arg5[%add3A_1054, %dma_wait3A_1060] : memref<512x50xi32, #tpu.memory_space<vmem>> -> memref<1x50xi32, #tpu.memory_space<vmem>>
      %dma_wait3A_1062 = tpu.memref_squeeze %dma_wait3A_1061 : memref<1x50xi32, #tpu.memory_space<vmem>> -> memref<50xi32, #tpu.memory_space<vmem>>
      %dma_wait3A_1063 = arith.constant 0 : i32
      %dma_wait3A_1064 = arith.constant 0 : i32
      %dma_wait3A_1065 = tpu.memref_slice %arg2[%dma_wait3A_1063, %dma_wait3A_1064] : memref<1000000x64xf32, #tpu.memory_space<hbm>> -> memref<1000000x64xf32, #tpu.memory_space<hbm>>
      tpu.wait_indirect_dma semaphore(%arg11 : memref<!tpu.dma_semaphore, #tpu.memory_space<semaphore_mem>>) src(%dma_wait3A_1065 : memref<1000000x64xf32, #tpu.memory_space<hbm>>) dst(%dma_wait3A_1059 : memref<50x64xf32, #tpu.memory_space<vmem>>)
      %mul3A_1066 = arith.constant 2 : i32
      %mul3A_1067 = arith.muli %add3A_1050, %mul3A_1066 : i32
      %add3A_1068 = arith.constant 1 : i32
      %add3A_1069 = arith.addi %mul3A_1067, %add3A_1068 : i32
      %dma_wait3A_1070 = arith.constant 9 : i32
      %dma_wait3A_1071 = arith.constant 0 : i32
      %dma_wait3A_1072 = arith.constant 0 : i32
      %dma_wait3A_1073 = tpu.memref_slice %arg6[%dma_wait3A_1070, %dma_wait3A_1071, %dma_wait3A_1072] : memref<16x50x64xf32, #tpu.memory_space<vmem>> -> memref<1x50x64xf32, #tpu.memory_space<vmem>>
      %dma_wait3A_1074 = tpu.memref_squeeze %dma_wait3A_1073 : memref<1x50x64xf32, #tpu.memory_space<vmem>> -> memref<50x64xf32, #tpu.memory_space<vmem>>
      %dma_wait3A_1075 = arith.constant 0 : i32
      %dma_wait3A_1076 = tpu.memref_slice %arg5[%add3A_1069, %dma_wait3A_1075] : memref<512x50xi32, #tpu.memory_space<vmem>> -> memref<1x50xi32, #tpu.memory_space<vmem>>
      %dma_wait3A_1077 = tpu.memref_squeeze %dma_wait3A_1076 : memref<1x50xi32, #tpu.memory_space<vmem>> -> memref<50xi32, #tpu.memory_space<vmem>>
      %dma_wait3A_1078 = arith.constant 0 : i32
      %dma_wait3A_1079 = arith.constant 0 : i32
      %dma_wait3A_1080 = tpu.memref_slice %arg2[%dma_wait3A_1078, %dma_wait3A_1079] : memref<1000000x64xf32, #tpu.memory_space<hbm>> -> memref<1000000x64xf32, #tpu.memory_space<hbm>>
      tpu.wait_indirect_dma semaphore(%arg11 : memref<!tpu.dma_semaphore, #tpu.memory_space<semaphore_mem>>) src(%dma_wait3A_1080 : memref<1000000x64xf32, #tpu.memory_space<hbm>>) dst(%dma_wait3A_1074 : memref<50x64xf32, #tpu.memory_space<vmem>>)
      %mul3A_1081 = arith.constant 2 : i32
      %mul3A_1082 = arith.muli %add3A_1050, %mul3A_1081 : i32
      %add3A_1083 = arith.addi %mul3A_2, %mul3A_1082 : i32
      %dma_start3A_1084 = arith.constant 8 : i32
      %dma_start3A_1085 = arith.constant 0 : i32
      %dma_start3A_1086 = arith.constant 0 : i32
      %dma_start3A_1087 = tpu.memref_slice %arg6[%dma_start3A_1084, %dma_start3A_1085, %dma_start3A_1086] : memref<16x50x64xf32, #tpu.memory_space<vmem>> -> memref<2x50x64xf32, #tpu.memory_space<vmem>>
      %dma_start3A_1088 = arith.constant 0 : i32
      %dma_start3A_1089 = arith.constant 0 : i32
      %dma_start3A_1090 = tpu.memref_slice %arg4[%add3A_1083, %dma_start3A_1088, %dma_start3A_1089] : memref<16384x50x64xf32, #tpu.memory_space<hbm>> -> memref<2x50x64xf32, #tpu.memory_space<hbm>>
      %dma_start3A_1091 = arith.constant 0 : i32
      %dma_start3A_1092 = arith.constant 0 : i32
      %dma_start3A_1093 = tpu.memref_slice %arg4[%add3A_1083, %dma_start3A_1091, %dma_start3A_1092] : memref<16384x50x64xf32, #tpu.memory_space<hbm>> -> memref<2x50x64xf32, #tpu.memory_space<hbm>>
      %dma_start3A_1094 = arith.constant 8 : i32
      %dma_start3A_1095 = arith.constant 0 : i32
      %dma_start3A_1096 = arith.constant 0 : i32
      %dma_start3A_1097 = tpu.memref_slice %arg6[%dma_start3A_1094, %dma_start3A_1095, %dma_start3A_1096] : memref<16x50x64xf32, #tpu.memory_space<vmem>> -> memref<2x50x64xf32, #tpu.memory_space<vmem>>
      tpu.enqueue_dma source(%dma_start3A_1097 : memref<2x50x64xf32, #tpu.memory_space<vmem>>) target(%dma_start3A_1093 : memref<2x50x64xf32, #tpu.memory_space<hbm>>) target_semaphore(%arg19 : memref<!tpu.dma_semaphore, #tpu.memory_space<semaphore_mem>>)
      %mul3A_1098 = arith.constant 2 : i32
      %mul3A_1099 = arith.muli %add3A_1050, %mul3A_1098 : i32
      %add3A_1100 = arith.addi %mul3A_2, %mul3A_1099 : i32
      %dma_wait3A_1101 = arith.constant 8 : i32
      %dma_wait3A_1102 = arith.constant 0 : i32
      %dma_wait3A_1103 = arith.constant 0 : i32
      %dma_wait3A_1104 = tpu.memref_slice %arg6[%dma_wait3A_1101, %dma_wait3A_1102, %dma_wait3A_1103] : memref<16x50x64xf32, #tpu.memory_space<vmem>> -> memref<2x50x64xf32, #tpu.memory_space<vmem>>
      %dma_wait3A_1105 = arith.constant 0 : i32
      %dma_wait3A_1106 = arith.constant 0 : i32
      %dma_wait3A_1107 = tpu.memref_slice %arg4[%add3A_1100, %dma_wait3A_1105, %dma_wait3A_1106] : memref<16384x50x64xf32, #tpu.memory_space<hbm>> -> memref<2x50x64xf32, #tpu.memory_space<hbm>>
      %dma_wait3A_1108 = arith.constant 0 : i32
      %dma_wait3A_1109 = arith.constant 0 : i32
      %dma_wait3A_1110 = tpu.memref_slice %arg4[%add3A_1100, %dma_wait3A_1108, %dma_wait3A_1109] : memref<16384x50x64xf32, #tpu.memory_space<hbm>> -> memref<2x50x64xf32, #tpu.memory_space<hbm>>
      %dma_wait3A_1111 = arith.constant 8 : i32
      %dma_wait3A_1112 = arith.constant 0 : i32
      %dma_wait3A_1113 = arith.constant 0 : i32
      %dma_wait3A_1114 = tpu.memref_slice %arg6[%dma_wait3A_1111, %dma_wait3A_1112, %dma_wait3A_1113] : memref<16x50x64xf32, #tpu.memory_space<vmem>> -> memref<2x50x64xf32, #tpu.memory_space<vmem>>
      tpu.wait_dma2 semaphore(%arg19 : memref<!tpu.dma_semaphore, #tpu.memory_space<semaphore_mem>>) src(%dma_wait3A_1114 : memref<2x50x64xf32, #tpu.memory_space<vmem>>) dst(%dma_wait3A_1110 : memref<2x50x64xf32, #tpu.memory_space<hbm>>)
      %add3A_1115 = arith.constant 8 : i32
      %add3A_1116 = arith.addi %add3A_1050, %add3A_1115 : i32
      %mul3A_1117 = arith.constant 2 : i32
      %mul3A_1118 = arith.muli %add3A_1116, %mul3A_1117 : i32
      %add3A_1119 = arith.constant 0 : i32
      %add3A_1120 = arith.addi %mul3A_1118, %add3A_1119 : i32
      %dma_start3A_1121 = arith.constant 8 : i32
      %dma_start3A_1122 = arith.constant 0 : i32
      %dma_start3A_1123 = arith.constant 0 : i32
      %dma_start3A_1124 = tpu.memref_slice %arg6[%dma_start3A_1121, %dma_start3A_1122, %dma_start3A_1123] : memref<16x50x64xf32, #tpu.memory_space<vmem>> -> memref<1x50x64xf32, #tpu.memory_space<vmem>>
      %dma_start3A_1125 = tpu.memref_squeeze %dma_start3A_1124 : memref<1x50x64xf32, #tpu.memory_space<vmem>> -> memref<50x64xf32, #tpu.memory_space<vmem>>
      %dma_start3A_1126 = arith.constant 0 : i32
      %dma_start3A_1127 = tpu.memref_slice %arg5[%add3A_1120, %dma_start3A_1126] : memref<512x50xi32, #tpu.memory_space<vmem>> -> memref<1x50xi32, #tpu.memory_space<vmem>>
      %dma_start3A_1128 = tpu.memref_squeeze %dma_start3A_1127 : memref<1x50xi32, #tpu.memory_space<vmem>> -> memref<50xi32, #tpu.memory_space<vmem>>
      %dma_start3A_1129 = arith.constant 0 : i32
      %dma_start3A_1130 = arith.constant 0 : i32
      %dma_start3A_1131 = tpu.memref_slice %arg2[%dma_start3A_1129, %dma_start3A_1130] : memref<1000000x64xf32, #tpu.memory_space<hbm>> -> memref<1000000x64xf32, #tpu.memory_space<hbm>>
      tpu.enqueue_indirect_dma source(%dma_start3A_1131 : memref<1000000x64xf32, #tpu.memory_space<hbm>>) target(%dma_start3A_1125 : memref<50x64xf32, #tpu.memory_space<vmem>>) offsets(%dma_start3A_1128 : memref<50xi32, #tpu.memory_space<vmem>>) semaphore(%arg11 : memref<!tpu.dma_semaphore, #tpu.memory_space<semaphore_mem>>)
      %mul3A_1132 = arith.constant 2 : i32
      %mul3A_1133 = arith.muli %add3A_1116, %mul3A_1132 : i32
      %add3A_1134 = arith.constant 1 : i32
      %add3A_1135 = arith.addi %mul3A_1133, %add3A_1134 : i32
      %dma_start3A_1136 = arith.constant 9 : i32
      %dma_start3A_1137 = arith.constant 0 : i32
      %dma_start3A_1138 = arith.constant 0 : i32
      %dma_start3A_1139 = tpu.memref_slice %arg6[%dma_start3A_1136, %dma_start3A_1137, %dma_start3A_1138] : memref<16x50x64xf32, #tpu.memory_space<vmem>> -> memref<1x50x64xf32, #tpu.memory_space<vmem>>
      %dma_start3A_1140 = tpu.memref_squeeze %dma_start3A_1139 : memref<1x50x64xf32, #tpu.memory_space<vmem>> -> memref<50x64xf32, #tpu.memory_space<vmem>>
      %dma_start3A_1141 = arith.constant 0 : i32
      %dma_start3A_1142 = tpu.memref_slice %arg5[%add3A_1135, %dma_start3A_1141] : memref<512x50xi32, #tpu.memory_space<vmem>> -> memref<1x50xi32, #tpu.memory_space<vmem>>
      %dma_start3A_1143 = tpu.memref_squeeze %dma_start3A_1142 : memref<1x50xi32, #tpu.memory_space<vmem>> -> memref<50xi32, #tpu.memory_space<vmem>>
      %dma_start3A_1144 = arith.constant 0 : i32
      %dma_start3A_1145 = arith.constant 0 : i32
      %dma_start3A_1146 = tpu.memref_slice %arg2[%dma_start3A_1144, %dma_start3A_1145] : memref<1000000x64xf32, #tpu.memory_space<hbm>> -> memref<1000000x64xf32, #tpu.memory_space<hbm>>
      tpu.enqueue_indirect_dma source(%dma_start3A_1146 : memref<1000000x64xf32, #tpu.memory_space<hbm>>) target(%dma_start3A_1140 : memref<50x64xf32, #tpu.memory_space<vmem>>) offsets(%dma_start3A_1143 : memref<50xi32, #tpu.memory_space<vmem>>) semaphore(%arg11 : memref<!tpu.dma_semaphore, #tpu.memory_space<semaphore_mem>>)
      %mul3A_1147 = arith.constant 8 : i32
      %mul3A_1148 = arith.muli %scan3A_646, %mul3A_1147 : i32
      %add3A_1149 = arith.constant 5 : i32
      %add3A_1150 = arith.addi %mul3A_1148, %add3A_1149 : i32
      %mul3A_1151 = arith.constant 2 : i32
      %mul3A_1152 = arith.muli %add3A_1150, %mul3A_1151 : i32
      %add3A_1153 = arith.constant 0 : i32
      %add3A_1154 = arith.addi %mul3A_1152, %add3A_1153 : i32
      %dma_wait3A_1155 = arith.constant 10 : i32
      %dma_wait3A_1156 = arith.constant 0 : i32
      %dma_wait3A_1157 = arith.constant 0 : i32
      %dma_wait3A_1158 = tpu.memref_slice %arg6[%dma_wait3A_1155, %dma_wait3A_1156, %dma_wait3A_1157] : memref<16x50x64xf32, #tpu.memory_space<vmem>> -> memref<1x50x64xf32, #tpu.memory_space<vmem>>
      %dma_wait3A_1159 = tpu.memref_squeeze %dma_wait3A_1158 : memref<1x50x64xf32, #tpu.memory_space<vmem>> -> memref<50x64xf32, #tpu.memory_space<vmem>>
      %dma_wait3A_1160 = arith.constant 0 : i32
      %dma_wait3A_1161 = tpu.memref_slice %arg5[%add3A_1154, %dma_wait3A_1160] : memref<512x50xi32, #tpu.memory_space<vmem>> -> memref<1x50xi32, #tpu.memory_space<vmem>>
      %dma_wait3A_1162 = tpu.memref_squeeze %dma_wait3A_1161 : memref<1x50xi32, #tpu.memory_space<vmem>> -> memref<50xi32, #tpu.memory_space<vmem>>
      %dma_wait3A_1163 = arith.constant 0 : i32
      %dma_wait3A_1164 = arith.constant 0 : i32
      %dma_wait3A_1165 = tpu.memref_slice %arg2[%dma_wait3A_1163, %dma_wait3A_1164] : memref<1000000x64xf32, #tpu.memory_space<hbm>> -> memref<1000000x64xf32, #tpu.memory_space<hbm>>
      tpu.wait_indirect_dma semaphore(%arg12 : memref<!tpu.dma_semaphore, #tpu.memory_space<semaphore_mem>>) src(%dma_wait3A_1165 : memref<1000000x64xf32, #tpu.memory_space<hbm>>) dst(%dma_wait3A_1159 : memref<50x64xf32, #tpu.memory_space<vmem>>)
      %mul3A_1166 = arith.constant 2 : i32
      %mul3A_1167 = arith.muli %add3A_1150, %mul3A_1166 : i32
      %add3A_1168 = arith.constant 1 : i32
      %add3A_1169 = arith.addi %mul3A_1167, %add3A_1168 : i32
      %dma_wait3A_1170 = arith.constant 11 : i32
      %dma_wait3A_1171 = arith.constant 0 : i32
      %dma_wait3A_1172 = arith.constant 0 : i32
      %dma_wait3A_1173 = tpu.memref_slice %arg6[%dma_wait3A_1170, %dma_wait3A_1171, %dma_wait3A_1172] : memref<16x50x64xf32, #tpu.memory_space<vmem>> -> memref<1x50x64xf32, #tpu.memory_space<vmem>>
      %dma_wait3A_1174 = tpu.memref_squeeze %dma_wait3A_1173 : memref<1x50x64xf32, #tpu.memory_space<vmem>> -> memref<50x64xf32, #tpu.memory_space<vmem>>
      %dma_wait3A_1175 = arith.constant 0 : i32
      %dma_wait3A_1176 = tpu.memref_slice %arg5[%add3A_1169, %dma_wait3A_1175] : memref<512x50xi32, #tpu.memory_space<vmem>> -> memref<1x50xi32, #tpu.memory_space<vmem>>
      %dma_wait3A_1177 = tpu.memref_squeeze %dma_wait3A_1176 : memref<1x50xi32, #tpu.memory_space<vmem>> -> memref<50xi32, #tpu.memory_space<vmem>>
      %dma_wait3A_1178 = arith.constant 0 : i32
      %dma_wait3A_1179 = arith.constant 0 : i32
      %dma_wait3A_1180 = tpu.memref_slice %arg2[%dma_wait3A_1178, %dma_wait3A_1179] : memref<1000000x64xf32, #tpu.memory_space<hbm>> -> memref<1000000x64xf32, #tpu.memory_space<hbm>>
      tpu.wait_indirect_dma semaphore(%arg12 : memref<!tpu.dma_semaphore, #tpu.memory_space<semaphore_mem>>) src(%dma_wait3A_1180 : memref<1000000x64xf32, #tpu.memory_space<hbm>>) dst(%dma_wait3A_1174 : memref<50x64xf32, #tpu.memory_space<vmem>>)
      %mul3A_1181 = arith.constant 2 : i32
      %mul3A_1182 = arith.muli %add3A_1150, %mul3A_1181 : i32
      %add3A_1183 = arith.addi %mul3A_2, %mul3A_1182 : i32
      %dma_start3A_1184 = arith.constant 10 : i32
      %dma_start3A_1185 = arith.constant 0 : i32
      %dma_start3A_1186 = arith.constant 0 : i32
      %dma_start3A_1187 = tpu.memref_slice %arg6[%dma_start3A_1184, %dma_start3A_1185, %dma_start3A_1186] : memref<16x50x64xf32, #tpu.memory_space<vmem>> -> memref<2x50x64xf32, #tpu.memory_space<vmem>>
      %dma_start3A_1188 = arith.constant 0 : i32
      %dma_start3A_1189 = arith.constant 0 : i32
      %dma_start3A_1190 = tpu.memref_slice %arg4[%add3A_1183, %dma_start3A_1188, %dma_start3A_1189] : memref<16384x50x64xf32, #tpu.memory_space<hbm>> -> memref<2x50x64xf32, #tpu.memory_space<hbm>>
      %dma_start3A_1191 = arith.constant 0 : i32
      %dma_start3A_1192 = arith.constant 0 : i32
      %dma_start3A_1193 = tpu.memref_slice %arg4[%add3A_1183, %dma_start3A_1191, %dma_start3A_1192] : memref<16384x50x64xf32, #tpu.memory_space<hbm>> -> memref<2x50x64xf32, #tpu.memory_space<hbm>>
      %dma_start3A_1194 = arith.constant 10 : i32
      %dma_start3A_1195 = arith.constant 0 : i32
      %dma_start3A_1196 = arith.constant 0 : i32
      %dma_start3A_1197 = tpu.memref_slice %arg6[%dma_start3A_1194, %dma_start3A_1195, %dma_start3A_1196] : memref<16x50x64xf32, #tpu.memory_space<vmem>> -> memref<2x50x64xf32, #tpu.memory_space<vmem>>
      tpu.enqueue_dma source(%dma_start3A_1197 : memref<2x50x64xf32, #tpu.memory_space<vmem>>) target(%dma_start3A_1193 : memref<2x50x64xf32, #tpu.memory_space<hbm>>) target_semaphore(%arg20 : memref<!tpu.dma_semaphore, #tpu.memory_space<semaphore_mem>>)
      %mul3A_1198 = arith.constant 2 : i32
      %mul3A_1199 = arith.muli %add3A_1150, %mul3A_1198 : i32
      %add3A_1200 = arith.addi %mul3A_2, %mul3A_1199 : i32
      %dma_wait3A_1201 = arith.constant 10 : i32
      %dma_wait3A_1202 = arith.constant 0 : i32
      %dma_wait3A_1203 = arith.constant 0 : i32
      %dma_wait3A_1204 = tpu.memref_slice %arg6[%dma_wait3A_1201, %dma_wait3A_1202, %dma_wait3A_1203] : memref<16x50x64xf32, #tpu.memory_space<vmem>> -> memref<2x50x64xf32, #tpu.memory_space<vmem>>
      %dma_wait3A_1205 = arith.constant 0 : i32
      %dma_wait3A_1206 = arith.constant 0 : i32
      %dma_wait3A_1207 = tpu.memref_slice %arg4[%add3A_1200, %dma_wait3A_1205, %dma_wait3A_1206] : memref<16384x50x64xf32, #tpu.memory_space<hbm>> -> memref<2x50x64xf32, #tpu.memory_space<hbm>>
      %dma_wait3A_1208 = arith.constant 0 : i32
      %dma_wait3A_1209 = arith.constant 0 : i32
      %dma_wait3A_1210 = tpu.memref_slice %arg4[%add3A_1200, %dma_wait3A_1208, %dma_wait3A_1209] : memref<16384x50x64xf32, #tpu.memory_space<hbm>> -> memref<2x50x64xf32, #tpu.memory_space<hbm>>
      %dma_wait3A_1211 = arith.constant 10 : i32
      %dma_wait3A_1212 = arith.constant 0 : i32
      %dma_wait3A_1213 = arith.constant 0 : i32
      %dma_wait3A_1214 = tpu.memref_slice %arg6[%dma_wait3A_1211, %dma_wait3A_1212, %dma_wait3A_1213] : memref<16x50x64xf32, #tpu.memory_space<vmem>> -> memref<2x50x64xf32, #tpu.memory_space<vmem>>
      tpu.wait_dma2 semaphore(%arg20 : memref<!tpu.dma_semaphore, #tpu.memory_space<semaphore_mem>>) src(%dma_wait3A_1214 : memref<2x50x64xf32, #tpu.memory_space<vmem>>) dst(%dma_wait3A_1210 : memref<2x50x64xf32, #tpu.memory_space<hbm>>)
      %add3A_1215 = arith.constant 8 : i32
      %add3A_1216 = arith.addi %add3A_1150, %add3A_1215 : i32
      %mul3A_1217 = arith.constant 2 : i32
      %mul3A_1218 = arith.muli %add3A_1216, %mul3A_1217 : i32
      %add3A_1219 = arith.constant 0 : i32
      %add3A_1220 = arith.addi %mul3A_1218, %add3A_1219 : i32
      %dma_start3A_1221 = arith.constant 10 : i32
      %dma_start3A_1222 = arith.constant 0 : i32
      %dma_start3A_1223 = arith.constant 0 : i32
      %dma_start3A_1224 = tpu.memref_slice %arg6[%dma_start3A_1221, %dma_start3A_1222, %dma_start3A_1223] : memref<16x50x64xf32, #tpu.memory_space<vmem>> -> memref<1x50x64xf32, #tpu.memory_space<vmem>>
      %dma_start3A_1225 = tpu.memref_squeeze %dma_start3A_1224 : memref<1x50x64xf32, #tpu.memory_space<vmem>> -> memref<50x64xf32, #tpu.memory_space<vmem>>
      %dma_start3A_1226 = arith.constant 0 : i32
      %dma_start3A_1227 = tpu.memref_slice %arg5[%add3A_1220, %dma_start3A_1226] : memref<512x50xi32, #tpu.memory_space<vmem>> -> memref<1x50xi32, #tpu.memory_space<vmem>>
      %dma_start3A_1228 = tpu.memref_squeeze %dma_start3A_1227 : memref<1x50xi32, #tpu.memory_space<vmem>> -> memref<50xi32, #tpu.memory_space<vmem>>
      %dma_start3A_1229 = arith.constant 0 : i32
      %dma_start3A_1230 = arith.constant 0 : i32
      %dma_start3A_1231 = tpu.memref_slice %arg2[%dma_start3A_1229, %dma_start3A_1230] : memref<1000000x64xf32, #tpu.memory_space<hbm>> -> memref<1000000x64xf32, #tpu.memory_space<hbm>>
      tpu.enqueue_indirect_dma source(%dma_start3A_1231 : memref<1000000x64xf32, #tpu.memory_space<hbm>>) target(%dma_start3A_1225 : memref<50x64xf32, #tpu.memory_space<vmem>>) offsets(%dma_start3A_1228 : memref<50xi32, #tpu.memory_space<vmem>>) semaphore(%arg12 : memref<!tpu.dma_semaphore, #tpu.memory_space<semaphore_mem>>)
      %mul3A_1232 = arith.constant 2 : i32
      %mul3A_1233 = arith.muli %add3A_1216, %mul3A_1232 : i32
      %add3A_1234 = arith.constant 1 : i32
      %add3A_1235 = arith.addi %mul3A_1233, %add3A_1234 : i32
      %dma_start3A_1236 = arith.constant 11 : i32
      %dma_start3A_1237 = arith.constant 0 : i32
      %dma_start3A_1238 = arith.constant 0 : i32
      %dma_start3A_1239 = tpu.memref_slice %arg6[%dma_start3A_1236, %dma_start3A_1237, %dma_start3A_1238] : memref<16x50x64xf32, #tpu.memory_space<vmem>> -> memref<1x50x64xf32, #tpu.memory_space<vmem>>
      %dma_start3A_1240 = tpu.memref_squeeze %dma_start3A_1239 : memref<1x50x64xf32, #tpu.memory_space<vmem>> -> memref<50x64xf32, #tpu.memory_space<vmem>>
      %dma_start3A_1241 = arith.constant 0 : i32
      %dma_start3A_1242 = tpu.memref_slice %arg5[%add3A_1235, %dma_start3A_1241] : memref<512x50xi32, #tpu.memory_space<vmem>> -> memref<1x50xi32, #tpu.memory_space<vmem>>
      %dma_start3A_1243 = tpu.memref_squeeze %dma_start3A_1242 : memref<1x50xi32, #tpu.memory_space<vmem>> -> memref<50xi32, #tpu.memory_space<vmem>>
      %dma_start3A_1244 = arith.constant 0 : i32
      %dma_start3A_1245 = arith.constant 0 : i32
      %dma_start3A_1246 = tpu.memref_slice %arg2[%dma_start3A_1244, %dma_start3A_1245] : memref<1000000x64xf32, #tpu.memory_space<hbm>> -> memref<1000000x64xf32, #tpu.memory_space<hbm>>
      tpu.enqueue_indirect_dma source(%dma_start3A_1246 : memref<1000000x64xf32, #tpu.memory_space<hbm>>) target(%dma_start3A_1240 : memref<50x64xf32, #tpu.memory_space<vmem>>) offsets(%dma_start3A_1243 : memref<50xi32, #tpu.memory_space<vmem>>) semaphore(%arg12 : memref<!tpu.dma_semaphore, #tpu.memory_space<semaphore_mem>>)
      %mul3A_1247 = arith.constant 8 : i32
      %mul3A_1248 = arith.muli %scan3A_646, %mul3A_1247 : i32
      %add3A_1249 = arith.constant 6 : i32
      %add3A_1250 = arith.addi %mul3A_1248, %add3A_1249 : i32
      %mul3A_1251 = arith.constant 2 : i32
      %mul3A_1252 = arith.muli %add3A_1250, %mul3A_1251 : i32
      %add3A_1253 = arith.constant 0 : i32
      %add3A_1254 = arith.addi %mul3A_1252, %add3A_1253 : i32
      %dma_wait3A_1255 = arith.constant 12 : i32
      %dma_wait3A_1256 = arith.constant 0 : i32
      %dma_wait3A_1257 = arith.constant 0 : i32
      %dma_wait3A_1258 = tpu.memref_slice %arg6[%dma_wait3A_1255, %dma_wait3A_1256, %dma_wait3A_1257] : memref<16x50x64xf32, #tpu.memory_space<vmem>> -> memref<1x50x64xf32, #tpu.memory_space<vmem>>
      %dma_wait3A_1259 = tpu.memref_squeeze %dma_wait3A_1258 : memref<1x50x64xf32, #tpu.memory_space<vmem>> -> memref<50x64xf32, #tpu.memory_space<vmem>>
      %dma_wait3A_1260 = arith.constant 0 : i32
      %dma_wait3A_1261 = tpu.memref_slice %arg5[%add3A_1254, %dma_wait3A_1260] : memref<512x50xi32, #tpu.memory_space<vmem>> -> memref<1x50xi32, #tpu.memory_space<vmem>>
      %dma_wait3A_1262 = tpu.memref_squeeze %dma_wait3A_1261 : memref<1x50xi32, #tpu.memory_space<vmem>> -> memref<50xi32, #tpu.memory_space<vmem>>
      %dma_wait3A_1263 = arith.constant 0 : i32
      %dma_wait3A_1264 = arith.constant 0 : i32
      %dma_wait3A_1265 = tpu.memref_slice %arg2[%dma_wait3A_1263, %dma_wait3A_1264] : memref<1000000x64xf32, #tpu.memory_space<hbm>> -> memref<1000000x64xf32, #tpu.memory_space<hbm>>
      tpu.wait_indirect_dma semaphore(%arg13 : memref<!tpu.dma_semaphore, #tpu.memory_space<semaphore_mem>>) src(%dma_wait3A_1265 : memref<1000000x64xf32, #tpu.memory_space<hbm>>) dst(%dma_wait3A_1259 : memref<50x64xf32, #tpu.memory_space<vmem>>)
      %mul3A_1266 = arith.constant 2 : i32
      %mul3A_1267 = arith.muli %add3A_1250, %mul3A_1266 : i32
      %add3A_1268 = arith.constant 1 : i32
      %add3A_1269 = arith.addi %mul3A_1267, %add3A_1268 : i32
      %dma_wait3A_1270 = arith.constant 13 : i32
      %dma_wait3A_1271 = arith.constant 0 : i32
      %dma_wait3A_1272 = arith.constant 0 : i32
      %dma_wait3A_1273 = tpu.memref_slice %arg6[%dma_wait3A_1270, %dma_wait3A_1271, %dma_wait3A_1272] : memref<16x50x64xf32, #tpu.memory_space<vmem>> -> memref<1x50x64xf32, #tpu.memory_space<vmem>>
      %dma_wait3A_1274 = tpu.memref_squeeze %dma_wait3A_1273 : memref<1x50x64xf32, #tpu.memory_space<vmem>> -> memref<50x64xf32, #tpu.memory_space<vmem>>
      %dma_wait3A_1275 = arith.constant 0 : i32
      %dma_wait3A_1276 = tpu.memref_slice %arg5[%add3A_1269, %dma_wait3A_1275] : memref<512x50xi32, #tpu.memory_space<vmem>> -> memref<1x50xi32, #tpu.memory_space<vmem>>
      %dma_wait3A_1277 = tpu.memref_squeeze %dma_wait3A_1276 : memref<1x50xi32, #tpu.memory_space<vmem>> -> memref<50xi32, #tpu.memory_space<vmem>>
      %dma_wait3A_1278 = arith.constant 0 : i32
      %dma_wait3A_1279 = arith.constant 0 : i32
      %dma_wait3A_1280 = tpu.memref_slice %arg2[%dma_wait3A_1278, %dma_wait3A_1279] : memref<1000000x64xf32, #tpu.memory_space<hbm>> -> memref<1000000x64xf32, #tpu.memory_space<hbm>>
      tpu.wait_indirect_dma semaphore(%arg13 : memref<!tpu.dma_semaphore, #tpu.memory_space<semaphore_mem>>) src(%dma_wait3A_1280 : memref<1000000x64xf32, #tpu.memory_space<hbm>>) dst(%dma_wait3A_1274 : memref<50x64xf32, #tpu.memory_space<vmem>>)
      %mul3A_1281 = arith.constant 2 : i32
      %mul3A_1282 = arith.muli %add3A_1250, %mul3A_1281 : i32
      %add3A_1283 = arith.addi %mul3A_2, %mul3A_1282 : i32
      %dma_start3A_1284 = arith.constant 12 : i32
      %dma_start3A_1285 = arith.constant 0 : i32
      %dma_start3A_1286 = arith.constant 0 : i32
      %dma_start3A_1287 = tpu.memref_slice %arg6[%dma_start3A_1284, %dma_start3A_1285, %dma_start3A_1286] : memref<16x50x64xf32, #tpu.memory_space<vmem>> -> memref<2x50x64xf32, #tpu.memory_space<vmem>>
      %dma_start3A_1288 = arith.constant 0 : i32
      %dma_start3A_1289 = arith.constant 0 : i32
      %dma_start3A_1290 = tpu.memref_slice %arg4[%add3A_1283, %dma_start3A_1288, %dma_start3A_1289] : memref<16384x50x64xf32, #tpu.memory_space<hbm>> -> memref<2x50x64xf32, #tpu.memory_space<hbm>>
      %dma_start3A_1291 = arith.constant 0 : i32
      %dma_start3A_1292 = arith.constant 0 : i32
      %dma_start3A_1293 = tpu.memref_slice %arg4[%add3A_1283, %dma_start3A_1291, %dma_start3A_1292] : memref<16384x50x64xf32, #tpu.memory_space<hbm>> -> memref<2x50x64xf32, #tpu.memory_space<hbm>>
      %dma_start3A_1294 = arith.constant 12 : i32
      %dma_start3A_1295 = arith.constant 0 : i32
      %dma_start3A_1296 = arith.constant 0 : i32
      %dma_start3A_1297 = tpu.memref_slice %arg6[%dma_start3A_1294, %dma_start3A_1295, %dma_start3A_1296] : memref<16x50x64xf32, #tpu.memory_space<vmem>> -> memref<2x50x64xf32, #tpu.memory_space<vmem>>
      tpu.enqueue_dma source(%dma_start3A_1297 : memref<2x50x64xf32, #tpu.memory_space<vmem>>) target(%dma_start3A_1293 : memref<2x50x64xf32, #tpu.memory_space<hbm>>) target_semaphore(%arg21 : memref<!tpu.dma_semaphore, #tpu.memory_space<semaphore_mem>>)
      %mul3A_1298 = arith.constant 2 : i32
      %mul3A_1299 = arith.muli %add3A_1250, %mul3A_1298 : i32
      %add3A_1300 = arith.addi %mul3A_2, %mul3A_1299 : i32
      %dma_wait3A_1301 = arith.constant 12 : i32
      %dma_wait3A_1302 = arith.constant 0 : i32
      %dma_wait3A_1303 = arith.constant 0 : i32
      %dma_wait3A_1304 = tpu.memref_slice %arg6[%dma_wait3A_1301, %dma_wait3A_1302, %dma_wait3A_1303] : memref<16x50x64xf32, #tpu.memory_space<vmem>> -> memref<2x50x64xf32, #tpu.memory_space<vmem>>
      %dma_wait3A_1305 = arith.constant 0 : i32
      %dma_wait3A_1306 = arith.constant 0 : i32
      %dma_wait3A_1307 = tpu.memref_slice %arg4[%add3A_1300, %dma_wait3A_1305, %dma_wait3A_1306] : memref<16384x50x64xf32, #tpu.memory_space<hbm>> -> memref<2x50x64xf32, #tpu.memory_space<hbm>>
      %dma_wait3A_1308 = arith.constant 0 : i32
      %dma_wait3A_1309 = arith.constant 0 : i32
      %dma_wait3A_1310 = tpu.memref_slice %arg4[%add3A_1300, %dma_wait3A_1308, %dma_wait3A_1309] : memref<16384x50x64xf32, #tpu.memory_space<hbm>> -> memref<2x50x64xf32, #tpu.memory_space<hbm>>
      %dma_wait3A_1311 = arith.constant 12 : i32
      %dma_wait3A_1312 = arith.constant 0 : i32
      %dma_wait3A_1313 = arith.constant 0 : i32
      %dma_wait3A_1314 = tpu.memref_slice %arg6[%dma_wait3A_1311, %dma_wait3A_1312, %dma_wait3A_1313] : memref<16x50x64xf32, #tpu.memory_space<vmem>> -> memref<2x50x64xf32, #tpu.memory_space<vmem>>
      tpu.wait_dma2 semaphore(%arg21 : memref<!tpu.dma_semaphore, #tpu.memory_space<semaphore_mem>>) src(%dma_wait3A_1314 : memref<2x50x64xf32, #tpu.memory_space<vmem>>) dst(%dma_wait3A_1310 : memref<2x50x64xf32, #tpu.memory_space<hbm>>)
      %add3A_1315 = arith.constant 8 : i32
      %add3A_1316 = arith.addi %add3A_1250, %add3A_1315 : i32
      %mul3A_1317 = arith.constant 2 : i32
      %mul3A_1318 = arith.muli %add3A_1316, %mul3A_1317 : i32
      %add3A_1319 = arith.constant 0 : i32
      %add3A_1320 = arith.addi %mul3A_1318, %add3A_1319 : i32
      %dma_start3A_1321 = arith.constant 12 : i32
      %dma_start3A_1322 = arith.constant 0 : i32
      %dma_start3A_1323 = arith.constant 0 : i32
      %dma_start3A_1324 = tpu.memref_slice %arg6[%dma_start3A_1321, %dma_start3A_1322, %dma_start3A_1323] : memref<16x50x64xf32, #tpu.memory_space<vmem>> -> memref<1x50x64xf32, #tpu.memory_space<vmem>>
      %dma_start3A_1325 = tpu.memref_squeeze %dma_start3A_1324 : memref<1x50x64xf32, #tpu.memory_space<vmem>> -> memref<50x64xf32, #tpu.memory_space<vmem>>
      %dma_start3A_1326 = arith.constant 0 : i32
      %dma_start3A_1327 = tpu.memref_slice %arg5[%add3A_1320, %dma_start3A_1326] : memref<512x50xi32, #tpu.memory_space<vmem>> -> memref<1x50xi32, #tpu.memory_space<vmem>>
      %dma_start3A_1328 = tpu.memref_squeeze %dma_start3A_1327 : memref<1x50xi32, #tpu.memory_space<vmem>> -> memref<50xi32, #tpu.memory_space<vmem>>
      %dma_start3A_1329 = arith.constant 0 : i32
      %dma_start3A_1330 = arith.constant 0 : i32
      %dma_start3A_1331 = tpu.memref_slice %arg2[%dma_start3A_1329, %dma_start3A_1330] : memref<1000000x64xf32, #tpu.memory_space<hbm>> -> memref<1000000x64xf32, #tpu.memory_space<hbm>>
      tpu.enqueue_indirect_dma source(%dma_start3A_1331 : memref<1000000x64xf32, #tpu.memory_space<hbm>>) target(%dma_start3A_1325 : memref<50x64xf32, #tpu.memory_space<vmem>>) offsets(%dma_start3A_1328 : memref<50xi32, #tpu.memory_space<vmem>>) semaphore(%arg13 : memref<!tpu.dma_semaphore, #tpu.memory_space<semaphore_mem>>)
      %mul3A_1332 = arith.constant 2 : i32
      %mul3A_1333 = arith.muli %add3A_1316, %mul3A_1332 : i32
      %add3A_1334 = arith.constant 1 : i32
      %add3A_1335 = arith.addi %mul3A_1333, %add3A_1334 : i32
      %dma_start3A_1336 = arith.constant 13 : i32
      %dma_start3A_1337 = arith.constant 0 : i32
      %dma_start3A_1338 = arith.constant 0 : i32
      %dma_start3A_1339 = tpu.memref_slice %arg6[%dma_start3A_1336, %dma_start3A_1337, %dma_start3A_1338] : memref<16x50x64xf32, #tpu.memory_space<vmem>> -> memref<1x50x64xf32, #tpu.memory_space<vmem>>
      %dma_start3A_1340 = tpu.memref_squeeze %dma_start3A_1339 : memref<1x50x64xf32, #tpu.memory_space<vmem>> -> memref<50x64xf32, #tpu.memory_space<vmem>>
      %dma_start3A_1341 = arith.constant 0 : i32
      %dma_start3A_1342 = tpu.memref_slice %arg5[%add3A_1335, %dma_start3A_1341] : memref<512x50xi32, #tpu.memory_space<vmem>> -> memref<1x50xi32, #tpu.memory_space<vmem>>
      %dma_start3A_1343 = tpu.memref_squeeze %dma_start3A_1342 : memref<1x50xi32, #tpu.memory_space<vmem>> -> memref<50xi32, #tpu.memory_space<vmem>>
      %dma_start3A_1344 = arith.constant 0 : i32
      %dma_start3A_1345 = arith.constant 0 : i32
      %dma_start3A_1346 = tpu.memref_slice %arg2[%dma_start3A_1344, %dma_start3A_1345] : memref<1000000x64xf32, #tpu.memory_space<hbm>> -> memref<1000000x64xf32, #tpu.memory_space<hbm>>
      tpu.enqueue_indirect_dma source(%dma_start3A_1346 : memref<1000000x64xf32, #tpu.memory_space<hbm>>) target(%dma_start3A_1340 : memref<50x64xf32, #tpu.memory_space<vmem>>) offsets(%dma_start3A_1343 : memref<50xi32, #tpu.memory_space<vmem>>) semaphore(%arg13 : memref<!tpu.dma_semaphore, #tpu.memory_space<semaphore_mem>>)
      %mul3A_1347 = arith.constant 8 : i32
      %mul3A_1348 = arith.muli %scan3A_646, %mul3A_1347 : i32
      %add3A_1349 = arith.constant 7 : i32
      %add3A_1350 = arith.addi %mul3A_1348, %add3A_1349 : i32
      %mul3A_1351 = arith.constant 2 : i32
      %mul3A_1352 = arith.muli %add3A_1350, %mul3A_1351 : i32
      %add3A_1353 = arith.constant 0 : i32
      %add3A_1354 = arith.addi %mul3A_1352, %add3A_1353 : i32
      %dma_wait3A_1355 = arith.constant 14 : i32
      %dma_wait3A_1356 = arith.constant 0 : i32
      %dma_wait3A_1357 = arith.constant 0 : i32
      %dma_wait3A_1358 = tpu.memref_slice %arg6[%dma_wait3A_1355, %dma_wait3A_1356, %dma_wait3A_1357] : memref<16x50x64xf32, #tpu.memory_space<vmem>> -> memref<1x50x64xf32, #tpu.memory_space<vmem>>
      %dma_wait3A_1359 = tpu.memref_squeeze %dma_wait3A_1358 : memref<1x50x64xf32, #tpu.memory_space<vmem>> -> memref<50x64xf32, #tpu.memory_space<vmem>>
      %dma_wait3A_1360 = arith.constant 0 : i32
      %dma_wait3A_1361 = tpu.memref_slice %arg5[%add3A_1354, %dma_wait3A_1360] : memref<512x50xi32, #tpu.memory_space<vmem>> -> memref<1x50xi32, #tpu.memory_space<vmem>>
      %dma_wait3A_1362 = tpu.memref_squeeze %dma_wait3A_1361 : memref<1x50xi32, #tpu.memory_space<vmem>> -> memref<50xi32, #tpu.memory_space<vmem>>
      %dma_wait3A_1363 = arith.constant 0 : i32
      %dma_wait3A_1364 = arith.constant 0 : i32
      %dma_wait3A_1365 = tpu.memref_slice %arg2[%dma_wait3A_1363, %dma_wait3A_1364] : memref<1000000x64xf32, #tpu.memory_space<hbm>> -> memref<1000000x64xf32, #tpu.memory_space<hbm>>
      tpu.wait_indirect_dma semaphore(%arg14 : memref<!tpu.dma_semaphore, #tpu.memory_space<semaphore_mem>>) src(%dma_wait3A_1365 : memref<1000000x64xf32, #tpu.memory_space<hbm>>) dst(%dma_wait3A_1359 : memref<50x64xf32, #tpu.memory_space<vmem>>)
      %mul3A_1366 = arith.constant 2 : i32
      %mul3A_1367 = arith.muli %add3A_1350, %mul3A_1366 : i32
      %add3A_1368 = arith.constant 1 : i32
      %add3A_1369 = arith.addi %mul3A_1367, %add3A_1368 : i32
      %dma_wait3A_1370 = arith.constant 15 : i32
      %dma_wait3A_1371 = arith.constant 0 : i32
      %dma_wait3A_1372 = arith.constant 0 : i32
      %dma_wait3A_1373 = tpu.memref_slice %arg6[%dma_wait3A_1370, %dma_wait3A_1371, %dma_wait3A_1372] : memref<16x50x64xf32, #tpu.memory_space<vmem>> -> memref<1x50x64xf32, #tpu.memory_space<vmem>>
      %dma_wait3A_1374 = tpu.memref_squeeze %dma_wait3A_1373 : memref<1x50x64xf32, #tpu.memory_space<vmem>> -> memref<50x64xf32, #tpu.memory_space<vmem>>
      %dma_wait3A_1375 = arith.constant 0 : i32
      %dma_wait3A_1376 = tpu.memref_slice %arg5[%add3A_1369, %dma_wait3A_1375] : memref<512x50xi32, #tpu.memory_space<vmem>> -> memref<1x50xi32, #tpu.memory_space<vmem>>
      %dma_wait3A_1377 = tpu.memref_squeeze %dma_wait3A_1376 : memref<1x50xi32, #tpu.memory_space<vmem>> -> memref<50xi32, #tpu.memory_space<vmem>>
      %dma_wait3A_1378 = arith.constant 0 : i32
      %dma_wait3A_1379 = arith.constant 0 : i32
      %dma_wait3A_1380 = tpu.memref_slice %arg2[%dma_wait3A_1378, %dma_wait3A_1379] : memref<1000000x64xf32, #tpu.memory_space<hbm>> -> memref<1000000x64xf32, #tpu.memory_space<hbm>>
      tpu.wait_indirect_dma semaphore(%arg14 : memref<!tpu.dma_semaphore, #tpu.memory_space<semaphore_mem>>) src(%dma_wait3A_1380 : memref<1000000x64xf32, #tpu.memory_space<hbm>>) dst(%dma_wait3A_1374 : memref<50x64xf32, #tpu.memory_space<vmem>>)
      %mul3A_1381 = arith.constant 2 : i32
      %mul3A_1382 = arith.muli %add3A_1350, %mul3A_1381 : i32
      %add3A_1383 = arith.addi %mul3A_2, %mul3A_1382 : i32
      %dma_start3A_1384 = arith.constant 14 : i32
      %dma_start3A_1385 = arith.constant 0 : i32
      %dma_start3A_1386 = arith.constant 0 : i32
      %dma_start3A_1387 = tpu.memref_slice %arg6[%dma_start3A_1384, %dma_start3A_1385, %dma_start3A_1386] : memref<16x50x64xf32, #tpu.memory_space<vmem>> -> memref<2x50x64xf32, #tpu.memory_space<vmem>>
      %dma_start3A_1388 = arith.constant 0 : i32
      %dma_start3A_1389 = arith.constant 0 : i32
      %dma_start3A_1390 = tpu.memref_slice %arg4[%add3A_1383, %dma_start3A_1388, %dma_start3A_1389] : memref<16384x50x64xf32, #tpu.memory_space<hbm>> -> memref<2x50x64xf32, #tpu.memory_space<hbm>>
      %dma_start3A_1391 = arith.constant 0 : i32
      %dma_start3A_1392 = arith.constant 0 : i32
      %dma_start3A_1393 = tpu.memref_slice %arg4[%add3A_1383, %dma_start3A_1391, %dma_start3A_1392] : memref<16384x50x64xf32, #tpu.memory_space<hbm>> -> memref<2x50x64xf32, #tpu.memory_space<hbm>>
      %dma_start3A_1394 = arith.constant 14 : i32
      %dma_start3A_1395 = arith.constant 0 : i32
      %dma_start3A_1396 = arith.constant 0 : i32
      %dma_start3A_1397 = tpu.memref_slice %arg6[%dma_start3A_1394, %dma_start3A_1395, %dma_start3A_1396] : memref<16x50x64xf32, #tpu.memory_space<vmem>> -> memref<2x50x64xf32, #tpu.memory_space<vmem>>
      tpu.enqueue_dma source(%dma_start3A_1397 : memref<2x50x64xf32, #tpu.memory_space<vmem>>) target(%dma_start3A_1393 : memref<2x50x64xf32, #tpu.memory_space<hbm>>) target_semaphore(%arg22 : memref<!tpu.dma_semaphore, #tpu.memory_space<semaphore_mem>>)
      %mul3A_1398 = arith.constant 2 : i32
      %mul3A_1399 = arith.muli %add3A_1350, %mul3A_1398 : i32
      %add3A_1400 = arith.addi %mul3A_2, %mul3A_1399 : i32
      %dma_wait3A_1401 = arith.constant 14 : i32
      %dma_wait3A_1402 = arith.constant 0 : i32
      %dma_wait3A_1403 = arith.constant 0 : i32
      %dma_wait3A_1404 = tpu.memref_slice %arg6[%dma_wait3A_1401, %dma_wait3A_1402, %dma_wait3A_1403] : memref<16x50x64xf32, #tpu.memory_space<vmem>> -> memref<2x50x64xf32, #tpu.memory_space<vmem>>
      %dma_wait3A_1405 = arith.constant 0 : i32
      %dma_wait3A_1406 = arith.constant 0 : i32
      %dma_wait3A_1407 = tpu.memref_slice %arg4[%add3A_1400, %dma_wait3A_1405, %dma_wait3A_1406] : memref<16384x50x64xf32, #tpu.memory_space<hbm>> -> memref<2x50x64xf32, #tpu.memory_space<hbm>>
      %dma_wait3A_1408 = arith.constant 0 : i32
      %dma_wait3A_1409 = arith.constant 0 : i32
      %dma_wait3A_1410 = tpu.memref_slice %arg4[%add3A_1400, %dma_wait3A_1408, %dma_wait3A_1409] : memref<16384x50x64xf32, #tpu.memory_space<hbm>> -> memref<2x50x64xf32, #tpu.memory_space<hbm>>
      %dma_wait3A_1411 = arith.constant 14 : i32
      %dma_wait3A_1412 = arith.constant 0 : i32
      %dma_wait3A_1413 = arith.constant 0 : i32
      %dma_wait3A_1414 = tpu.memref_slice %arg6[%dma_wait3A_1411, %dma_wait3A_1412, %dma_wait3A_1413] : memref<16x50x64xf32, #tpu.memory_space<vmem>> -> memref<2x50x64xf32, #tpu.memory_space<vmem>>
      tpu.wait_dma2 semaphore(%arg22 : memref<!tpu.dma_semaphore, #tpu.memory_space<semaphore_mem>>) src(%dma_wait3A_1414 : memref<2x50x64xf32, #tpu.memory_space<vmem>>) dst(%dma_wait3A_1410 : memref<2x50x64xf32, #tpu.memory_space<hbm>>)
      %add3A_1415 = arith.constant 8 : i32
      %add3A_1416 = arith.addi %add3A_1350, %add3A_1415 : i32
      %mul3A_1417 = arith.constant 2 : i32
      %mul3A_1418 = arith.muli %add3A_1416, %mul3A_1417 : i32
      %add3A_1419 = arith.constant 0 : i32
      %add3A_1420 = arith.addi %mul3A_1418, %add3A_1419 : i32
      %dma_start3A_1421 = arith.constant 14 : i32
      %dma_start3A_1422 = arith.constant 0 : i32
      %dma_start3A_1423 = arith.constant 0 : i32
      %dma_start3A_1424 = tpu.memref_slice %arg6[%dma_start3A_1421, %dma_start3A_1422, %dma_start3A_1423] : memref<16x50x64xf32, #tpu.memory_space<vmem>> -> memref<1x50x64xf32, #tpu.memory_space<vmem>>
      %dma_start3A_1425 = tpu.memref_squeeze %dma_start3A_1424 : memref<1x50x64xf32, #tpu.memory_space<vmem>> -> memref<50x64xf32, #tpu.memory_space<vmem>>
      %dma_start3A_1426 = arith.constant 0 : i32
      %dma_start3A_1427 = tpu.memref_slice %arg5[%add3A_1420, %dma_start3A_1426] : memref<512x50xi32, #tpu.memory_space<vmem>> -> memref<1x50xi32, #tpu.memory_space<vmem>>
      %dma_start3A_1428 = tpu.memref_squeeze %dma_start3A_1427 : memref<1x50xi32, #tpu.memory_space<vmem>> -> memref<50xi32, #tpu.memory_space<vmem>>
      %dma_start3A_1429 = arith.constant 0 : i32
      %dma_start3A_1430 = arith.constant 0 : i32
      %dma_start3A_1431 = tpu.memref_slice %arg2[%dma_start3A_1429, %dma_start3A_1430] : memref<1000000x64xf32, #tpu.memory_space<hbm>> -> memref<1000000x64xf32, #tpu.memory_space<hbm>>
      tpu.enqueue_indirect_dma source(%dma_start3A_1431 : memref<1000000x64xf32, #tpu.memory_space<hbm>>) target(%dma_start3A_1425 : memref<50x64xf32, #tpu.memory_space<vmem>>) offsets(%dma_start3A_1428 : memref<50xi32, #tpu.memory_space<vmem>>) semaphore(%arg14 : memref<!tpu.dma_semaphore, #tpu.memory_space<semaphore_mem>>)
      %mul3A_1432 = arith.constant 2 : i32
      %mul3A_1433 = arith.muli %add3A_1416, %mul3A_1432 : i32
      %add3A_1434 = arith.constant 1 : i32
      %add3A_1435 = arith.addi %mul3A_1433, %add3A_1434 : i32
      %dma_start3A_1436 = arith.constant 15 : i32
      %dma_start3A_1437 = arith.constant 0 : i32
      %dma_start3A_1438 = arith.constant 0 : i32
      %dma_start3A_1439 = tpu.memref_slice %arg6[%dma_start3A_1436, %dma_start3A_1437, %dma_start3A_1438] : memref<16x50x64xf32, #tpu.memory_space<vmem>> -> memref<1x50x64xf32, #tpu.memory_space<vmem>>
      %dma_start3A_1440 = tpu.memref_squeeze %dma_start3A_1439 : memref<1x50x64xf32, #tpu.memory_space<vmem>> -> memref<50x64xf32, #tpu.memory_space<vmem>>
      %dma_start3A_1441 = arith.constant 0 : i32
      %dma_start3A_1442 = tpu.memref_slice %arg5[%add3A_1435, %dma_start3A_1441] : memref<512x50xi32, #tpu.memory_space<vmem>> -> memref<1x50xi32, #tpu.memory_space<vmem>>
      %dma_start3A_1443 = tpu.memref_squeeze %dma_start3A_1442 : memref<1x50xi32, #tpu.memory_space<vmem>> -> memref<50xi32, #tpu.memory_space<vmem>>
      %dma_start3A_1444 = arith.constant 0 : i32
      %dma_start3A_1445 = arith.constant 0 : i32
      %dma_start3A_1446 = tpu.memref_slice %arg2[%dma_start3A_1444, %dma_start3A_1445] : memref<1000000x64xf32, #tpu.memory_space<hbm>> -> memref<1000000x64xf32, #tpu.memory_space<hbm>>
      tpu.enqueue_indirect_dma source(%dma_start3A_1446 : memref<1000000x64xf32, #tpu.memory_space<hbm>>) target(%dma_start3A_1440 : memref<50x64xf32, #tpu.memory_space<vmem>>) offsets(%dma_start3A_1443 : memref<50xi32, #tpu.memory_space<vmem>>) semaphore(%arg14 : memref<!tpu.dma_semaphore, #tpu.memory_space<semaphore_mem>>)
    }
    %scan3A_198 = arith.constant 31 : i32
    %dma_wait3A = arith.constant 496 : i32
    %dma_wait3A_199 = arith.constant 0 : i32
    %dma_wait3A_200 = arith.constant 0 : i32
    %dma_wait3A_201 = arith.constant 0 : i32
    %dma_wait3A_202 = tpu.memref_slice %arg6[%dma_wait3A_199, %dma_wait3A_200, %dma_wait3A_201] : memref<16x50x64xf32, #tpu.memory_space<vmem>> -> memref<1x50x64xf32, #tpu.memory_space<vmem>>
    %dma_wait3A_203 = tpu.memref_squeeze %dma_wait3A_202 : memref<1x50x64xf32, #tpu.memory_space<vmem>> -> memref<50x64xf32, #tpu.memory_space<vmem>>
    %dma_wait3A_204 = arith.constant 0 : i32
    %dma_wait3A_205 = tpu.memref_slice %arg5[%dma_wait3A, %dma_wait3A_204] : memref<512x50xi32, #tpu.memory_space<vmem>> -> memref<1x50xi32, #tpu.memory_space<vmem>>
    %dma_wait3A_206 = tpu.memref_squeeze %dma_wait3A_205 : memref<1x50xi32, #tpu.memory_space<vmem>> -> memref<50xi32, #tpu.memory_space<vmem>>
    %dma_wait3A_207 = arith.constant 0 : i32
    %dma_wait3A_208 = arith.constant 0 : i32
    %dma_wait3A_209 = tpu.memref_slice %arg2[%dma_wait3A_207, %dma_wait3A_208] : memref<1000000x64xf32, #tpu.memory_space<hbm>> -> memref<1000000x64xf32, #tpu.memory_space<hbm>>
    tpu.wait_indirect_dma semaphore(%arg7 : memref<!tpu.dma_semaphore, #tpu.memory_space<semaphore_mem>>) src(%dma_wait3A_209 : memref<1000000x64xf32, #tpu.memory_space<hbm>>) dst(%dma_wait3A_203 : memref<50x64xf32, #tpu.memory_space<vmem>>)
    %dma_wait3A_210 = arith.constant 497 : i32
    %dma_wait3A_211 = arith.constant 1 : i32
    %dma_wait3A_212 = arith.constant 0 : i32
    %dma_wait3A_213 = arith.constant 0 : i32
    %dma_wait3A_214 = tpu.memref_slice %arg6[%dma_wait3A_211, %dma_wait3A_212, %dma_wait3A_213] : memref<16x50x64xf32, #tpu.memory_space<vmem>> -> memref<1x50x64xf32, #tpu.memory_space<vmem>>
    %dma_wait3A_215 = tpu.memref_squeeze %dma_wait3A_214 : memref<1x50x64xf32, #tpu.memory_space<vmem>> -> memref<50x64xf32, #tpu.memory_space<vmem>>
    %dma_wait3A_216 = arith.constant 0 : i32
    %dma_wait3A_217 = tpu.memref_slice %arg5[%dma_wait3A_210, %dma_wait3A_216] : memref<512x50xi32, #tpu.memory_space<vmem>> -> memref<1x50xi32, #tpu.memory_space<vmem>>
    %dma_wait3A_218 = tpu.memref_squeeze %dma_wait3A_217 : memref<1x50xi32, #tpu.memory_space<vmem>> -> memref<50xi32, #tpu.memory_space<vmem>>
    %dma_wait3A_219 = arith.constant 0 : i32
    %dma_wait3A_220 = arith.constant 0 : i32
    %dma_wait3A_221 = tpu.memref_slice %arg2[%dma_wait3A_219, %dma_wait3A_220] : memref<1000000x64xf32, #tpu.memory_space<hbm>> -> memref<1000000x64xf32, #tpu.memory_space<hbm>>
    tpu.wait_indirect_dma semaphore(%arg7 : memref<!tpu.dma_semaphore, #tpu.memory_space<semaphore_mem>>) src(%dma_wait3A_221 : memref<1000000x64xf32, #tpu.memory_space<hbm>>) dst(%dma_wait3A_215 : memref<50x64xf32, #tpu.memory_space<vmem>>)
    %add3A_222 = arith.constant 496 : i32
    %add3A_223 = arith.addi %mul3A_2, %add3A_222 : i32
    %dma_start3A_224 = arith.constant 0 : i32
    %dma_start3A_225 = arith.constant 0 : i32
    %dma_start3A_226 = arith.constant 0 : i32
    %dma_start3A_227 = tpu.memref_slice %arg6[%dma_start3A_224, %dma_start3A_225, %dma_start3A_226] : memref<16x50x64xf32, #tpu.memory_space<vmem>> -> memref<2x50x64xf32, #tpu.memory_space<vmem>>
    %dma_start3A_228 = arith.constant 0 : i32
    %dma_start3A_229 = arith.constant 0 : i32
    %dma_start3A_230 = tpu.memref_slice %arg4[%add3A_223, %dma_start3A_228, %dma_start3A_229] : memref<16384x50x64xf32, #tpu.memory_space<hbm>> -> memref<2x50x64xf32, #tpu.memory_space<hbm>>
    %dma_start3A_231 = arith.constant 0 : i32
    %dma_start3A_232 = arith.constant 0 : i32
    %dma_start3A_233 = tpu.memref_slice %arg4[%add3A_223, %dma_start3A_231, %dma_start3A_232] : memref<16384x50x64xf32, #tpu.memory_space<hbm>> -> memref<2x50x64xf32, #tpu.memory_space<hbm>>
    %dma_start3A_234 = arith.constant 0 : i32
    %dma_start3A_235 = arith.constant 0 : i32
    %dma_start3A_236 = arith.constant 0 : i32
    %dma_start3A_237 = tpu.memref_slice %arg6[%dma_start3A_234, %dma_start3A_235, %dma_start3A_236] : memref<16x50x64xf32, #tpu.memory_space<vmem>> -> memref<2x50x64xf32, #tpu.memory_space<vmem>>
    tpu.enqueue_dma source(%dma_start3A_237 : memref<2x50x64xf32, #tpu.memory_space<vmem>>) target(%dma_start3A_233 : memref<2x50x64xf32, #tpu.memory_space<hbm>>) target_semaphore(%arg15 : memref<!tpu.dma_semaphore, #tpu.memory_space<semaphore_mem>>)
    %dma_wait3A_238 = arith.constant 498 : i32
    %dma_wait3A_239 = arith.constant 2 : i32
    %dma_wait3A_240 = arith.constant 0 : i32
    %dma_wait3A_241 = arith.constant 0 : i32
    %dma_wait3A_242 = tpu.memref_slice %arg6[%dma_wait3A_239, %dma_wait3A_240, %dma_wait3A_241] : memref<16x50x64xf32, #tpu.memory_space<vmem>> -> memref<1x50x64xf32, #tpu.memory_space<vmem>>
    %dma_wait3A_243 = tpu.memref_squeeze %dma_wait3A_242 : memref<1x50x64xf32, #tpu.memory_space<vmem>> -> memref<50x64xf32, #tpu.memory_space<vmem>>
    %dma_wait3A_244 = arith.constant 0 : i32
    %dma_wait3A_245 = tpu.memref_slice %arg5[%dma_wait3A_238, %dma_wait3A_244] : memref<512x50xi32, #tpu.memory_space<vmem>> -> memref<1x50xi32, #tpu.memory_space<vmem>>
    %dma_wait3A_246 = tpu.memref_squeeze %dma_wait3A_245 : memref<1x50xi32, #tpu.memory_space<vmem>> -> memref<50xi32, #tpu.memory_space<vmem>>
    %dma_wait3A_247 = arith.constant 0 : i32
    %dma_wait3A_248 = arith.constant 0 : i32
    %dma_wait3A_249 = tpu.memref_slice %arg2[%dma_wait3A_247, %dma_wait3A_248] : memref<1000000x64xf32, #tpu.memory_space<hbm>> -> memref<1000000x64xf32, #tpu.memory_space<hbm>>
    tpu.wait_indirect_dma semaphore(%arg8 : memref<!tpu.dma_semaphore, #tpu.memory_space<semaphore_mem>>) src(%dma_wait3A_249 : memref<1000000x64xf32, #tpu.memory_space<hbm>>) dst(%dma_wait3A_243 : memref<50x64xf32, #tpu.memory_space<vmem>>)
    %dma_wait3A_250 = arith.constant 499 : i32
    %dma_wait3A_251 = arith.constant 3 : i32
    %dma_wait3A_252 = arith.constant 0 : i32
    %dma_wait3A_253 = arith.constant 0 : i32
    %dma_wait3A_254 = tpu.memref_slice %arg6[%dma_wait3A_251, %dma_wait3A_252, %dma_wait3A_253] : memref<16x50x64xf32, #tpu.memory_space<vmem>> -> memref<1x50x64xf32, #tpu.memory_space<vmem>>
    %dma_wait3A_255 = tpu.memref_squeeze %dma_wait3A_254 : memref<1x50x64xf32, #tpu.memory_space<vmem>> -> memref<50x64xf32, #tpu.memory_space<vmem>>
    %dma_wait3A_256 = arith.constant 0 : i32
    %dma_wait3A_257 = tpu.memref_slice %arg5[%dma_wait3A_250, %dma_wait3A_256] : memref<512x50xi32, #tpu.memory_space<vmem>> -> memref<1x50xi32, #tpu.memory_space<vmem>>
    %dma_wait3A_258 = tpu.memref_squeeze %dma_wait3A_257 : memref<1x50xi32, #tpu.memory_space<vmem>> -> memref<50xi32, #tpu.memory_space<vmem>>
    %dma_wait3A_259 = arith.constant 0 : i32
    %dma_wait3A_260 = arith.constant 0 : i32
    %dma_wait3A_261 = tpu.memref_slice %arg2[%dma_wait3A_259, %dma_wait3A_260] : memref<1000000x64xf32, #tpu.memory_space<hbm>> -> memref<1000000x64xf32, #tpu.memory_space<hbm>>
    tpu.wait_indirect_dma semaphore(%arg8 : memref<!tpu.dma_semaphore, #tpu.memory_space<semaphore_mem>>) src(%dma_wait3A_261 : memref<1000000x64xf32, #tpu.memory_space<hbm>>) dst(%dma_wait3A_255 : memref<50x64xf32, #tpu.memory_space<vmem>>)
    %add3A_262 = arith.constant 498 : i32
    %add3A_263 = arith.addi %mul3A_2, %add3A_262 : i32
    %dma_start3A_264 = arith.constant 2 : i32
    %dma_start3A_265 = arith.constant 0 : i32
    %dma_start3A_266 = arith.constant 0 : i32
    %dma_start3A_267 = tpu.memref_slice %arg6[%dma_start3A_264, %dma_start3A_265, %dma_start3A_266] : memref<16x50x64xf32, #tpu.memory_space<vmem>> -> memref<2x50x64xf32, #tpu.memory_space<vmem>>
    %dma_start3A_268 = arith.constant 0 : i32
    %dma_start3A_269 = arith.constant 0 : i32
    %dma_start3A_270 = tpu.memref_slice %arg4[%add3A_263, %dma_start3A_268, %dma_start3A_269] : memref<16384x50x64xf32, #tpu.memory_space<hbm>> -> memref<2x50x64xf32, #tpu.memory_space<hbm>>
    %dma_start3A_271 = arith.constant 0 : i32
    %dma_start3A_272 = arith.constant 0 : i32
    %dma_start3A_273 = tpu.memref_slice %arg4[%add3A_263, %dma_start3A_271, %dma_start3A_272] : memref<16384x50x64xf32, #tpu.memory_space<hbm>> -> memref<2x50x64xf32, #tpu.memory_space<hbm>>
    %dma_start3A_274 = arith.constant 2 : i32
    %dma_start3A_275 = arith.constant 0 : i32
    %dma_start3A_276 = arith.constant 0 : i32
    %dma_start3A_277 = tpu.memref_slice %arg6[%dma_start3A_274, %dma_start3A_275, %dma_start3A_276] : memref<16x50x64xf32, #tpu.memory_space<vmem>> -> memref<2x50x64xf32, #tpu.memory_space<vmem>>
    tpu.enqueue_dma source(%dma_start3A_277 : memref<2x50x64xf32, #tpu.memory_space<vmem>>) target(%dma_start3A_273 : memref<2x50x64xf32, #tpu.memory_space<hbm>>) target_semaphore(%arg16 : memref<!tpu.dma_semaphore, #tpu.memory_space<semaphore_mem>>)
    %dma_wait3A_278 = arith.constant 500 : i32
    %dma_wait3A_279 = arith.constant 4 : i32
    %dma_wait3A_280 = arith.constant 0 : i32
    %dma_wait3A_281 = arith.constant 0 : i32
    %dma_wait3A_282 = tpu.memref_slice %arg6[%dma_wait3A_279, %dma_wait3A_280, %dma_wait3A_281] : memref<16x50x64xf32, #tpu.memory_space<vmem>> -> memref<1x50x64xf32, #tpu.memory_space<vmem>>
    %dma_wait3A_283 = tpu.memref_squeeze %dma_wait3A_282 : memref<1x50x64xf32, #tpu.memory_space<vmem>> -> memref<50x64xf32, #tpu.memory_space<vmem>>
    %dma_wait3A_284 = arith.constant 0 : i32
    %dma_wait3A_285 = tpu.memref_slice %arg5[%dma_wait3A_278, %dma_wait3A_284] : memref<512x50xi32, #tpu.memory_space<vmem>> -> memref<1x50xi32, #tpu.memory_space<vmem>>
    %dma_wait3A_286 = tpu.memref_squeeze %dma_wait3A_285 : memref<1x50xi32, #tpu.memory_space<vmem>> -> memref<50xi32, #tpu.memory_space<vmem>>
    %dma_wait3A_287 = arith.constant 0 : i32
    %dma_wait3A_288 = arith.constant 0 : i32
    %dma_wait3A_289 = tpu.memref_slice %arg2[%dma_wait3A_287, %dma_wait3A_288] : memref<1000000x64xf32, #tpu.memory_space<hbm>> -> memref<1000000x64xf32, #tpu.memory_space<hbm>>
    tpu.wait_indirect_dma semaphore(%arg9 : memref<!tpu.dma_semaphore, #tpu.memory_space<semaphore_mem>>) src(%dma_wait3A_289 : memref<1000000x64xf32, #tpu.memory_space<hbm>>) dst(%dma_wait3A_283 : memref<50x64xf32, #tpu.memory_space<vmem>>)
    %dma_wait3A_290 = arith.constant 501 : i32
    %dma_wait3A_291 = arith.constant 5 : i32
    %dma_wait3A_292 = arith.constant 0 : i32
    %dma_wait3A_293 = arith.constant 0 : i32
    %dma_wait3A_294 = tpu.memref_slice %arg6[%dma_wait3A_291, %dma_wait3A_292, %dma_wait3A_293] : memref<16x50x64xf32, #tpu.memory_space<vmem>> -> memref<1x50x64xf32, #tpu.memory_space<vmem>>
    %dma_wait3A_295 = tpu.memref_squeeze %dma_wait3A_294 : memref<1x50x64xf32, #tpu.memory_space<vmem>> -> memref<50x64xf32, #tpu.memory_space<vmem>>
    %dma_wait3A_296 = arith.constant 0 : i32
    %dma_wait3A_297 = tpu.memref_slice %arg5[%dma_wait3A_290, %dma_wait3A_296] : memref<512x50xi32, #tpu.memory_space<vmem>> -> memref<1x50xi32, #tpu.memory_space<vmem>>
    %dma_wait3A_298 = tpu.memref_squeeze %dma_wait3A_297 : memref<1x50xi32, #tpu.memory_space<vmem>> -> memref<50xi32, #tpu.memory_space<vmem>>
    %dma_wait3A_299 = arith.constant 0 : i32
    %dma_wait3A_300 = arith.constant 0 : i32
    %dma_wait3A_301 = tpu.memref_slice %arg2[%dma_wait3A_299, %dma_wait3A_300] : memref<1000000x64xf32, #tpu.memory_space<hbm>> -> memref<1000000x64xf32, #tpu.memory_space<hbm>>
    tpu.wait_indirect_dma semaphore(%arg9 : memref<!tpu.dma_semaphore, #tpu.memory_space<semaphore_mem>>) src(%dma_wait3A_301 : memref<1000000x64xf32, #tpu.memory_space<hbm>>) dst(%dma_wait3A_295 : memref<50x64xf32, #tpu.memory_space<vmem>>)
    %add3A_302 = arith.constant 500 : i32
    %add3A_303 = arith.addi %mul3A_2, %add3A_302 : i32
    %dma_start3A_304 = arith.constant 4 : i32
    %dma_start3A_305 = arith.constant 0 : i32
    %dma_start3A_306 = arith.constant 0 : i32
    %dma_start3A_307 = tpu.memref_slice %arg6[%dma_start3A_304, %dma_start3A_305, %dma_start3A_306] : memref<16x50x64xf32, #tpu.memory_space<vmem>> -> memref<2x50x64xf32, #tpu.memory_space<vmem>>
    %dma_start3A_308 = arith.constant 0 : i32
    %dma_start3A_309 = arith.constant 0 : i32
    %dma_start3A_310 = tpu.memref_slice %arg4[%add3A_303, %dma_start3A_308, %dma_start3A_309] : memref<16384x50x64xf32, #tpu.memory_space<hbm>> -> memref<2x50x64xf32, #tpu.memory_space<hbm>>
    %dma_start3A_311 = arith.constant 0 : i32
    %dma_start3A_312 = arith.constant 0 : i32
    %dma_start3A_313 = tpu.memref_slice %arg4[%add3A_303, %dma_start3A_311, %dma_start3A_312] : memref<16384x50x64xf32, #tpu.memory_space<hbm>> -> memref<2x50x64xf32, #tpu.memory_space<hbm>>
    %dma_start3A_314 = arith.constant 4 : i32
    %dma_start3A_315 = arith.constant 0 : i32
    %dma_start3A_316 = arith.constant 0 : i32
    %dma_start3A_317 = tpu.memref_slice %arg6[%dma_start3A_314, %dma_start3A_315, %dma_start3A_316] : memref<16x50x64xf32, #tpu.memory_space<vmem>> -> memref<2x50x64xf32, #tpu.memory_space<vmem>>
    tpu.enqueue_dma source(%dma_start3A_317 : memref<2x50x64xf32, #tpu.memory_space<vmem>>) target(%dma_start3A_313 : memref<2x50x64xf32, #tpu.memory_space<hbm>>) target_semaphore(%arg17 : memref<!tpu.dma_semaphore, #tpu.memory_space<semaphore_mem>>)
    %dma_wait3A_318 = arith.constant 502 : i32
    %dma_wait3A_319 = arith.constant 6 : i32
    %dma_wait3A_320 = arith.constant 0 : i32
    %dma_wait3A_321 = arith.constant 0 : i32
    %dma_wait3A_322 = tpu.memref_slice %arg6[%dma_wait3A_319, %dma_wait3A_320, %dma_wait3A_321] : memref<16x50x64xf32, #tpu.memory_space<vmem>> -> memref<1x50x64xf32, #tpu.memory_space<vmem>>
    %dma_wait3A_323 = tpu.memref_squeeze %dma_wait3A_322 : memref<1x50x64xf32, #tpu.memory_space<vmem>> -> memref<50x64xf32, #tpu.memory_space<vmem>>
    %dma_wait3A_324 = arith.constant 0 : i32
    %dma_wait3A_325 = tpu.memref_slice %arg5[%dma_wait3A_318, %dma_wait3A_324] : memref<512x50xi32, #tpu.memory_space<vmem>> -> memref<1x50xi32, #tpu.memory_space<vmem>>
    %dma_wait3A_326 = tpu.memref_squeeze %dma_wait3A_325 : memref<1x50xi32, #tpu.memory_space<vmem>> -> memref<50xi32, #tpu.memory_space<vmem>>
    %dma_wait3A_327 = arith.constant 0 : i32
    %dma_wait3A_328 = arith.constant 0 : i32
    %dma_wait3A_329 = tpu.memref_slice %arg2[%dma_wait3A_327, %dma_wait3A_328] : memref<1000000x64xf32, #tpu.memory_space<hbm>> -> memref<1000000x64xf32, #tpu.memory_space<hbm>>
    tpu.wait_indirect_dma semaphore(%arg10 : memref<!tpu.dma_semaphore, #tpu.memory_space<semaphore_mem>>) src(%dma_wait3A_329 : memref<1000000x64xf32, #tpu.memory_space<hbm>>) dst(%dma_wait3A_323 : memref<50x64xf32, #tpu.memory_space<vmem>>)
    %dma_wait3A_330 = arith.constant 503 : i32
    %dma_wait3A_331 = arith.constant 7 : i32
    %dma_wait3A_332 = arith.constant 0 : i32
    %dma_wait3A_333 = arith.constant 0 : i32
    %dma_wait3A_334 = tpu.memref_slice %arg6[%dma_wait3A_331, %dma_wait3A_332, %dma_wait3A_333] : memref<16x50x64xf32, #tpu.memory_space<vmem>> -> memref<1x50x64xf32, #tpu.memory_space<vmem>>
    %dma_wait3A_335 = tpu.memref_squeeze %dma_wait3A_334 : memref<1x50x64xf32, #tpu.memory_space<vmem>> -> memref<50x64xf32, #tpu.memory_space<vmem>>
    %dma_wait3A_336 = arith.constant 0 : i32
    %dma_wait3A_337 = tpu.memref_slice %arg5[%dma_wait3A_330, %dma_wait3A_336] : memref<512x50xi32, #tpu.memory_space<vmem>> -> memref<1x50xi32, #tpu.memory_space<vmem>>
    %dma_wait3A_338 = tpu.memref_squeeze %dma_wait3A_337 : memref<1x50xi32, #tpu.memory_space<vmem>> -> memref<50xi32, #tpu.memory_space<vmem>>
    %dma_wait3A_339 = arith.constant 0 : i32
    %dma_wait3A_340 = arith.constant 0 : i32
    %dma_wait3A_341 = tpu.memref_slice %arg2[%dma_wait3A_339, %dma_wait3A_340] : memref<1000000x64xf32, #tpu.memory_space<hbm>> -> memref<1000000x64xf32, #tpu.memory_space<hbm>>
    tpu.wait_indirect_dma semaphore(%arg10 : memref<!tpu.dma_semaphore, #tpu.memory_space<semaphore_mem>>) src(%dma_wait3A_341 : memref<1000000x64xf32, #tpu.memory_space<hbm>>) dst(%dma_wait3A_335 : memref<50x64xf32, #tpu.memory_space<vmem>>)
    %add3A_342 = arith.constant 502 : i32
    %add3A_343 = arith.addi %mul3A_2, %add3A_342 : i32
    %dma_start3A_344 = arith.constant 6 : i32
    %dma_start3A_345 = arith.constant 0 : i32
    %dma_start3A_346 = arith.constant 0 : i32
    %dma_start3A_347 = tpu.memref_slice %arg6[%dma_start3A_344, %dma_start3A_345, %dma_start3A_346] : memref<16x50x64xf32, #tpu.memory_space<vmem>> -> memref<2x50x64xf32, #tpu.memory_space<vmem>>
    %dma_start3A_348 = arith.constant 0 : i32
    %dma_start3A_349 = arith.constant 0 : i32
    %dma_start3A_350 = tpu.memref_slice %arg4[%add3A_343, %dma_start3A_348, %dma_start3A_349] : memref<16384x50x64xf32, #tpu.memory_space<hbm>> -> memref<2x50x64xf32, #tpu.memory_space<hbm>>
    %dma_start3A_351 = arith.constant 0 : i32
    %dma_start3A_352 = arith.constant 0 : i32
    %dma_start3A_353 = tpu.memref_slice %arg4[%add3A_343, %dma_start3A_351, %dma_start3A_352] : memref<16384x50x64xf32, #tpu.memory_space<hbm>> -> memref<2x50x64xf32, #tpu.memory_space<hbm>>
    %dma_start3A_354 = arith.constant 6 : i32
    %dma_start3A_355 = arith.constant 0 : i32
    %dma_start3A_356 = arith.constant 0 : i32
    %dma_start3A_357 = tpu.memref_slice %arg6[%dma_start3A_354, %dma_start3A_355, %dma_start3A_356] : memref<16x50x64xf32, #tpu.memory_space<vmem>> -> memref<2x50x64xf32, #tpu.memory_space<vmem>>
    tpu.enqueue_dma source(%dma_start3A_357 : memref<2x50x64xf32, #tpu.memory_space<vmem>>) target(%dma_start3A_353 : memref<2x50x64xf32, #tpu.memory_space<hbm>>) target_semaphore(%arg18 : memref<!tpu.dma_semaphore, #tpu.memory_space<semaphore_mem>>)
    %dma_wait3A_358 = arith.constant 504 : i32
    %dma_wait3A_359 = arith.constant 8 : i32
    %dma_wait3A_360 = arith.constant 0 : i32
    %dma_wait3A_361 = arith.constant 0 : i32
    %dma_wait3A_362 = tpu.memref_slice %arg6[%dma_wait3A_359, %dma_wait3A_360, %dma_wait3A_361] : memref<16x50x64xf32, #tpu.memory_space<vmem>> -> memref<1x50x64xf32, #tpu.memory_space<vmem>>
    %dma_wait3A_363 = tpu.memref_squeeze %dma_wait3A_362 : memref<1x50x64xf32, #tpu.memory_space<vmem>> -> memref<50x64xf32, #tpu.memory_space<vmem>>
    %dma_wait3A_364 = arith.constant 0 : i32
    %dma_wait3A_365 = tpu.memref_slice %arg5[%dma_wait3A_358, %dma_wait3A_364] : memref<512x50xi32, #tpu.memory_space<vmem>> -> memref<1x50xi32, #tpu.memory_space<vmem>>
    %dma_wait3A_366 = tpu.memref_squeeze %dma_wait3A_365 : memref<1x50xi32, #tpu.memory_space<vmem>> -> memref<50xi32, #tpu.memory_space<vmem>>
    %dma_wait3A_367 = arith.constant 0 : i32
    %dma_wait3A_368 = arith.constant 0 : i32
    %dma_wait3A_369 = tpu.memref_slice %arg2[%dma_wait3A_367, %dma_wait3A_368] : memref<1000000x64xf32, #tpu.memory_space<hbm>> -> memref<1000000x64xf32, #tpu.memory_space<hbm>>
    tpu.wait_indirect_dma semaphore(%arg11 : memref<!tpu.dma_semaphore, #tpu.memory_space<semaphore_mem>>) src(%dma_wait3A_369 : memref<1000000x64xf32, #tpu.memory_space<hbm>>) dst(%dma_wait3A_363 : memref<50x64xf32, #tpu.memory_space<vmem>>)
    %dma_wait3A_370 = arith.constant 505 : i32
    %dma_wait3A_371 = arith.constant 9 : i32
    %dma_wait3A_372 = arith.constant 0 : i32
    %dma_wait3A_373 = arith.constant 0 : i32
    %dma_wait3A_374 = tpu.memref_slice %arg6[%dma_wait3A_371, %dma_wait3A_372, %dma_wait3A_373] : memref<16x50x64xf32, #tpu.memory_space<vmem>> -> memref<1x50x64xf32, #tpu.memory_space<vmem>>
    %dma_wait3A_375 = tpu.memref_squeeze %dma_wait3A_374 : memref<1x50x64xf32, #tpu.memory_space<vmem>> -> memref<50x64xf32, #tpu.memory_space<vmem>>
    %dma_wait3A_376 = arith.constant 0 : i32
    %dma_wait3A_377 = tpu.memref_slice %arg5[%dma_wait3A_370, %dma_wait3A_376] : memref<512x50xi32, #tpu.memory_space<vmem>> -> memref<1x50xi32, #tpu.memory_space<vmem>>
    %dma_wait3A_378 = tpu.memref_squeeze %dma_wait3A_377 : memref<1x50xi32, #tpu.memory_space<vmem>> -> memref<50xi32, #tpu.memory_space<vmem>>
    %dma_wait3A_379 = arith.constant 0 : i32
    %dma_wait3A_380 = arith.constant 0 : i32
    %dma_wait3A_381 = tpu.memref_slice %arg2[%dma_wait3A_379, %dma_wait3A_380] : memref<1000000x64xf32, #tpu.memory_space<hbm>> -> memref<1000000x64xf32, #tpu.memory_space<hbm>>
    tpu.wait_indirect_dma semaphore(%arg11 : memref<!tpu.dma_semaphore, #tpu.memory_space<semaphore_mem>>) src(%dma_wait3A_381 : memref<1000000x64xf32, #tpu.memory_space<hbm>>) dst(%dma_wait3A_375 : memref<50x64xf32, #tpu.memory_space<vmem>>)
    %add3A_382 = arith.constant 504 : i32
    %add3A_383 = arith.addi %mul3A_2, %add3A_382 : i32
    %dma_start3A_384 = arith.constant 8 : i32
    %dma_start3A_385 = arith.constant 0 : i32
    %dma_start3A_386 = arith.constant 0 : i32
    %dma_start3A_387 = tpu.memref_slice %arg6[%dma_start3A_384, %dma_start3A_385, %dma_start3A_386] : memref<16x50x64xf32, #tpu.memory_space<vmem>> -> memref<2x50x64xf32, #tpu.memory_space<vmem>>
    %dma_start3A_388 = arith.constant 0 : i32
    %dma_start3A_389 = arith.constant 0 : i32
    %dma_start3A_390 = tpu.memref_slice %arg4[%add3A_383, %dma_start3A_388, %dma_start3A_389] : memref<16384x50x64xf32, #tpu.memory_space<hbm>> -> memref<2x50x64xf32, #tpu.memory_space<hbm>>
    %dma_start3A_391 = arith.constant 0 : i32
    %dma_start3A_392 = arith.constant 0 : i32
    %dma_start3A_393 = tpu.memref_slice %arg4[%add3A_383, %dma_start3A_391, %dma_start3A_392] : memref<16384x50x64xf32, #tpu.memory_space<hbm>> -> memref<2x50x64xf32, #tpu.memory_space<hbm>>
    %dma_start3A_394 = arith.constant 8 : i32
    %dma_start3A_395 = arith.constant 0 : i32
    %dma_start3A_396 = arith.constant 0 : i32
    %dma_start3A_397 = tpu.memref_slice %arg6[%dma_start3A_394, %dma_start3A_395, %dma_start3A_396] : memref<16x50x64xf32, #tpu.memory_space<vmem>> -> memref<2x50x64xf32, #tpu.memory_space<vmem>>
    tpu.enqueue_dma source(%dma_start3A_397 : memref<2x50x64xf32, #tpu.memory_space<vmem>>) target(%dma_start3A_393 : memref<2x50x64xf32, #tpu.memory_space<hbm>>) target_semaphore(%arg19 : memref<!tpu.dma_semaphore, #tpu.memory_space<semaphore_mem>>)
    %dma_wait3A_398 = arith.constant 506 : i32
    %dma_wait3A_399 = arith.constant 10 : i32
    %dma_wait3A_400 = arith.constant 0 : i32
    %dma_wait3A_401 = arith.constant 0 : i32
    %dma_wait3A_402 = tpu.memref_slice %arg6[%dma_wait3A_399, %dma_wait3A_400, %dma_wait3A_401] : memref<16x50x64xf32, #tpu.memory_space<vmem>> -> memref<1x50x64xf32, #tpu.memory_space<vmem>>
    %dma_wait3A_403 = tpu.memref_squeeze %dma_wait3A_402 : memref<1x50x64xf32, #tpu.memory_space<vmem>> -> memref<50x64xf32, #tpu.memory_space<vmem>>
    %dma_wait3A_404 = arith.constant 0 : i32
    %dma_wait3A_405 = tpu.memref_slice %arg5[%dma_wait3A_398, %dma_wait3A_404] : memref<512x50xi32, #tpu.memory_space<vmem>> -> memref<1x50xi32, #tpu.memory_space<vmem>>
    %dma_wait3A_406 = tpu.memref_squeeze %dma_wait3A_405 : memref<1x50xi32, #tpu.memory_space<vmem>> -> memref<50xi32, #tpu.memory_space<vmem>>
    %dma_wait3A_407 = arith.constant 0 : i32
    %dma_wait3A_408 = arith.constant 0 : i32
    %dma_wait3A_409 = tpu.memref_slice %arg2[%dma_wait3A_407, %dma_wait3A_408] : memref<1000000x64xf32, #tpu.memory_space<hbm>> -> memref<1000000x64xf32, #tpu.memory_space<hbm>>
    tpu.wait_indirect_dma semaphore(%arg12 : memref<!tpu.dma_semaphore, #tpu.memory_space<semaphore_mem>>) src(%dma_wait3A_409 : memref<1000000x64xf32, #tpu.memory_space<hbm>>) dst(%dma_wait3A_403 : memref<50x64xf32, #tpu.memory_space<vmem>>)
    %dma_wait3A_410 = arith.constant 507 : i32
    %dma_wait3A_411 = arith.constant 11 : i32
    %dma_wait3A_412 = arith.constant 0 : i32
    %dma_wait3A_413 = arith.constant 0 : i32
    %dma_wait3A_414 = tpu.memref_slice %arg6[%dma_wait3A_411, %dma_wait3A_412, %dma_wait3A_413] : memref<16x50x64xf32, #tpu.memory_space<vmem>> -> memref<1x50x64xf32, #tpu.memory_space<vmem>>
    %dma_wait3A_415 = tpu.memref_squeeze %dma_wait3A_414 : memref<1x50x64xf32, #tpu.memory_space<vmem>> -> memref<50x64xf32, #tpu.memory_space<vmem>>
    %dma_wait3A_416 = arith.constant 0 : i32
    %dma_wait3A_417 = tpu.memref_slice %arg5[%dma_wait3A_410, %dma_wait3A_416] : memref<512x50xi32, #tpu.memory_space<vmem>> -> memref<1x50xi32, #tpu.memory_space<vmem>>
    %dma_wait3A_418 = tpu.memref_squeeze %dma_wait3A_417 : memref<1x50xi32, #tpu.memory_space<vmem>> -> memref<50xi32, #tpu.memory_space<vmem>>
    %dma_wait3A_419 = arith.constant 0 : i32
    %dma_wait3A_420 = arith.constant 0 : i32
    %dma_wait3A_421 = tpu.memref_slice %arg2[%dma_wait3A_419, %dma_wait3A_420] : memref<1000000x64xf32, #tpu.memory_space<hbm>> -> memref<1000000x64xf32, #tpu.memory_space<hbm>>
    tpu.wait_indirect_dma semaphore(%arg12 : memref<!tpu.dma_semaphore, #tpu.memory_space<semaphore_mem>>) src(%dma_wait3A_421 : memref<1000000x64xf32, #tpu.memory_space<hbm>>) dst(%dma_wait3A_415 : memref<50x64xf32, #tpu.memory_space<vmem>>)
    %add3A_422 = arith.constant 506 : i32
    %add3A_423 = arith.addi %mul3A_2, %add3A_422 : i32
    %dma_start3A_424 = arith.constant 10 : i32
    %dma_start3A_425 = arith.constant 0 : i32
    %dma_start3A_426 = arith.constant 0 : i32
    %dma_start3A_427 = tpu.memref_slice %arg6[%dma_start3A_424, %dma_start3A_425, %dma_start3A_426] : memref<16x50x64xf32, #tpu.memory_space<vmem>> -> memref<2x50x64xf32, #tpu.memory_space<vmem>>
    %dma_start3A_428 = arith.constant 0 : i32
    %dma_start3A_429 = arith.constant 0 : i32
    %dma_start3A_430 = tpu.memref_slice %arg4[%add3A_423, %dma_start3A_428, %dma_start3A_429] : memref<16384x50x64xf32, #tpu.memory_space<hbm>> -> memref<2x50x64xf32, #tpu.memory_space<hbm>>
    %dma_start3A_431 = arith.constant 0 : i32
    %dma_start3A_432 = arith.constant 0 : i32
    %dma_start3A_433 = tpu.memref_slice %arg4[%add3A_423, %dma_start3A_431, %dma_start3A_432] : memref<16384x50x64xf32, #tpu.memory_space<hbm>> -> memref<2x50x64xf32, #tpu.memory_space<hbm>>
    %dma_start3A_434 = arith.constant 10 : i32
    %dma_start3A_435 = arith.constant 0 : i32
    %dma_start3A_436 = arith.constant 0 : i32
    %dma_start3A_437 = tpu.memref_slice %arg6[%dma_start3A_434, %dma_start3A_435, %dma_start3A_436] : memref<16x50x64xf32, #tpu.memory_space<vmem>> -> memref<2x50x64xf32, #tpu.memory_space<vmem>>
    tpu.enqueue_dma source(%dma_start3A_437 : memref<2x50x64xf32, #tpu.memory_space<vmem>>) target(%dma_start3A_433 : memref<2x50x64xf32, #tpu.memory_space<hbm>>) target_semaphore(%arg20 : memref<!tpu.dma_semaphore, #tpu.memory_space<semaphore_mem>>)
    %dma_wait3A_438 = arith.constant 508 : i32
    %dma_wait3A_439 = arith.constant 12 : i32
    %dma_wait3A_440 = arith.constant 0 : i32
    %dma_wait3A_441 = arith.constant 0 : i32
    %dma_wait3A_442 = tpu.memref_slice %arg6[%dma_wait3A_439, %dma_wait3A_440, %dma_wait3A_441] : memref<16x50x64xf32, #tpu.memory_space<vmem>> -> memref<1x50x64xf32, #tpu.memory_space<vmem>>
    %dma_wait3A_443 = tpu.memref_squeeze %dma_wait3A_442 : memref<1x50x64xf32, #tpu.memory_space<vmem>> -> memref<50x64xf32, #tpu.memory_space<vmem>>
    %dma_wait3A_444 = arith.constant 0 : i32
    %dma_wait3A_445 = tpu.memref_slice %arg5[%dma_wait3A_438, %dma_wait3A_444] : memref<512x50xi32, #tpu.memory_space<vmem>> -> memref<1x50xi32, #tpu.memory_space<vmem>>
    %dma_wait3A_446 = tpu.memref_squeeze %dma_wait3A_445 : memref<1x50xi32, #tpu.memory_space<vmem>> -> memref<50xi32, #tpu.memory_space<vmem>>
    %dma_wait3A_447 = arith.constant 0 : i32
    %dma_wait3A_448 = arith.constant 0 : i32
    %dma_wait3A_449 = tpu.memref_slice %arg2[%dma_wait3A_447, %dma_wait3A_448] : memref<1000000x64xf32, #tpu.memory_space<hbm>> -> memref<1000000x64xf32, #tpu.memory_space<hbm>>
    tpu.wait_indirect_dma semaphore(%arg13 : memref<!tpu.dma_semaphore, #tpu.memory_space<semaphore_mem>>) src(%dma_wait3A_449 : memref<1000000x64xf32, #tpu.memory_space<hbm>>) dst(%dma_wait3A_443 : memref<50x64xf32, #tpu.memory_space<vmem>>)
    %dma_wait3A_450 = arith.constant 509 : i32
    %dma_wait3A_451 = arith.constant 13 : i32
    %dma_wait3A_452 = arith.constant 0 : i32
    %dma_wait3A_453 = arith.constant 0 : i32
    %dma_wait3A_454 = tpu.memref_slice %arg6[%dma_wait3A_451, %dma_wait3A_452, %dma_wait3A_453] : memref<16x50x64xf32, #tpu.memory_space<vmem>> -> memref<1x50x64xf32, #tpu.memory_space<vmem>>
    %dma_wait3A_455 = tpu.memref_squeeze %dma_wait3A_454 : memref<1x50x64xf32, #tpu.memory_space<vmem>> -> memref<50x64xf32, #tpu.memory_space<vmem>>
    %dma_wait3A_456 = arith.constant 0 : i32
    %dma_wait3A_457 = tpu.memref_slice %arg5[%dma_wait3A_450, %dma_wait3A_456] : memref<512x50xi32, #tpu.memory_space<vmem>> -> memref<1x50xi32, #tpu.memory_space<vmem>>
    %dma_wait3A_458 = tpu.memref_squeeze %dma_wait3A_457 : memref<1x50xi32, #tpu.memory_space<vmem>> -> memref<50xi32, #tpu.memory_space<vmem>>
    %dma_wait3A_459 = arith.constant 0 : i32
    %dma_wait3A_460 = arith.constant 0 : i32
    %dma_wait3A_461 = tpu.memref_slice %arg2[%dma_wait3A_459, %dma_wait3A_460] : memref<1000000x64xf32, #tpu.memory_space<hbm>> -> memref<1000000x64xf32, #tpu.memory_space<hbm>>
    tpu.wait_indirect_dma semaphore(%arg13 : memref<!tpu.dma_semaphore, #tpu.memory_space<semaphore_mem>>) src(%dma_wait3A_461 : memref<1000000x64xf32, #tpu.memory_space<hbm>>) dst(%dma_wait3A_455 : memref<50x64xf32, #tpu.memory_space<vmem>>)
    %add3A_462 = arith.constant 508 : i32
    %add3A_463 = arith.addi %mul3A_2, %add3A_462 : i32
    %dma_start3A_464 = arith.constant 12 : i32
    %dma_start3A_465 = arith.constant 0 : i32
    %dma_start3A_466 = arith.constant 0 : i32
    %dma_start3A_467 = tpu.memref_slice %arg6[%dma_start3A_464, %dma_start3A_465, %dma_start3A_466] : memref<16x50x64xf32, #tpu.memory_space<vmem>> -> memref<2x50x64xf32, #tpu.memory_space<vmem>>
    %dma_start3A_468 = arith.constant 0 : i32
    %dma_start3A_469 = arith.constant 0 : i32
    %dma_start3A_470 = tpu.memref_slice %arg4[%add3A_463, %dma_start3A_468, %dma_start3A_469] : memref<16384x50x64xf32, #tpu.memory_space<hbm>> -> memref<2x50x64xf32, #tpu.memory_space<hbm>>
    %dma_start3A_471 = arith.constant 0 : i32
    %dma_start3A_472 = arith.constant 0 : i32
    %dma_start3A_473 = tpu.memref_slice %arg4[%add3A_463, %dma_start3A_471, %dma_start3A_472] : memref<16384x50x64xf32, #tpu.memory_space<hbm>> -> memref<2x50x64xf32, #tpu.memory_space<hbm>>
    %dma_start3A_474 = arith.constant 12 : i32
    %dma_start3A_475 = arith.constant 0 : i32
    %dma_start3A_476 = arith.constant 0 : i32
    %dma_start3A_477 = tpu.memref_slice %arg6[%dma_start3A_474, %dma_start3A_475, %dma_start3A_476] : memref<16x50x64xf32, #tpu.memory_space<vmem>> -> memref<2x50x64xf32, #tpu.memory_space<vmem>>
    tpu.enqueue_dma source(%dma_start3A_477 : memref<2x50x64xf32, #tpu.memory_space<vmem>>) target(%dma_start3A_473 : memref<2x50x64xf32, #tpu.memory_space<hbm>>) target_semaphore(%arg21 : memref<!tpu.dma_semaphore, #tpu.memory_space<semaphore_mem>>)
    %dma_wait3A_478 = arith.constant 510 : i32
    %dma_wait3A_479 = arith.constant 14 : i32
    %dma_wait3A_480 = arith.constant 0 : i32
    %dma_wait3A_481 = arith.constant 0 : i32
    %dma_wait3A_482 = tpu.memref_slice %arg6[%dma_wait3A_479, %dma_wait3A_480, %dma_wait3A_481] : memref<16x50x64xf32, #tpu.memory_space<vmem>> -> memref<1x50x64xf32, #tpu.memory_space<vmem>>
    %dma_wait3A_483 = tpu.memref_squeeze %dma_wait3A_482 : memref<1x50x64xf32, #tpu.memory_space<vmem>> -> memref<50x64xf32, #tpu.memory_space<vmem>>
    %dma_wait3A_484 = arith.constant 0 : i32
    %dma_wait3A_485 = tpu.memref_slice %arg5[%dma_wait3A_478, %dma_wait3A_484] : memref<512x50xi32, #tpu.memory_space<vmem>> -> memref<1x50xi32, #tpu.memory_space<vmem>>
    %dma_wait3A_486 = tpu.memref_squeeze %dma_wait3A_485 : memref<1x50xi32, #tpu.memory_space<vmem>> -> memref<50xi32, #tpu.memory_space<vmem>>
    %dma_wait3A_487 = arith.constant 0 : i32
    %dma_wait3A_488 = arith.constant 0 : i32
    %dma_wait3A_489 = tpu.memref_slice %arg2[%dma_wait3A_487, %dma_wait3A_488] : memref<1000000x64xf32, #tpu.memory_space<hbm>> -> memref<1000000x64xf32, #tpu.memory_space<hbm>>
    tpu.wait_indirect_dma semaphore(%arg14 : memref<!tpu.dma_semaphore, #tpu.memory_space<semaphore_mem>>) src(%dma_wait3A_489 : memref<1000000x64xf32, #tpu.memory_space<hbm>>) dst(%dma_wait3A_483 : memref<50x64xf32, #tpu.memory_space<vmem>>)
    %dma_wait3A_490 = arith.constant 511 : i32
    %dma_wait3A_491 = arith.constant 15 : i32
    %dma_wait3A_492 = arith.constant 0 : i32
    %dma_wait3A_493 = arith.constant 0 : i32
    %dma_wait3A_494 = tpu.memref_slice %arg6[%dma_wait3A_491, %dma_wait3A_492, %dma_wait3A_493] : memref<16x50x64xf32, #tpu.memory_space<vmem>> -> memref<1x50x64xf32, #tpu.memory_space<vmem>>
    %dma_wait3A_495 = tpu.memref_squeeze %dma_wait3A_494 : memref<1x50x64xf32, #tpu.memory_space<vmem>> -> memref<50x64xf32, #tpu.memory_space<vmem>>
    %dma_wait3A_496 = arith.constant 0 : i32
    %dma_wait3A_497 = tpu.memref_slice %arg5[%dma_wait3A_490, %dma_wait3A_496] : memref<512x50xi32, #tpu.memory_space<vmem>> -> memref<1x50xi32, #tpu.memory_space<vmem>>
    %dma_wait3A_498 = tpu.memref_squeeze %dma_wait3A_497 : memref<1x50xi32, #tpu.memory_space<vmem>> -> memref<50xi32, #tpu.memory_space<vmem>>
    %dma_wait3A_499 = arith.constant 0 : i32
    %dma_wait3A_500 = arith.constant 0 : i32
    %dma_wait3A_501 = tpu.memref_slice %arg2[%dma_wait3A_499, %dma_wait3A_500] : memref<1000000x64xf32, #tpu.memory_space<hbm>> -> memref<1000000x64xf32, #tpu.memory_space<hbm>>
    tpu.wait_indirect_dma semaphore(%arg14 : memref<!tpu.dma_semaphore, #tpu.memory_space<semaphore_mem>>) src(%dma_wait3A_501 : memref<1000000x64xf32, #tpu.memory_space<hbm>>) dst(%dma_wait3A_495 : memref<50x64xf32, #tpu.memory_space<vmem>>)
    %add3A_502 = arith.constant 510 : i32
    %add3A_503 = arith.addi %mul3A_2, %add3A_502 : i32
    %dma_start3A_504 = arith.constant 14 : i32
    %dma_start3A_505 = arith.constant 0 : i32
    %dma_start3A_506 = arith.constant 0 : i32
    %dma_start3A_507 = tpu.memref_slice %arg6[%dma_start3A_504, %dma_start3A_505, %dma_start3A_506] : memref<16x50x64xf32, #tpu.memory_space<vmem>> -> memref<2x50x64xf32, #tpu.memory_space<vmem>>
    %dma_start3A_508 = arith.constant 0 : i32
    %dma_start3A_509 = arith.constant 0 : i32
    %dma_start3A_510 = tpu.memref_slice %arg4[%add3A_503, %dma_start3A_508, %dma_start3A_509] : memref<16384x50x64xf32, #tpu.memory_space<hbm>> -> memref<2x50x64xf32, #tpu.memory_space<hbm>>
    %dma_start3A_511 = arith.constant 0 : i32
    %dma_start3A_512 = arith.constant 0 : i32
    %dma_start3A_513 = tpu.memref_slice %arg4[%add3A_503, %dma_start3A_511, %dma_start3A_512] : memref<16384x50x64xf32, #tpu.memory_space<hbm>> -> memref<2x50x64xf32, #tpu.memory_space<hbm>>
    %dma_start3A_514 = arith.constant 14 : i32
    %dma_start3A_515 = arith.constant 0 : i32
    %dma_start3A_516 = arith.constant 0 : i32
    %dma_start3A_517 = tpu.memref_slice %arg6[%dma_start3A_514, %dma_start3A_515, %dma_start3A_516] : memref<16x50x64xf32, #tpu.memory_space<vmem>> -> memref<2x50x64xf32, #tpu.memory_space<vmem>>
    tpu.enqueue_dma source(%dma_start3A_517 : memref<2x50x64xf32, #tpu.memory_space<vmem>>) target(%dma_start3A_513 : memref<2x50x64xf32, #tpu.memory_space<hbm>>) target_semaphore(%arg22 : memref<!tpu.dma_semaphore, #tpu.memory_space<semaphore_mem>>)
    %add3A_518 = arith.constant 496 : i32
    %add3A_519 = arith.addi %mul3A_2, %add3A_518 : i32
    %dma_wait3A_520 = arith.constant 0 : i32
    %dma_wait3A_521 = arith.constant 0 : i32
    %dma_wait3A_522 = arith.constant 0 : i32
    %dma_wait3A_523 = tpu.memref_slice %arg6[%dma_wait3A_520, %dma_wait3A_521, %dma_wait3A_522] : memref<16x50x64xf32, #tpu.memory_space<vmem>> -> memref<2x50x64xf32, #tpu.memory_space<vmem>>
    %dma_wait3A_524 = arith.constant 0 : i32
    %dma_wait3A_525 = arith.constant 0 : i32
    %dma_wait3A_526 = tpu.memref_slice %arg4[%add3A_519, %dma_wait3A_524, %dma_wait3A_525] : memref<16384x50x64xf32, #tpu.memory_space<hbm>> -> memref<2x50x64xf32, #tpu.memory_space<hbm>>
    %dma_wait3A_527 = arith.constant 0 : i32
    %dma_wait3A_528 = arith.constant 0 : i32
    %dma_wait3A_529 = tpu.memref_slice %arg4[%add3A_519, %dma_wait3A_527, %dma_wait3A_528] : memref<16384x50x64xf32, #tpu.memory_space<hbm>> -> memref<2x50x64xf32, #tpu.memory_space<hbm>>
    %dma_wait3A_530 = arith.constant 0 : i32
    %dma_wait3A_531 = arith.constant 0 : i32
    %dma_wait3A_532 = arith.constant 0 : i32
    %dma_wait3A_533 = tpu.memref_slice %arg6[%dma_wait3A_530, %dma_wait3A_531, %dma_wait3A_532] : memref<16x50x64xf32, #tpu.memory_space<vmem>> -> memref<2x50x64xf32, #tpu.memory_space<vmem>>
    tpu.wait_dma2 semaphore(%arg15 : memref<!tpu.dma_semaphore, #tpu.memory_space<semaphore_mem>>) src(%dma_wait3A_533 : memref<2x50x64xf32, #tpu.memory_space<vmem>>) dst(%dma_wait3A_529 : memref<2x50x64xf32, #tpu.memory_space<hbm>>)
    %add3A_534 = arith.constant 498 : i32
    %add3A_535 = arith.addi %mul3A_2, %add3A_534 : i32
    %dma_wait3A_536 = arith.constant 2 : i32
    %dma_wait3A_537 = arith.constant 0 : i32
    %dma_wait3A_538 = arith.constant 0 : i32
    %dma_wait3A_539 = tpu.memref_slice %arg6[%dma_wait3A_536, %dma_wait3A_537, %dma_wait3A_538] : memref<16x50x64xf32, #tpu.memory_space<vmem>> -> memref<2x50x64xf32, #tpu.memory_space<vmem>>
    %dma_wait3A_540 = arith.constant 0 : i32
    %dma_wait3A_541 = arith.constant 0 : i32
    %dma_wait3A_542 = tpu.memref_slice %arg4[%add3A_535, %dma_wait3A_540, %dma_wait3A_541] : memref<16384x50x64xf32, #tpu.memory_space<hbm>> -> memref<2x50x64xf32, #tpu.memory_space<hbm>>
    %dma_wait3A_543 = arith.constant 0 : i32
    %dma_wait3A_544 = arith.constant 0 : i32
    %dma_wait3A_545 = tpu.memref_slice %arg4[%add3A_535, %dma_wait3A_543, %dma_wait3A_544] : memref<16384x50x64xf32, #tpu.memory_space<hbm>> -> memref<2x50x64xf32, #tpu.memory_space<hbm>>
    %dma_wait3A_546 = arith.constant 2 : i32
    %dma_wait3A_547 = arith.constant 0 : i32
    %dma_wait3A_548 = arith.constant 0 : i32
    %dma_wait3A_549 = tpu.memref_slice %arg6[%dma_wait3A_546, %dma_wait3A_547, %dma_wait3A_548] : memref<16x50x64xf32, #tpu.memory_space<vmem>> -> memref<2x50x64xf32, #tpu.memory_space<vmem>>
    tpu.wait_dma2 semaphore(%arg16 : memref<!tpu.dma_semaphore, #tpu.memory_space<semaphore_mem>>) src(%dma_wait3A_549 : memref<2x50x64xf32, #tpu.memory_space<vmem>>) dst(%dma_wait3A_545 : memref<2x50x64xf32, #tpu.memory_space<hbm>>)
    %add3A_550 = arith.constant 500 : i32
    %add3A_551 = arith.addi %mul3A_2, %add3A_550 : i32
    %dma_wait3A_552 = arith.constant 4 : i32
    %dma_wait3A_553 = arith.constant 0 : i32
    %dma_wait3A_554 = arith.constant 0 : i32
    %dma_wait3A_555 = tpu.memref_slice %arg6[%dma_wait3A_552, %dma_wait3A_553, %dma_wait3A_554] : memref<16x50x64xf32, #tpu.memory_space<vmem>> -> memref<2x50x64xf32, #tpu.memory_space<vmem>>
    %dma_wait3A_556 = arith.constant 0 : i32
    %dma_wait3A_557 = arith.constant 0 : i32
    %dma_wait3A_558 = tpu.memref_slice %arg4[%add3A_551, %dma_wait3A_556, %dma_wait3A_557] : memref<16384x50x64xf32, #tpu.memory_space<hbm>> -> memref<2x50x64xf32, #tpu.memory_space<hbm>>
    %dma_wait3A_559 = arith.constant 0 : i32
    %dma_wait3A_560 = arith.constant 0 : i32
    %dma_wait3A_561 = tpu.memref_slice %arg4[%add3A_551, %dma_wait3A_559, %dma_wait3A_560] : memref<16384x50x64xf32, #tpu.memory_space<hbm>> -> memref<2x50x64xf32, #tpu.memory_space<hbm>>
    %dma_wait3A_562 = arith.constant 4 : i32
    %dma_wait3A_563 = arith.constant 0 : i32
    %dma_wait3A_564 = arith.constant 0 : i32
    %dma_wait3A_565 = tpu.memref_slice %arg6[%dma_wait3A_562, %dma_wait3A_563, %dma_wait3A_564] : memref<16x50x64xf32, #tpu.memory_space<vmem>> -> memref<2x50x64xf32, #tpu.memory_space<vmem>>
    tpu.wait_dma2 semaphore(%arg17 : memref<!tpu.dma_semaphore, #tpu.memory_space<semaphore_mem>>) src(%dma_wait3A_565 : memref<2x50x64xf32, #tpu.memory_space<vmem>>) dst(%dma_wait3A_561 : memref<2x50x64xf32, #tpu.memory_space<hbm>>)
    %add3A_566 = arith.constant 502 : i32
    %add3A_567 = arith.addi %mul3A_2, %add3A_566 : i32
    %dma_wait3A_568 = arith.constant 6 : i32
    %dma_wait3A_569 = arith.constant 0 : i32
    %dma_wait3A_570 = arith.constant 0 : i32
    %dma_wait3A_571 = tpu.memref_slice %arg6[%dma_wait3A_568, %dma_wait3A_569, %dma_wait3A_570] : memref<16x50x64xf32, #tpu.memory_space<vmem>> -> memref<2x50x64xf32, #tpu.memory_space<vmem>>
    %dma_wait3A_572 = arith.constant 0 : i32
    %dma_wait3A_573 = arith.constant 0 : i32
    %dma_wait3A_574 = tpu.memref_slice %arg4[%add3A_567, %dma_wait3A_572, %dma_wait3A_573] : memref<16384x50x64xf32, #tpu.memory_space<hbm>> -> memref<2x50x64xf32, #tpu.memory_space<hbm>>
    %dma_wait3A_575 = arith.constant 0 : i32
    %dma_wait3A_576 = arith.constant 0 : i32
    %dma_wait3A_577 = tpu.memref_slice %arg4[%add3A_567, %dma_wait3A_575, %dma_wait3A_576] : memref<16384x50x64xf32, #tpu.memory_space<hbm>> -> memref<2x50x64xf32, #tpu.memory_space<hbm>>
    %dma_wait3A_578 = arith.constant 6 : i32
    %dma_wait3A_579 = arith.constant 0 : i32
    %dma_wait3A_580 = arith.constant 0 : i32
    %dma_wait3A_581 = tpu.memref_slice %arg6[%dma_wait3A_578, %dma_wait3A_579, %dma_wait3A_580] : memref<16x50x64xf32, #tpu.memory_space<vmem>> -> memref<2x50x64xf32, #tpu.memory_space<vmem>>
    tpu.wait_dma2 semaphore(%arg18 : memref<!tpu.dma_semaphore, #tpu.memory_space<semaphore_mem>>) src(%dma_wait3A_581 : memref<2x50x64xf32, #tpu.memory_space<vmem>>) dst(%dma_wait3A_577 : memref<2x50x64xf32, #tpu.memory_space<hbm>>)
    %add3A_582 = arith.constant 504 : i32
    %add3A_583 = arith.addi %mul3A_2, %add3A_582 : i32
    %dma_wait3A_584 = arith.constant 8 : i32
    %dma_wait3A_585 = arith.constant 0 : i32
    %dma_wait3A_586 = arith.constant 0 : i32
    %dma_wait3A_587 = tpu.memref_slice %arg6[%dma_wait3A_584, %dma_wait3A_585, %dma_wait3A_586] : memref<16x50x64xf32, #tpu.memory_space<vmem>> -> memref<2x50x64xf32, #tpu.memory_space<vmem>>
    %dma_wait3A_588 = arith.constant 0 : i32
    %dma_wait3A_589 = arith.constant 0 : i32
    %dma_wait3A_590 = tpu.memref_slice %arg4[%add3A_583, %dma_wait3A_588, %dma_wait3A_589] : memref<16384x50x64xf32, #tpu.memory_space<hbm>> -> memref<2x50x64xf32, #tpu.memory_space<hbm>>
    %dma_wait3A_591 = arith.constant 0 : i32
    %dma_wait3A_592 = arith.constant 0 : i32
    %dma_wait3A_593 = tpu.memref_slice %arg4[%add3A_583, %dma_wait3A_591, %dma_wait3A_592] : memref<16384x50x64xf32, #tpu.memory_space<hbm>> -> memref<2x50x64xf32, #tpu.memory_space<hbm>>
    %dma_wait3A_594 = arith.constant 8 : i32
    %dma_wait3A_595 = arith.constant 0 : i32
    %dma_wait3A_596 = arith.constant 0 : i32
    %dma_wait3A_597 = tpu.memref_slice %arg6[%dma_wait3A_594, %dma_wait3A_595, %dma_wait3A_596] : memref<16x50x64xf32, #tpu.memory_space<vmem>> -> memref<2x50x64xf32, #tpu.memory_space<vmem>>
    tpu.wait_dma2 semaphore(%arg19 : memref<!tpu.dma_semaphore, #tpu.memory_space<semaphore_mem>>) src(%dma_wait3A_597 : memref<2x50x64xf32, #tpu.memory_space<vmem>>) dst(%dma_wait3A_593 : memref<2x50x64xf32, #tpu.memory_space<hbm>>)
    %add3A_598 = arith.constant 506 : i32
    %add3A_599 = arith.addi %mul3A_2, %add3A_598 : i32
    %dma_wait3A_600 = arith.constant 10 : i32
    %dma_wait3A_601 = arith.constant 0 : i32
    %dma_wait3A_602 = arith.constant 0 : i32
    %dma_wait3A_603 = tpu.memref_slice %arg6[%dma_wait3A_600, %dma_wait3A_601, %dma_wait3A_602] : memref<16x50x64xf32, #tpu.memory_space<vmem>> -> memref<2x50x64xf32, #tpu.memory_space<vmem>>
    %dma_wait3A_604 = arith.constant 0 : i32
    %dma_wait3A_605 = arith.constant 0 : i32
    %dma_wait3A_606 = tpu.memref_slice %arg4[%add3A_599, %dma_wait3A_604, %dma_wait3A_605] : memref<16384x50x64xf32, #tpu.memory_space<hbm>> -> memref<2x50x64xf32, #tpu.memory_space<hbm>>
    %dma_wait3A_607 = arith.constant 0 : i32
    %dma_wait3A_608 = arith.constant 0 : i32
    %dma_wait3A_609 = tpu.memref_slice %arg4[%add3A_599, %dma_wait3A_607, %dma_wait3A_608] : memref<16384x50x64xf32, #tpu.memory_space<hbm>> -> memref<2x50x64xf32, #tpu.memory_space<hbm>>
    %dma_wait3A_610 = arith.constant 10 : i32
    %dma_wait3A_611 = arith.constant 0 : i32
    %dma_wait3A_612 = arith.constant 0 : i32
    %dma_wait3A_613 = tpu.memref_slice %arg6[%dma_wait3A_610, %dma_wait3A_611, %dma_wait3A_612] : memref<16x50x64xf32, #tpu.memory_space<vmem>> -> memref<2x50x64xf32, #tpu.memory_space<vmem>>
    tpu.wait_dma2 semaphore(%arg20 : memref<!tpu.dma_semaphore, #tpu.memory_space<semaphore_mem>>) src(%dma_wait3A_613 : memref<2x50x64xf32, #tpu.memory_space<vmem>>) dst(%dma_wait3A_609 : memref<2x50x64xf32, #tpu.memory_space<hbm>>)
    %add3A_614 = arith.constant 508 : i32
    %add3A_615 = arith.addi %mul3A_2, %add3A_614 : i32
    %dma_wait3A_616 = arith.constant 12 : i32
    %dma_wait3A_617 = arith.constant 0 : i32
    %dma_wait3A_618 = arith.constant 0 : i32
    %dma_wait3A_619 = tpu.memref_slice %arg6[%dma_wait3A_616, %dma_wait3A_617, %dma_wait3A_618] : memref<16x50x64xf32, #tpu.memory_space<vmem>> -> memref<2x50x64xf32, #tpu.memory_space<vmem>>
    %dma_wait3A_620 = arith.constant 0 : i32
    %dma_wait3A_621 = arith.constant 0 : i32
    %dma_wait3A_622 = tpu.memref_slice %arg4[%add3A_615, %dma_wait3A_620, %dma_wait3A_621] : memref<16384x50x64xf32, #tpu.memory_space<hbm>> -> memref<2x50x64xf32, #tpu.memory_space<hbm>>
    %dma_wait3A_623 = arith.constant 0 : i32
    %dma_wait3A_624 = arith.constant 0 : i32
    %dma_wait3A_625 = tpu.memref_slice %arg4[%add3A_615, %dma_wait3A_623, %dma_wait3A_624] : memref<16384x50x64xf32, #tpu.memory_space<hbm>> -> memref<2x50x64xf32, #tpu.memory_space<hbm>>
    %dma_wait3A_626 = arith.constant 12 : i32
    %dma_wait3A_627 = arith.constant 0 : i32
    %dma_wait3A_628 = arith.constant 0 : i32
    %dma_wait3A_629 = tpu.memref_slice %arg6[%dma_wait3A_626, %dma_wait3A_627, %dma_wait3A_628] : memref<16x50x64xf32, #tpu.memory_space<vmem>> -> memref<2x50x64xf32, #tpu.memory_space<vmem>>
    tpu.wait_dma2 semaphore(%arg21 : memref<!tpu.dma_semaphore, #tpu.memory_space<semaphore_mem>>) src(%dma_wait3A_629 : memref<2x50x64xf32, #tpu.memory_space<vmem>>) dst(%dma_wait3A_625 : memref<2x50x64xf32, #tpu.memory_space<hbm>>)
    %add3A_630 = arith.constant 510 : i32
    %add3A_631 = arith.addi %mul3A_2, %add3A_630 : i32
    %dma_wait3A_632 = arith.constant 14 : i32
    %dma_wait3A_633 = arith.constant 0 : i32
    %dma_wait3A_634 = arith.constant 0 : i32
    %dma_wait3A_635 = tpu.memref_slice %arg6[%dma_wait3A_632, %dma_wait3A_633, %dma_wait3A_634] : memref<16x50x64xf32, #tpu.memory_space<vmem>> -> memref<2x50x64xf32, #tpu.memory_space<vmem>>
    %dma_wait3A_636 = arith.constant 0 : i32
    %dma_wait3A_637 = arith.constant 0 : i32
    %dma_wait3A_638 = tpu.memref_slice %arg4[%add3A_631, %dma_wait3A_636, %dma_wait3A_637] : memref<16384x50x64xf32, #tpu.memory_space<hbm>> -> memref<2x50x64xf32, #tpu.memory_space<hbm>>
    %dma_wait3A_639 = arith.constant 0 : i32
    %dma_wait3A_640 = arith.constant 0 : i32
    %dma_wait3A_641 = tpu.memref_slice %arg4[%add3A_631, %dma_wait3A_639, %dma_wait3A_640] : memref<16384x50x64xf32, #tpu.memory_space<hbm>> -> memref<2x50x64xf32, #tpu.memory_space<hbm>>
    %dma_wait3A_642 = arith.constant 14 : i32
    %dma_wait3A_643 = arith.constant 0 : i32
    %dma_wait3A_644 = arith.constant 0 : i32
    %dma_wait3A_645 = tpu.memref_slice %arg6[%dma_wait3A_642, %dma_wait3A_643, %dma_wait3A_644] : memref<16x50x64xf32, #tpu.memory_space<vmem>> -> memref<2x50x64xf32, #tpu.memory_space<vmem>>
    tpu.wait_dma2 semaphore(%arg22 : memref<!tpu.dma_semaphore, #tpu.memory_space<semaphore_mem>>) src(%dma_wait3A_645 : memref<2x50x64xf32, #tpu.memory_space<vmem>>) dst(%dma_wait3A_641 : memref<2x50x64xf32, #tpu.memory_space<hbm>>)
    return
  }
}

</mosaic_0001>

<sc_bundles>
// kernel: kernel.3.cloned.1.call-start
scs
__scs_entry_jumppad:
0x0: {  	(pc) =	sbr.rel $0x88, $3  }
0x1: {  	(tag) =	ssettag $0x0;
	lr =	simm.s32 $0x1  }
0x2: {  	[smem:$0x3F9F] =	sst lr;
	_ =	strace $0xD0000000  }
0x3: {  	_ = 	snop  }
0x4: {  	_ = 	snop  }
0x5: {  	_ = 	snop  }
0x6: {  	_ = 	snop  }
0x7: {  	_ = 	snop  }
__scs_overlays_trampoline_lowered:
0x8: {  	[smem:$0x3FAE] =	sst s0  }
0x9: {  	[smem:$0x3FAF] =	sst s1  }
0xa: {  	[smem:$0x3FB0] =	sst s2  }
0xb: {  	[smem:$0x3FB1] =	sst s3  }
0xc: {  	[smem:$0x3FB2] =	sst s4  }
0xd: {  	[smem:$0x3FB3] =	sst s5  }
0xe: {  	[smem:$0x3FB4] =	sst s6  }
0xf: {  	[smem:$0x3FB5] =	sst s7  }
0x10: {  	[smem:$0x3FB6] =	sst s8  }
0x11: {  	[smem:$0x3FB7] =	sst s9;
	s0 =	simm.s32 @!p0 $0x0  }
0x12: {  	s1 =	sld [smem:$0x3F9D];
	s0 =	simm.s32 @p0 $0x1  }
0x13: {  	[smem:$0x3FB8] =	sst s0;
	s0 =	simm.s32 @!p1 $0x0  }
0x14: {  	s2 =	sld [smem:$0x3F9C];
	s0 =	simm.s32 @p1 $0x1  }
0x15: {  	[smem:$0x3FB9] =	sst s0;
	s0 =	simm.s32 @!p2 $0x0  }
0x16: {  	s3 =	sld [smem:$0x3FDB];
	s0 =	simm.s32 @p2 $0x1  }
0x17: {  	s4 =	simm.s32 $0x1BF5;
	[smem:$0x3FBB] =	sst s0  }
0x18: {  	s0 =	sld [smem:$0x3F9E];
	_ =	swait.ge [sflag:s4], $0x0  }
0x19: {  	s7 =	sld [smem:$0x3F9F]  }
0x1a: {  	s8 =	sadd.s32 $0xFFFFE003, lr  }
0x1b: {  	s9 =	sadd.s32 $0xFFFFFEF7, lr;
	s5 =	simm.s32 $0xFFFFFFFF;
	p2 =	slt.u32 s8, $0xFFFFF086  }
0x1c: {  	p1 =	slt.u32 s9, $0xF7A;
	s5 =	simm.s32 @!p2 $0x0  }
0x1d: {  	s5 =	simm.s32 @p1 $0x1;
	p0 =	seq.s32 s7, s2  }
0x1e: {  	s7 =	smul.u32 @!p0 $0xF7A, s2;
	p2 =	seq.s32 @!p0 s5, $0x0  }
0x1f: {  	s9 =	smul.u32 $0xF7A, s1;
	s8 =	simm.s32 @!p0 $0x1BF5;
	p2 =	por !p2, p0  }
0x20: {  	[sflag:s8] =	ssyncset.s32 @!p0 $0xFFFFF086;
	s6 =	sadd.s32 @!p0 s3, s7;
	s7 =	simm.s32 @!p0 $0x108  }
0x21: {  	s3 =	sadd.s32 s3, s9;
	s6 =	sadd.s32 @!p0 $0x88, s6;
	s7 =	simm.s32 @p2 $0x1082  }
0x22: {  	[simem:s7], [sflag:s8] =	dma.local @!p0 [hbm:s6], $0xF7A  }
0x23: {  	s9 =	sor.u32 $0xD0000000, s2;
	s6 =	simm.s32 $0x108;
	_ =	swait.ge @!p0 [sflag:s8], $0x0  }
0x24: {  	s3 =	sadd.s32 $0x88, s3;
	s6 =	simm.s32 @!p1 $0x1082;
	[sflag:s4] =	ssyncset.s32 $0xFFFFF086  }
0x25: {  	[simem:s6], [sflag:s4] =	dma.local [hbm:s3], $0xF7A  }
0x26: {  	[smem:$0x3F9F] =	sst s1;
	(tag) =	ssettag s2;
	_ =	strace s9  }
0x27: {  	s1 =	sld [smem:$0x3FAF]  }
0x28: {  	s2 =	sld [smem:$0x3FB0]  }
0x29: {  	s4 =	sld [smem:$0x3FB2]  }
0x2a: {  	p0 =	seq.s32 s5, $0x0;
	s5 =	sld [smem:$0x3FB3]  }
0x2b: {  	s6 =	sld [smem:$0x3FB4]  }
0x2c: {  	s7 =	sld [smem:$0x3FB5]  }
0x2d: {  	s3 =	simm.s32 $0x108;
	s8 =	sld [smem:$0x3FB6]  }
0x2e: {  	s3 =	simm.s32 @!p0 $0x1082;
	s9 =	sld [smem:$0x3FB7]  }
0x2f: {  	lr =	sadd.s32 s0, s3;
	s0 =	sld [smem:$0x3FAE]  }
0x30: {  	s3 =	sld [smem:$0x3FB1]  }
0x31: {  	[smem:$0x3FBA] =	sst s10  }
0x32: {  	s10 =	sld [smem:$0x3FB8];
	_ =	sdelay $0x3  }
0x33: {  	p0 =	seq.s32 s10, $0x1;
	s10 =	sld [smem:$0x3FBA];
	_ =	sdelay $0x3  }
0x34: {  	[smem:$0x3FBA] =	sst s10  }
0x35: {  	s10 =	sld [smem:$0x3FB9];
	_ =	sdelay $0x3  }
0x36: {  	p1 =	seq.s32 s10, $0x1;
	s10 =	sld [smem:$0x3FBA];
	_ =	sdelay $0x3  }
0x37: {  	[smem:$0x3FBA] =	sst s10  }
0x38: {  	s10 =	sld [smem:$0x3FBB]  }
0x39: {  	_ = 	snop;
	(pc) =	sbr.ind lr, $3  }
0x3a: {  	_ = 	snop  }
0x3b: {  	_ = 	snop  }
0x3c: {  	p2 =	seq.s32 s10, $0x1;
	s10 =	sld [smem:$0x3FBA]  }
0x3d: {  	_ =	shalt  }
0x3e: {  	_ =	shalt  }
0x3f: {  	_ =	shalt  }
0x40: {  	_ =	shalt  }
0x41: {  	_ =	shalt  }
0x42: {  	_ =	shalt  }
0x43: {  	_ =	shalt  }
0x44: {  	_ =	shalt  }
0x45: {  	_ =	shalt  }
0x46: {  	_ =	shalt  }
0x47: {  	_ =	shalt  }
0x48: {  	_ =	shalt  }
0x49: {  	_ =	shalt  }
0x4a: {  	_ =	shalt  }
0x4b: {  	_ =	shalt  }
0x4c: {  	_ =	shalt  }
0x4d: {  	_ =	shalt  }
0x4e: {  	_ =	shalt  }
0x4f: {  	_ =	shalt  }
0x50: {  	_ =	shalt  }
0x51: {  	_ =	shalt  }
0x52: {  	_ =	shalt  }
0x53: {  	_ =	shalt  }
0x54: {  	_ =	shalt  }
0x55: {  	_ =	shalt  }
0x56: {  	_ =	shalt  }
0x57: {  	_ =	shalt  }
0x58: {  	_ =	shalt  }
0x59: {  	_ =	shalt  }
0x5a: {  	_ =	shalt  }
0x5b: {  	_ =	shalt  }
0x5c: {  	_ =	shalt  }
0x5d: {  	_ =	shalt  }
0x5e: {  	_ =	shalt  }
0x5f: {  	_ =	shalt  }
0x60: {  	_ =	shalt  }
0x61: {  	_ =	shalt  }
0x62: {  	_ =	shalt  }
0x63: {  	_ =	shalt  }
0x64: {  	_ =	shalt  }
0x65: {  	_ =	shalt  }
0x66: {  	_ =	shalt  }
0x67: {  	_ =	shalt  }
0x68: {  	_ =	shalt  }
0x69: {  	_ =	shalt  }
0x6a: {  	_ =	shalt  }
0x6b: {  	_ =	shalt  }
0x6c: {  	_ =	shalt  }
0x6d: {  	_ =	shalt  }
0x6e: {  	_ =	shalt  }
0x6f: {  	_ =	shalt  }
0x70: {  	_ =	shalt  }
0x71: {  	_ =	shalt  }
0x72: {  	_ =	shalt  }
0x73: {  	_ =	shalt  }
0x74: {  	_ =	shalt  }
0x75: {  	_ =	shalt  }
0x76: {  	_ =	shalt  }
0x77: {  	_ =	shalt  }
0x78: {  	_ =	shalt  }
0x79: {  	_ =	shalt  }
0x7a: {  	_ =	shalt  }
0x7b: {  	_ =	shalt  }
0x7c: {  	_ =	shalt  }
0x7d: {  	_ =	shalt  }
0x7e: {  	_ =	shalt  }
0x7f: {  	_ =	shalt  }
0x80: {  	_ =	shalt  }
0x81: {  	_ =	shalt  }
0x82: {  	_ =	shalt  }
0x83: {  	_ =	shalt  }
0x84: {  	_ =	shalt  }
0x85: {  	_ =	shalt  }
0x86: {  	_ =	shalt  }
0x87: {  	_ =	shalt  }
.Lfunc_end0:
.L_simem_size_0:
called_computation.1_lowered:
.L_overlay_start_0:
0x88: {  	s2 =	sld [smem:$0x3FD9]  }
0x89: {  	s3 =	sld [smem:$0x3FFE];
	_ =	sdelay $0x1  }
0x8a: {  	s1 =	srdreg.scid  }
0x8b: {  	s0 =	sand.u32 $0x1, s1  }
0x8c: {  	s17 =	sshll.u32 s0, $0xA;
	s2 =	sadd.s32 s3, s2  }
0x8d: {  	s2 =	sadd.s32 s2, s17  }
0x8e: {  	[smem:$0x3FC6] =	sst s2  }
0x8f: {  	_ = 	snop  }
0x90: {  	s2 =	sld [smem:$0x3FD0];
	(tm) =	ssettm $0x1  }
0x91: {  	s18 =	sld [smem:$0x3FFB];
	_ =	sdelay $0x3  }
0x92: {  	_ =	strace s18  }
0x93: {  	s3 =	sld [smem:$0x3FFC];
	_ =	sdelay $0x3  }
0x94: {  	_ =	strace s3  }
0x95: {  	s3 =	sld [smem:$0x3FFD];
	_ =	sdelay $0x3  }
0x96: {  	_ =	strace s3  }
0x97: {  	_ =	strace $0x8FFFFFFF  }
0x98: {  	s19 =	sld [smem:$0x3FDB];
	_ =	sdelay $0x1  }
0x99: {  	s4 =	simm.s32 $_scs_section_size  }
0x9a: {  	s5 =	simm.s32 $_size__tile_overlayer_lowered;
	s6 =	simm.s32 $_tile_overlayer_lowered  }
0x9b: {  	s22 =	simm.s32 $0x1BFF;
	s21 =	sshll.u32 s6, $0x1;
	s3 =	sadd.s32 s4, s19  }
0x9c: {  	s7 =	simm.s32 $0x0;
	s20 =	sshll.u32 s5, $0x1;
	s5 =	sadd.s32 s21, s3  }
0x9d: {  	[timem:s7], [sflag:s22] =	dma.local [hbm:s5], s20  }
0x9e: {  	_ =	swait.ge [sflag:s22], s20  }
0x9f: {  	s4 =	ssub.s32 $0x0, s20;
	[sflag:s22] =	ssyncset.done $0x0  }
0xa0: {  	[sflag:s22] =	ssyncadd.s32 s4;
	_ =	sdelay $0x1  }
0xa1: {  	s23 =	simm.s32 $0x1B8B  }
0xa2: {  	_ =	swait.ge [sflag:s23], $0x1  }
0xa3: {  	[sflag:s23] =	ssyncset.done $0x0  }
0xa4: {  	s25 =	simm.s32 $0x1B8E;
	s24 =	sld [smem:$0x3FFE];
	[sflag:s23] =	ssyncadd.s32 $0xFFFFFFFF  }
0xa5: {  	s26 =	simm.s32 $execute0_lowered;
	[smem:$0x3FD2] =	sst s25  }
0xa6: {  	s5 =	sshll.u32 s26, $0x1;
	_ =	strace $0x80000046;
	[dreg:$0x1] =	wrdreg $0xFFFFFFFF  }
0xa7: {  	s28 =	simm.s32 $_size_execute0_lowered;
	s3 =	sadd.s32 s3, s5;
	[dreg:$0x0] =	wrdreg $0x0  }
0xa8: {  	s5 =	sshll.u32 s28, $0x1;
	[dreg:$0x2] =	wrdreg s3  }
0xa9: {  	[dreg:$0x3] =	wrdreg s5  }
0xaa: {  	[dreg:$0x4] =	wrdreg $0xC0  }
0xab: {  	_ =	task [dreg:s7], $0x5FFFF  }
0xac: {  	[dreg:$0x1] =	wrdreg $0xFFFFFFFF  }
0xad: {  	[dreg:$0x0] =	wrdreg $0x60  }
0xae: {  	[dreg:$0x2] =	wrdreg s24  }
0xaf: {  	[dreg:$0x3] =	wrdreg s2  }
0xb0: {  	[dreg:$0x4] =	wrdreg $0x9  }
0xb1: {  	_ =	task.clear_ibuf [dreg:s7], $0x5FFFF;
	_ =	strace $0x90000046  }
0xb2: {  	s29 =	simm.s32 $0x9;
	_ =	strace $0x80000048  }
0xb3: {  	_ =	swait.ge [sflag:s29], $0x1  }
0xb4: {  	[sflag:s29] =	ssyncadd.s32 $0xFFFFFFFF  }
0xb5: {  	_ =	strace $0x90000048  }
0xb6: {  	_ =	sfence  }
0xb7: {  	s30 =	sld [smem:$0x0];
	_ =	sdelay $0x2  }
0xb8: {  	s31 =	sshll.u32 s1, $0xD;
	s1 =	sshrl.u32 s1, $0x2  }
0xb9: {  	s3 =	sand.u32 $0x4000, s31;
	s1 =	sadd.s32 s1, s30  }
0xba: {  	s0 =	sor.u32 s3, s0;
	s1 =	sshll.u32 s1, $0x11  }
0xbb: {  	s0 =	sor.u32 s1, s0  }
0xbc: {  	s0 =	sadd.s32 $0x8F2B, s0  }
0xbd: {  	[sflag:s0] =	ssyncadd.remote.s32 $0x1  }
0xbe: {  	_ =	sfence.sel $0xFFFF  }
0xbf: {  	[dreg:$0x0] =	wrdreg $0xFFFFFFFF;
	(pc) =	sbr.abs _section_cstart, $3  }
0xc0: {  	[dreg:$0x1] =	wrdreg $0xFFFFFFFF  }
0xc1: {  	_ =	task.clear_ibuf [dreg:s7], $0x2FFFF;
	_ =	strace $0x9FFFFFFF  }
0xc2: {  	(tm) =	ssettm $0x7FFFFFFF  }
0xc3: {  	_ =	shalt  }
tec
execute0_lowered:
.L_overlay_start_1:
0x0: {  	(tag) =	ssettag $0x1  }
0x1: {  	s0 =	srdreg.scid;
	s1 =	rddreg [dreg:$0x0]  }
0x2: {  	s8 =	stileid.u32;
	s4 =	rddreg [dreg:$0x1]  }
0x3: {  	s16 =	simm.s32 $0x32;
	s17 =	simm.s32 $0x7C80;
	s30 =	simm.s32 $0x9580  }
0x4: {  	s9 =	simm.s32 $0xF980;
	s13 =	simm.s32 $0x11280;
	s10 =	simm.s32 $0x4  }
0x5: {  	s0 =	sand.u32 $0x1, s0;
	s2 =	sshll.u32 s8, $0xA;
	s24 =	smul.u32 $0x64000, s8  }
0x6: {  	s3 =	sshll.u32 s0, $0x9;
	s7 =	ssub.s32 $0x2, s0;
	s0 =	smul.u32 $0x32000, s0  }
0x7: {  	s3 =	sor.u32 s3, s2;
	s2 =	simm.s32 $0x0;
	s18 =	sshrl.u32 s7, $0x1  }
0x8: {  	s31 =	sadd.s32 s24, s4;
	s5 =	smul.u32 $0x7, s3;
	[smem:$0x7FF] =	sst s2  }
0x9: {  	s6 =	smul.u32 $0xC80, s3;
	s3 =	sadd.s32 $0xF42E00, s1;
	s0 =	sadd.s32 s0, s31  }
0xa: {  	_ =	strace $0x80000047;
	[dreg:$0xd] =	wrdreg s0;
	s1 =	sadd.s32 s5, s1  }
0xb: {  	s6 =	sshrl.u32 s6, $0x3;
	s5 =	ssub.s32 s7, s18;
	s1 =	sadd.s32 $0xA00, s1  }
0xc: {  	s19 =	sadd.s32 s4, s6;
	s29 =	smax.u32 s5, $0x1;
	[dreg:$0x3] =	wrdreg s1  }
0xd: {  	s12 =	simm.s32 $0x5;
	s6 =	sadd.s32 $0x30700, s19;
	[dreg:$0xc] =	wrdreg s29  }
0xe: {  	s15 =	simm.s32 $0x6;
	s20 =	sadd.s32 $0x30A20, s19;
	[dreg:$0x4] =	wrdreg s6  }
0xf: {  	s28 =	simm.s32 $0x8;
	s21 =	sadd.s32 $0x30D40, s19;
	[dreg:$0x5] =	wrdreg s20  }
0x10: {  	s8 =	simm.s32 $0x3;
	s22 =	sadd.s32 $0x31060, s19;
	[dreg:$0x6] =	wrdreg s21  }
0x11: {  	s18 =	simm.s32 $0xAE80;
	s23 =	sadd.s32 $0x31380, s19;
	[dreg:$0x7] =	wrdreg s22  }
0x12: {  	s7 =	simm.s32 $0x0;
	s25 =	sadd.s32 $0x316A0, s19;
	[dreg:$0x8] =	wrdreg s23  }
0x13: {  	s5 =	simm.s32 $0xE080;
	s26 =	sadd.s32 $0x319C0, s19;
	[dreg:$0x9] =	wrdreg s25  }
0x14: {  	s4 =	simm.s32 $0x1;
	s1 =	sadd.s32 $0x31CE0, s19;
	[dreg:$0xa] =	wrdreg s26  }
0x15: {  	s19 =	simm.s32 $0x7;
	[dreg:$0xb] =	wrdreg s1;
	s20 =	simm.s32 $0xC780  }
0x16: {  	s6 =	simm.s32 $0x2;
	s1 =	simm.s32 $0x10;
	s23 =	simm.s32 $0x11F00  }
.LBB2_1:
0x17: {  	[dreg:$0xe] =	wrdreg s7  }
0x18: {  	s0 =	rddreg [dreg:$0x3];
	s11 =	simm.s32 $0x11  }
0x19: {  	[tilespmem:s2], [sflag:$0x11] =	stream.linear.gather [hbm4b:s0+s2], $0x7000, $0x38;
	[tilespmem:$0x13800] =	vst v63  }
0x1a: {  	_ =	swait.ge [sflag:s11], $0x7000  }
0x1b: {  	[sflag:s11] =	ssyncset.done $0x0  }
0x1c: {  	s21 =	simm.s32 $0x7000;
	[sflag:s11] =	ssyncadd.s32 $0xFFFF9000  }
0x1d: {  	[tilespmem:s21], [sflag:$0x1] =	stream.indirect.gather [hbm4b:s3+s16], $0x40, s2, s16, $0xb8;
	[tilespmem:$0x13800] =	vst v63  }
0x1e: {  	s14 =	simm.s32 $0x38  }
0x1f: {  	[tilespmem:s17], [sflag:$0x1] =	stream.indirect.gather [hbm4b:s3+s16], $0x40, s14, s16, $0xb8;
	[tilespmem:$0x13800] =	vst v63  }
0x20: {  	s22 =	simm.s32 $0x70;
	s25 =	simm.s32 $0x8900  }
0x21: {  	[tilespmem:s25], [sflag:$0x2] =	stream.indirect.gather [hbm4b:s3+s16], $0x40, s22, s16, $0xb8;
	[tilespmem:$0x13800] =	vst v63  }
0x22: {  	s24 =	simm.s32 $0xA8  }
0x23: {  	[tilespmem:s30], [sflag:$0x2] =	stream.indirect.gather [hbm4b:s3+s16], $0x40, s24, s16, $0xb8;
	[tilespmem:$0x13800] =	vst v63  }
0x24: {  	s26 =	simm.s32 $0xE0;
	s29 =	simm.s32 $0xA200  }
0x25: {  	[tilespmem:s29], [sflag:$0x3] =	stream.indirect.gather [hbm4b:s3+s16], $0x40, s26, s16, $0xb8;
	[tilespmem:$0x13800] =	vst v63  }
0x26: {  	s7 =	simm.s32 $0x118  }
0x27: {  	[tilespmem:s18], [sflag:$0x3] =	stream.indirect.gather [hbm4b:s3+s16], $0x40, s7, s16, $0xb8;
	[tilespmem:$0x13800] =	vst v63  }
0x28: {  	s11 =	simm.s32 $0x150;
	s26 =	simm.s32 $0xBB00  }
0x29: {  	[tilespmem:s26], [sflag:$0x4] =	stream.indirect.gather [hbm4b:s3+s16], $0x40, s11, s16, $0xb8;
	[tilespmem:$0x13800] =	vst v63  }
0x2a: {  	s14 =	simm.s32 $0x188  }
0x2b: {  	[tilespmem:s20], [sflag:$0x4] =	stream.indirect.gather [hbm4b:s3+s16], $0x40, s14, s16, $0xb8;
	[tilespmem:$0x13800] =	vst v63  }
0x2c: {  	s22 =	simm.s32 $0x1C0;
	s24 =	simm.s32 $0xD400  }
0x2d: {  	[tilespmem:s24], [sflag:$0x5] =	stream.indirect.gather [hbm4b:s3+s16], $0x40, s22, s16, $0xb8;
	[tilespmem:$0x13800] =	vst v63  }
0x2e: {  	s7 =	simm.s32 $0x1F8  }
0x2f: {  	[tilespmem:s5], [sflag:$0x5] =	stream.indirect.gather [hbm4b:s3+s16], $0x40, s7, s16, $0xb8;
	[tilespmem:$0x13800] =	vst v63  }
0x30: {  	s11 =	simm.s32 $0x230;
	s7 =	simm.s32 $0xED00  }
0x31: {  	[tilespmem:s7], [sflag:$0x6] =	stream.indirect.gather [hbm4b:s3+s16], $0x40, s11, s16, $0xb8;
	[tilespmem:$0x13800] =	vst v63  }
0x32: {  	s14 =	simm.s32 $0x268  }
0x33: {  	[tilespmem:s9], [sflag:$0x6] =	stream.indirect.gather [hbm4b:s3+s16], $0x40, s14, s16, $0xb8;
	[tilespmem:$0x13800] =	vst v63  }
0x34: {  	s31 =	simm.s32 $0x10600;
	s22 =	simm.s32 $0x2A0  }
0x35: {  	[tilespmem:s31], [sflag:$0x7] =	stream.indirect.gather [hbm4b:s3+s16], $0x40, s22, s16, $0xb8;
	[tilespmem:$0x13800] =	vst v63  }
0x36: {  	s11 =	simm.s32 $0x2D8  }
0x37: {  	[tilespmem:s13], [sflag:$0x7] =	stream.indirect.gather [hbm4b:s3+s16], $0x40, s11, s16, $0xb8;
	[tilespmem:$0x13800] =	vst v63  }
0x38: {  	s14 =	simm.s32 $0x310;
	s11 =	simm.s32 $0x11F00  }
0x39: {  	[tilespmem:s11], [sflag:$0x8] =	stream.indirect.gather [hbm4b:s3+s16], $0x40, s14, s16, $0xb8;
	[tilespmem:$0x13800] =	vst v63  }
0x3a: {  	s22 =	simm.s32 $0x348;
	s14 =	simm.s32 $0x12B80  }
0x3b: {  	[tilespmem:s14], [sflag:$0x8] =	stream.indirect.gather [hbm4b:s3+s16], $0x40, s22, s16, $0xb8;
	[tilespmem:$0x13800] =	vst v63  }
0x3c: {  	_ =	swait.ge [sflag:s4], $0xC80  }
0x3d: {  	[sflag:s4] =	ssyncset.done $0x0  }
0x3e: {  	[sflag:s4] =	ssyncadd.s32 $0xFFFFF380  }
0x3f: {  	_ =	swait.ge [sflag:s4], $0xC80  }
0x40: {  	[sflag:s4] =	ssyncset.done $0x0  }
0x41: {  	s22 =	simm.s32 $0x9;
	s0 =	rddreg [dreg:$0xd];
	[sflag:s4] =	ssyncadd.s32 $0xFFFFF380  }
0x42: {  	[hbm4b:s0+s2] =	stream.linear.scatter [tilespmem:s21], [sflag:$0x9], $0x1900, $0x38;
	[tilespmem:$0x13800] =	vst v63  }
0x43: {  	_ =	swait.ge [sflag:s22], $0x1900  }
0x44: {  	[sflag:s22] =	ssyncset.done $0x0  }
0x45: {  	[sflag:s22] =	ssyncadd.s32 $0xFFFFE700;
	s22 =	simm.s32 $0x380  }
0x46: {  	[tilespmem:s21], [sflag:$0x1] =	stream.indirect.gather [hbm4b:s3+s16], $0x40, s22, s16, $0xb8;
	[tilespmem:$0x13800] =	vst v63  }
0x47: {  	s14 =	simm.s32 $0x3B8  }
0x48: {  	[tilespmem:s17], [sflag:$0x1] =	stream.indirect.gather [hbm4b:s3+s16], $0x40, s14, s16, $0xb8;
	[tilespmem:$0x13800] =	vst v63  }
0x49: {  	_ =	swait.ge [sflag:s6], $0xC80  }
0x4a: {  	[sflag:s6] =	ssyncset.done $0x0  }
0x4b: {  	[sflag:s6] =	ssyncadd.s32 $0xFFFFF380  }
0x4c: {  	_ =	swait.ge [sflag:s6], $0xC80  }
0x4d: {  	[sflag:s6] =	ssyncset.done $0x0  }
0x4e: {  	s21 =	sadd.s32 $0x320, s0;
	s22 =	simm.s32 $0xA;
	[sflag:s6] =	ssyncadd.s32 $0xFFFFF380  }
0x4f: {  	[hbm4b:s21+s2] =	stream.linear.scatter [tilespmem:s25], [sflag:$0xA], $0x1900, $0x38;
	[tilespmem:$0x13800] =	vst v63  }
0x50: {  	_ =	swait.ge [sflag:s22], $0x1900  }
0x51: {  	[sflag:s22] =	ssyncset.done $0x0  }
0x52: {  	s17 =	simm.s32 $0x3F0;
	[sflag:s22] =	ssyncadd.s32 $0xFFFFE700  }
0x53: {  	[tilespmem:s25], [sflag:$0x2] =	stream.indirect.gather [hbm4b:s3+s16], $0x40, s17, s16, $0xb8;
	[tilespmem:$0x13800] =	vst v63  }
0x54: {  	s21 =	simm.s32 $0x428  }
0x55: {  	[tilespmem:s30], [sflag:$0x2] =	stream.indirect.gather [hbm4b:s3+s16], $0x40, s21, s16, $0xb8;
	[tilespmem:$0x13800] =	vst v63  }
0x56: {  	_ =	swait.ge [sflag:s8], $0xC80  }
0x57: {  	[sflag:s8] =	ssyncset.done $0x0  }
0x58: {  	[sflag:s8] =	ssyncadd.s32 $0xFFFFF380  }
0x59: {  	_ =	swait.ge [sflag:s8], $0xC80  }
0x5a: {  	[sflag:s8] =	ssyncset.done $0x0  }
0x5b: {  	s25 =	sadd.s32 $0x640, s0;
	s30 =	simm.s32 $0xB;
	[sflag:s8] =	ssyncadd.s32 $0xFFFFF380  }
0x5c: {  	[hbm4b:s25+s2] =	stream.linear.scatter [tilespmem:s29], [sflag:$0xB], $0x1900, $0x38;
	[tilespmem:$0x13800] =	vst v63  }
0x5d: {  	_ =	swait.ge [sflag:s30], $0x1900  }
0x5e: {  	[sflag:s30] =	ssyncset.done $0x0  }
0x5f: {  	s17 =	simm.s32 $0x460;
	[sflag:s30] =	ssyncadd.s32 $0xFFFFE700  }
0x60: {  	[tilespmem:s29], [sflag:$0x3] =	stream.indirect.gather [hbm4b:s3+s16], $0x40, s17, s16, $0xb8;
	[tilespmem:$0x13800] =	vst v63  }
0x61: {  	s21 =	simm.s32 $0x498  }
0x62: {  	[tilespmem:s18], [sflag:$0x3] =	stream.indirect.gather [hbm4b:s3+s16], $0x40, s21, s16, $0xb8;
	[tilespmem:$0x13800] =	vst v63  }
0x63: {  	_ =	swait.ge [sflag:s10], $0xC80  }
0x64: {  	[sflag:s10] =	ssyncset.done $0x0  }
0x65: {  	[sflag:s10] =	ssyncadd.s32 $0xFFFFF380  }
0x66: {  	_ =	swait.ge [sflag:s10], $0xC80  }
0x67: {  	[sflag:s10] =	ssyncset.done $0x0  }
0x68: {  	s25 =	sadd.s32 $0x960, s0;
	s30 =	simm.s32 $0xC;
	[sflag:s10] =	ssyncadd.s32 $0xFFFFF380  }
0x69: {  	[hbm4b:s25+s2] =	stream.linear.scatter [tilespmem:s26], [sflag:$0xC], $0x1900, $0x38;
	[tilespmem:$0x13800] =	vst v63  }
0x6a: {  	_ =	swait.ge [sflag:s30], $0x1900  }
0x6b: {  	[sflag:s30] =	ssyncset.done $0x0  }
0x6c: {  	s17 =	simm.s32 $0x4D0;
	[sflag:s30] =	ssyncadd.s32 $0xFFFFE700  }
0x6d: {  	[tilespmem:s26], [sflag:$0x4] =	stream.indirect.gather [hbm4b:s3+s16], $0x40, s17, s16, $0xb8;
	[tilespmem:$0x13800] =	vst v63  }
0x6e: {  	s18 =	simm.s32 $0x508  }
0x6f: {  	[tilespmem:s20], [sflag:$0x4] =	stream.indirect.gather [hbm4b:s3+s16], $0x40, s18, s16, $0xb8;
	[tilespmem:$0x13800] =	vst v63  }
0x70: {  	_ =	swait.ge [sflag:s12], $0xC80  }
0x71: {  	[sflag:s12] =	ssyncset.done $0x0  }
0x72: {  	[sflag:s12] =	ssyncadd.s32 $0xFFFFF380  }
0x73: {  	_ =	swait.ge [sflag:s12], $0xC80  }
0x74: {  	[sflag:s12] =	ssyncset.done $0x0  }
0x75: {  	s21 =	sadd.s32 $0xC80, s0;
	s25 =	simm.s32 $0xD;
	[sflag:s12] =	ssyncadd.s32 $0xFFFFF380  }
0x76: {  	[hbm4b:s21+s2] =	stream.linear.scatter [tilespmem:s24], [sflag:$0xD], $0x1900, $0x38;
	[tilespmem:$0x13800] =	vst v63  }
0x77: {  	_ =	swait.ge [sflag:s25], $0x1900  }
0x78: {  	[sflag:s25] =	ssyncset.done $0x0  }
0x79: {  	s26 =	simm.s32 $0x540;
	[sflag:s25] =	ssyncadd.s32 $0xFFFFE700  }
0x7a: {  	[tilespmem:s24], [sflag:$0x5] =	stream.indirect.gather [hbm4b:s3+s16], $0x40, s26, s16, $0xb8;
	[tilespmem:$0x13800] =	vst v63  }
0x7b: {  	s30 =	simm.s32 $0x578  }
0x7c: {  	[tilespmem:s5], [sflag:$0x5] =	stream.indirect.gather [hbm4b:s3+s16], $0x40, s30, s16, $0xb8;
	[tilespmem:$0x13800] =	vst v63  }
0x7d: {  	_ =	swait.ge [sflag:s15], $0xC80  }
0x7e: {  	[sflag:s15] =	ssyncset.done $0x0  }
0x7f: {  	[sflag:s15] =	ssyncadd.s32 $0xFFFFF380  }
0x80: {  	_ =	swait.ge [sflag:s15], $0xC80  }
0x81: {  	[sflag:s15] =	ssyncset.done $0x0  }
0x82: {  	s14 =	sadd.s32 $0xFA0, s0;
	s17 =	simm.s32 $0xE;
	[sflag:s15] =	ssyncadd.s32 $0xFFFFF380  }
0x83: {  	[hbm4b:s14+s2] =	stream.linear.scatter [tilespmem:s7], [sflag:$0xE], $0x1900, $0x38;
	[tilespmem:$0x13800] =	vst v63  }
0x84: {  	_ =	swait.ge [sflag:s17], $0x1900  }
0x85: {  	[sflag:s17] =	ssyncset.done $0x0  }
0x86: {  	s18 =	simm.s32 $0x5B0;
	[sflag:s17] =	ssyncadd.s32 $0xFFFFE700  }
0x87: {  	[tilespmem:s7], [sflag:$0x6] =	stream.indirect.gather [hbm4b:s3+s16], $0x40, s18, s16, $0xb8;
	[tilespmem:$0x13800] =	vst v63  }
0x88: {  	s20 =	simm.s32 $0x5E8  }
0x89: {  	[tilespmem:s9], [sflag:$0x6] =	stream.indirect.gather [hbm4b:s3+s16], $0x40, s20, s16, $0xb8;
	[tilespmem:$0x13800] =	vst v63  }
0x8a: {  	_ =	swait.ge [sflag:s19], $0xC80  }
0x8b: {  	[sflag:s19] =	ssyncset.done $0x0  }
0x8c: {  	[sflag:s19] =	ssyncadd.s32 $0xFFFFF380  }
0x8d: {  	_ =	swait.ge [sflag:s19], $0xC80  }
0x8e: {  	[sflag:s19] =	ssyncset.done $0x0  }
0x8f: {  	s22 =	simm.s32 $0xF;
	s21 =	sadd.s32 $0x12C0, s0;
	[sflag:s19] =	ssyncadd.s32 $0xFFFFF380  }
0x90: {  	[hbm4b:s21+s2] =	stream.linear.scatter [tilespmem:s31], [sflag:$0xF], $0x1900, $0x38;
	[tilespmem:$0x13800] =	vst v63  }
0x91: {  	_ =	swait.ge [sflag:s22], $0x1900  }
0x92: {  	[sflag:s22] =	ssyncset.done $0x0  }
0x93: {  	s24 =	simm.s32 $0x620;
	[sflag:s22] =	ssyncadd.s32 $0xFFFFE700  }
0x94: {  	[tilespmem:s31], [sflag:$0x7] =	stream.indirect.gather [hbm4b:s3+s16], $0x40, s24, s16, $0xb8;
	[tilespmem:$0x13800] =	vst v63  }
0x95: {  	s25 =	simm.s32 $0x658  }
0x96: {  	[tilespmem:s13], [sflag:$0x7] =	stream.indirect.gather [hbm4b:s3+s16], $0x40, s25, s16, $0xb8;
	[tilespmem:$0x13800] =	vst v63  }
0x97: {  	_ =	swait.ge [sflag:s28], $0xC80  }
0x98: {  	[sflag:s28] =	ssyncset.done $0x0  }
0x99: {  	[sflag:s28] =	ssyncadd.s32 $0xFFFFF380  }
0x9a: {  	_ =	swait.ge [sflag:s28], $0xC80  }
0x9b: {  	[sflag:s28] =	ssyncset.done $0x0  }
0x9c: {  	s26 =	sadd.s32 $0x15E0, s0;
	[sflag:s28] =	ssyncadd.s32 $0xFFFFF380  }
0x9d: {  	[hbm4b:s26+s2] =	stream.linear.scatter [tilespmem:s11], [sflag:$0x10], $0x1900, $0x38;
	[tilespmem:$0x13800] =	vst v63  }
0x9e: {  	_ =	swait.ge [sflag:s1], $0x1900  }
0x9f: {  	s29 =	simm.s32 $0x6C8;
	s30 =	simm.s32 $0x690;
	[sflag:s1] =	ssyncset.done $0x0  }
0xa0: {  	s22 =	simm.s32 $0xE00;
	s31 =	sadd.s32 $0x1900, s0;
	[sflag:s1] =	ssyncadd.s32 $0xFFFFE700  }
0xa1: {  	[tilespmem:s11], [sflag:$0x8] =	stream.indirect.gather [hbm4b:s3+s16], $0x40, s30, s16, $0xb8;
	[tilespmem:$0x13800] =	vst v63  }
.LBB2_2:
0xa2: {  	s0 =	simm.s32 $0x12B80  }
0xa3: {  	[tilespmem:s0], [sflag:$0x8] =	stream.indirect.gather [hbm4b:s3+s16], $0x40, s29, s16, $0xb8;
	[tilespmem:$0x13800] =	vst v63  }
0xa4: {  	s29 =	smov.u32 s22  }
0xa5: {  	p0 =	sne.s32 s22, $0x1A400;
	s22 =	sadd.s32 $0xE00, s22;
	_ =	swait.ge [sflag:s4], $0xC80  }
0xa6: {  	[sflag:s4] =	ssyncset.done $0x0  }
0xa7: {  	[sflag:s4] =	ssyncadd.s32 $0xFFFFF380  }
0xa8: {  	_ =	swait.ge [sflag:s4], $0xC80  }
0xa9: {  	[sflag:s4] =	ssyncset.done $0x0  }
0xaa: {  	s25 =	simm.s32 $0x7000;
	s0 =	simm.s32 $0x9;
	[sflag:s4] =	ssyncadd.s32 $0xFFFFF380  }
0xab: {  	[hbm4b:s31+s2] =	stream.linear.scatter [tilespmem:s25], [sflag:$0x9], $0x1900, $0x38;
	[tilespmem:$0x13800] =	vst v63  }
0xac: {  	_ =	swait.ge [sflag:s0], $0x1900  }
0xad: {  	s29 =	sshra.s32 s29, $0x2;
	[sflag:s0] =	ssyncset.done $0x0  }
0xae: {  	s21 =	simm.s32 $0x7000;
	[sflag:s0] =	ssyncadd.s32 $0xFFFFE700;
	s0 =	sadd.s32 $0x380, s29  }
0xaf: {  	[tilespmem:s25], [sflag:$0x1] =	stream.indirect.gather [hbm4b:s3+s16], $0x40, s0, s16, $0xb8;
	[tilespmem:$0x13800] =	vst v63  }
0xb0: {  	s5 =	simm.s32 $0x7C80;
	s0 =	sadd.s32 $0x3B8, s29  }
0xb1: {  	[tilespmem:s5], [sflag:$0x1] =	stream.indirect.gather [hbm4b:s3+s16], $0x40, s0, s16, $0xb8;
	[tilespmem:$0x13800] =	vst v63  }
0xb2: {  	_ =	swait.ge [sflag:s6], $0xC80  }
0xb3: {  	[sflag:s6] =	ssyncset.done $0x0  }
0xb4: {  	[sflag:s6] =	ssyncadd.s32 $0xFFFFF380  }
0xb5: {  	_ =	swait.ge [sflag:s6], $0xC80  }
0xb6: {  	[sflag:s6] =	ssyncset.done $0x0  }
0xb7: {  	s30 =	simm.s32 $0x8900;
	s0 =	sadd.s32 $0x320, s31;
	[sflag:s6] =	ssyncadd.s32 $0xFFFFF380  }
0xb8: {  	[hbm4b:s0+s2] =	stream.linear.scatter [tilespmem:s30], [sflag:$0xA], $0x1900, $0x38;
	[tilespmem:$0x13800] =	vst v63  }
0xb9: {  	s0 =	simm.s32 $0xA  }
0xba: {  	_ =	swait.ge [sflag:s0], $0x1900  }
0xbb: {  	[sflag:s0] =	ssyncset.done $0x0  }
0xbc: {  	[sflag:s0] =	ssyncadd.s32 $0xFFFFE700;
	s0 =	sadd.s32 $0x3F0, s29  }
0xbd: {  	[tilespmem:s30], [sflag:$0x2] =	stream.indirect.gather [hbm4b:s3+s16], $0x40, s0, s16, $0xb8;
	[tilespmem:$0x13800] =	vst v63  }
0xbe: {  	s25 =	simm.s32 $0x8900;
	s30 =	simm.s32 $0x9580  }
0xbf: {  	s0 =	sadd.s32 $0x428, s29  }
0xc0: {  	[tilespmem:s30], [sflag:$0x2] =	stream.indirect.gather [hbm4b:s3+s16], $0x40, s0, s16, $0xb8;
	[tilespmem:$0x13800] =	vst v63  }
0xc1: {  	_ =	swait.ge [sflag:s8], $0xC80  }
0xc2: {  	[sflag:s8] =	ssyncset.done $0x0  }
0xc3: {  	[sflag:s8] =	ssyncadd.s32 $0xFFFFF380  }
0xc4: {  	_ =	swait.ge [sflag:s8], $0xC80  }
0xc5: {  	[sflag:s8] =	ssyncset.done $0x0  }
0xc6: {  	s18 =	simm.s32 $0xA200;
	s0 =	sadd.s32 $0x640, s31;
	[sflag:s8] =	ssyncadd.s32 $0xFFFFF380  }
0xc7: {  	[hbm4b:s0+s2] =	stream.linear.scatter [tilespmem:s18], [sflag:$0xB], $0x1900, $0x38;
	[tilespmem:$0x13800] =	vst v63  }
0xc8: {  	s0 =	simm.s32 $0xB  }
0xc9: {  	_ =	swait.ge [sflag:s0], $0x1900  }
0xca: {  	[sflag:s0] =	ssyncset.done $0x0  }
0xcb: {  	[sflag:s0] =	ssyncadd.s32 $0xFFFFE700;
	s0 =	sadd.s32 $0x460, s29  }
0xcc: {  	[tilespmem:s18], [sflag:$0x3] =	stream.indirect.gather [hbm4b:s3+s16], $0x40, s0, s16, $0xb8;
	[tilespmem:$0x13800] =	vst v63  }
0xcd: {  	s17 =	simm.s32 $0xA200;
	s18 =	simm.s32 $0xAE80  }
0xce: {  	s0 =	sadd.s32 $0x498, s29  }
0xcf: {  	[tilespmem:s18], [sflag:$0x3] =	stream.indirect.gather [hbm4b:s3+s16], $0x40, s0, s16, $0xb8;
	[tilespmem:$0x13800] =	vst v63  }
0xd0: {  	_ =	swait.ge [sflag:s10], $0xC80  }
0xd1: {  	[sflag:s10] =	ssyncset.done $0x0  }
0xd2: {  	[sflag:s10] =	ssyncadd.s32 $0xFFFFF380  }
0xd3: {  	_ =	swait.ge [sflag:s10], $0xC80  }
0xd4: {  	[sflag:s10] =	ssyncset.done $0x0  }
0xd5: {  	s20 =	simm.s32 $0xBB00;
	s0 =	sadd.s32 $0x960, s31;
	[sflag:s10] =	ssyncadd.s32 $0xFFFFF380  }
0xd6: {  	[hbm4b:s0+s2] =	stream.linear.scatter [tilespmem:s20], [sflag:$0xC], $0x1900, $0x38;
	[tilespmem:$0x13800] =	vst v63  }
0xd7: {  	s0 =	simm.s32 $0xC  }
0xd8: {  	_ =	swait.ge [sflag:s0], $0x1900  }
0xd9: {  	[sflag:s0] =	ssyncset.done $0x0  }
0xda: {  	[sflag:s0] =	ssyncadd.s32 $0xFFFFE700;
	s0 =	sadd.s32 $0x4D0, s29  }
0xdb: {  	[tilespmem:s20], [sflag:$0x4] =	stream.indirect.gather [hbm4b:s3+s16], $0x40, s0, s16, $0xb8;
	[tilespmem:$0x13800] =	vst v63  }
0xdc: {  	s26 =	simm.s32 $0xBB00;
	s20 =	simm.s32 $0xC780  }
0xdd: {  	s0 =	sadd.s32 $0x508, s29  }
0xde: {  	[tilespmem:s20], [sflag:$0x4] =	stream.indirect.gather [hbm4b:s3+s16], $0x40, s0, s16, $0xb8;
	[tilespmem:$0x13800] =	vst v63  }
0xdf: {  	_ =	swait.ge [sflag:s12], $0xC80  }
0xe0: {  	[sflag:s12] =	ssyncset.done $0x0  }
0xe1: {  	[sflag:s12] =	ssyncadd.s32 $0xFFFFF380  }
0xe2: {  	_ =	swait.ge [sflag:s12], $0xC80  }
0xe3: {  	[sflag:s12] =	ssyncset.done $0x0  }
0xe4: {  	s5 =	simm.s32 $0xD400;
	s0 =	sadd.s32 $0xC80, s31;
	[sflag:s12] =	ssyncadd.s32 $0xFFFFF380  }
0xe5: {  	[hbm4b:s0+s2] =	stream.linear.scatter [tilespmem:s5], [sflag:$0xD], $0x1900, $0x38;
	[tilespmem:$0x13800] =	vst v63  }
0xe6: {  	s0 =	simm.s32 $0xD  }
0xe7: {  	_ =	swait.ge [sflag:s0], $0x1900  }
0xe8: {  	[sflag:s0] =	ssyncset.done $0x0  }
0xe9: {  	[sflag:s0] =	ssyncadd.s32 $0xFFFFE700;
	s0 =	sadd.s32 $0x540, s29  }
0xea: {  	[tilespmem:s5], [sflag:$0x5] =	stream.indirect.gather [hbm4b:s3+s16], $0x40, s0, s16, $0xb8;
	[tilespmem:$0x13800] =	vst v63  }
0xeb: {  	s24 =	simm.s32 $0xD400;
	s5 =	simm.s32 $0xE080  }
0xec: {  	s0 =	sadd.s32 $0x578, s29  }
0xed: {  	[tilespmem:s5], [sflag:$0x5] =	stream.indirect.gather [hbm4b:s3+s16], $0x40, s0, s16, $0xb8;
	[tilespmem:$0x13800] =	vst v63  }
0xee: {  	_ =	swait.ge [sflag:s15], $0xC80  }
0xef: {  	[sflag:s15] =	ssyncset.done $0x0  }
0xf0: {  	[sflag:s15] =	ssyncadd.s32 $0xFFFFF380  }
0xf1: {  	_ =	swait.ge [sflag:s15], $0xC80  }
0xf2: {  	[sflag:s15] =	ssyncset.done $0x0  }
0xf3: {  	s9 =	simm.s32 $0xED00;
	s0 =	sadd.s32 $0xFA0, s31;
	[sflag:s15] =	ssyncadd.s32 $0xFFFFF380  }
0xf4: {  	[hbm4b:s0+s2] =	stream.linear.scatter [tilespmem:s9], [sflag:$0xE], $0x1900, $0x38;
	[tilespmem:$0x13800] =	vst v63  }
0xf5: {  	s0 =	simm.s32 $0xE  }
0xf6: {  	_ =	swait.ge [sflag:s0], $0x1900  }
0xf7: {  	[sflag:s0] =	ssyncset.done $0x0  }
0xf8: {  	[sflag:s0] =	ssyncadd.s32 $0xFFFFE700;
	s0 =	sadd.s32 $0x5B0, s29  }
0xf9: {  	[tilespmem:s9], [sflag:$0x6] =	stream.indirect.gather [hbm4b:s3+s16], $0x40, s0, s16, $0xb8;
	[tilespmem:$0x13800] =	vst v63  }
0xfa: {  	s7 =	simm.s32 $0xED00;
	s9 =	simm.s32 $0xF980  }
0xfb: {  	s0 =	sadd.s32 $0x5E8, s29  }
0xfc: {  	[tilespmem:s9], [sflag:$0x6] =	stream.indirect.gather [hbm4b:s3+s16], $0x40, s0, s16, $0xb8;
	[tilespmem:$0x13800] =	vst v63  }
0xfd: {  	_ =	swait.ge [sflag:s19], $0xC80  }
0xfe: {  	[sflag:s19] =	ssyncset.done $0x0  }
0xff: {  	[sflag:s19] =	ssyncadd.s32 $0xFFFFF380  }
0x100: {  	_ =	swait.ge [sflag:s19], $0xC80  }
0x101: {  	[sflag:s19] =	ssyncset.done $0x0  }
0x102: {  	s13 =	simm.s32 $0x10600;
	s0 =	sadd.s32 $0x12C0, s31;
	[sflag:s19] =	ssyncadd.s32 $0xFFFFF380  }
0x103: {  	[hbm4b:s0+s2] =	stream.linear.scatter [tilespmem:s13], [sflag:$0xF], $0x1900, $0x38;
	[tilespmem:$0x13800] =	vst v63  }
0x104: {  	s0 =	simm.s32 $0xF  }
0x105: {  	_ =	swait.ge [sflag:s0], $0x1900  }
0x106: {  	[sflag:s0] =	ssyncset.done $0x0  }
0x107: {  	[sflag:s0] =	ssyncadd.s32 $0xFFFFE700;
	s0 =	sadd.s32 $0x620, s29  }
0x108: {  	[tilespmem:s13], [sflag:$0x7] =	stream.indirect.gather [hbm4b:s3+s16], $0x40, s0, s16, $0xb8;
	[tilespmem:$0x13800] =	vst v63  }
0x109: {  	s11 =	simm.s32 $0x10600;
	s13 =	simm.s32 $0x11280  }
0x10a: {  	s0 =	sadd.s32 $0x658, s29  }
0x10b: {  	[tilespmem:s13], [sflag:$0x7] =	stream.indirect.gather [hbm4b:s3+s16], $0x40, s0, s16, $0xb8;
	[tilespmem:$0x13800] =	vst v63  }
0x10c: {  	_ =	swait.ge [sflag:s28], $0xC80  }
0x10d: {  	[sflag:s28] =	ssyncset.done $0x0  }
0x10e: {  	[sflag:s28] =	ssyncadd.s32 $0xFFFFF380  }
0x10f: {  	_ =	swait.ge [sflag:s28], $0xC80  }
0x110: {  	[sflag:s28] =	ssyncset.done $0x0  }
0x111: {  	s0 =	sadd.s32 $0x15E0, s31;
	[sflag:s28] =	ssyncadd.s32 $0xFFFFF380  }
0x112: {  	[hbm4b:s0+s2] =	stream.linear.scatter [tilespmem:s23], [sflag:$0x10], $0x1900, $0x38;
	[tilespmem:$0x13800] =	vst v63  }
.Ltmp0:
0x113: {  	_ =	swait.ge [sflag:s1], $0x1900;
	(pc) =	sbr.rel @p0 .LBB2_2-.Ltmp0, $4  }
0x114: {  	[sflag:s1] =	ssyncset.done $0x0  }
0x115: {  	s14 =	simm.s32 $0x11F00;
	s0 =	sadd.s32 $0x690, s29;
	[sflag:s1] =	ssyncadd.s32 $0xFFFFE700  }
0x116: {  	[tilespmem:s23], [sflag:$0x8] =	stream.indirect.gather [hbm4b:s3+s16], $0x40, s0, s16, $0xb8;
	[tilespmem:$0x13800] =	vst v63  }
0x117: {  	s31 =	sadd.s32 $0x1900, s31;
	s29 =	sadd.s32 $0x6C8, s29  }
0x118: {  	s0 =	simm.s32 $0x12B80  }
0x119: {  	[tilespmem:s0], [sflag:$0x8] =	stream.indirect.gather [hbm4b:s3+s16], $0x40, s29, s16, $0xb8;
	[tilespmem:$0x13800] =	vst v63  }
0x11a: {  	_ =	swait.ge [sflag:s4], $0xC80  }
0x11b: {  	[sflag:s4] =	ssyncset.done $0x0  }
0x11c: {  	[sflag:s4] =	ssyncadd.s32 $0xFFFFF380  }
0x11d: {  	_ =	swait.ge [sflag:s4], $0xC80  }
0x11e: {  	[sflag:s4] =	ssyncset.done $0x0  }
0x11f: {  	s31 =	rddreg [dreg:$0x4];
	[sflag:s4] =	ssyncadd.s32 $0xFFFFF380  }
0x120: {  	[hbm4b:s31+s2] =	stream.linear.scatter [tilespmem:s21], [sflag:$0x9], $0x1900, $0x38;
	[tilespmem:$0x13800] =	vst v63  }
0x121: {  	_ =	swait.ge [sflag:s6], $0xC80  }
0x122: {  	[sflag:s6] =	ssyncset.done $0x0  }
0x123: {  	[sflag:s6] =	ssyncadd.s32 $0xFFFFF380  }
0x124: {  	_ =	swait.ge [sflag:s6], $0xC80  }
0x125: {  	[sflag:s6] =	ssyncset.done $0x0  }
0x126: {  	s21 =	rddreg [dreg:$0x5];
	[sflag:s6] =	ssyncadd.s32 $0xFFFFF380  }
0x127: {  	[hbm4b:s21+s2] =	stream.linear.scatter [tilespmem:s25], [sflag:$0xA], $0x1900, $0x38;
	[tilespmem:$0x13800] =	vst v63  }
0x128: {  	_ =	swait.ge [sflag:s8], $0xC80  }
0x129: {  	[sflag:s8] =	ssyncset.done $0x0  }
0x12a: {  	[sflag:s8] =	ssyncadd.s32 $0xFFFFF380  }
0x12b: {  	_ =	swait.ge [sflag:s8], $0xC80  }
0x12c: {  	[sflag:s8] =	ssyncset.done $0x0  }
0x12d: {  	s22 =	rddreg [dreg:$0x6];
	[sflag:s8] =	ssyncadd.s32 $0xFFFFF380  }
0x12e: {  	[hbm4b:s22+s2] =	stream.linear.scatter [tilespmem:s17], [sflag:$0xB], $0x1900, $0x38;
	[tilespmem:$0x13800] =	vst v63  }
0x12f: {  	_ =	swait.ge [sflag:s10], $0xC80  }
0x130: {  	[sflag:s10] =	ssyncset.done $0x0  }
0x131: {  	[sflag:s10] =	ssyncadd.s32 $0xFFFFF380  }
0x132: {  	_ =	swait.ge [sflag:s10], $0xC80  }
0x133: {  	[sflag:s10] =	ssyncset.done $0x0  }
0x134: {  	s25 =	rddreg [dreg:$0x7];
	[sflag:s10] =	ssyncadd.s32 $0xFFFFF380  }
0x135: {  	[hbm4b:s25+s2] =	stream.linear.scatter [tilespmem:s26], [sflag:$0xC], $0x1900, $0x38;
	[tilespmem:$0x13800] =	vst v63  }
0x136: {  	_ =	swait.ge [sflag:s12], $0xC80  }
0x137: {  	[sflag:s12] =	ssyncset.done $0x0  }
0x138: {  	[sflag:s12] =	ssyncadd.s32 $0xFFFFF380  }
0x139: {  	_ =	swait.ge [sflag:s12], $0xC80  }
0x13a: {  	[sflag:s12] =	ssyncset.done $0x0  }
0x13b: {  	s29 =	rddreg [dreg:$0x8];
	[sflag:s12] =	ssyncadd.s32 $0xFFFFF380  }
0x13c: {  	[hbm4b:s29+s2] =	stream.linear.scatter [tilespmem:s24], [sflag:$0xD], $0x1900, $0x38;
	[tilespmem:$0x13800] =	vst v63  }
0x13d: {  	_ =	swait.ge [sflag:s15], $0xC80  }
0x13e: {  	[sflag:s15] =	ssyncset.done $0x0  }
0x13f: {  	[sflag:s15] =	ssyncadd.s32 $0xFFFFF380  }
0x140: {  	_ =	swait.ge [sflag:s15], $0xC80  }
0x141: {  	[sflag:s15] =	ssyncset.done $0x0  }
0x142: {  	s31 =	rddreg [dreg:$0x9];
	[sflag:s15] =	ssyncadd.s32 $0xFFFFF380  }
0x143: {  	[hbm4b:s31+s2] =	stream.linear.scatter [tilespmem:s7], [sflag:$0xE], $0x1900, $0x38;
	[tilespmem:$0x13800] =	vst v63  }
0x144: {  	_ =	swait.ge [sflag:s19], $0xC80  }
0x145: {  	[sflag:s19] =	ssyncset.done $0x0  }
0x146: {  	[sflag:s19] =	ssyncadd.s32 $0xFFFFF380  }
0x147: {  	_ =	swait.ge [sflag:s19], $0xC80  }
0x148: {  	[sflag:s19] =	ssyncset.done $0x0  }
0x149: {  	s7 =	rddreg [dreg:$0xa];
	[sflag:s19] =	ssyncadd.s32 $0xFFFFF380  }
0x14a: {  	[hbm4b:s7+s2] =	stream.linear.scatter [tilespmem:s11], [sflag:$0xF], $0x1900, $0x38;
	[tilespmem:$0x13800] =	vst v63  }
0x14b: {  	_ =	swait.ge [sflag:s28], $0xC80  }
0x14c: {  	[sflag:s28] =	ssyncset.done $0x0  }
0x14d: {  	[sflag:s28] =	ssyncadd.s32 $0xFFFFF380  }
0x14e: {  	_ =	swait.ge [sflag:s28], $0xC80  }
0x14f: {  	[sflag:s28] =	ssyncset.done $0x0  }
0x150: {  	s11 =	rddreg [dreg:$0xb];
	[sflag:s28] =	ssyncadd.s32 $0xFFFFF380  }
0x151: {  	[hbm4b:s11+s2] =	stream.linear.scatter [tilespmem:s14], [sflag:$0x10], $0x1900, $0x38;
	[tilespmem:$0x13800] =	vst v63  }
0x152: {  	s14 =	simm.s32 $0x9  }
0x153: {  	_ =	swait.ge [sflag:s14], $0x1900  }
0x154: {  	[sflag:s14] =	ssyncset.done $0x0  }
0x155: {  	s17 =	simm.s32 $0xA;
	[sflag:s14] =	ssyncadd.s32 $0xFFFFE700  }
0x156: {  	_ =	swait.ge [sflag:s17], $0x1900  }
0x157: {  	[sflag:s17] =	ssyncset.done $0x0  }
0x158: {  	s21 =	simm.s32 $0xB;
	[sflag:s17] =	ssyncadd.s32 $0xFFFFE700  }
0x159: {  	_ =	swait.ge [sflag:s21], $0x1900  }
0x15a: {  	[sflag:s21] =	ssyncset.done $0x0  }
0x15b: {  	s22 =	simm.s32 $0xC;
	[sflag:s21] =	ssyncadd.s32 $0xFFFFE700  }
0x15c: {  	_ =	swait.ge [sflag:s22], $0x1900  }
0x15d: {  	[sflag:s22] =	ssyncset.done $0x0  }
0x15e: {  	s24 =	simm.s32 $0xD;
	[sflag:s22] =	ssyncadd.s32 $0xFFFFE700  }
0x15f: {  	_ =	swait.ge [sflag:s24], $0x1900  }
0x160: {  	[sflag:s24] =	ssyncset.done $0x0  }
0x161: {  	s25 =	simm.s32 $0xE;
	[sflag:s24] =	ssyncadd.s32 $0xFFFFE700  }
0x162: {  	_ =	swait.ge [sflag:s25], $0x1900  }
0x163: {  	[sflag:s25] =	ssyncset.done $0x0  }
0x164: {  	s26 =	simm.s32 $0xF;
	[sflag:s25] =	ssyncadd.s32 $0xFFFFE700  }
0x165: {  	_ =	swait.ge [sflag:s26], $0x1900  }
0x166: {  	[sflag:s26] =	ssyncset.done $0x0  }
0x167: {  	[sflag:s26] =	ssyncadd.s32 $0xFFFFE700  }
0x168: {  	_ =	swait.ge [sflag:s1], $0x1900  }
0x169: {  	s29 =	rddreg [dreg:$0xe]  }
0x16a: {  	s31 =	rddreg [dreg:$0xc];
	s7 =	sadd.s32 $0x1, s29  }
0x16b: {  	p0 =	sne.s32 s7, s31  }
.Ltmp1:
0x16c: {  	_ = 	snop;
	(pc) =	sbr.rel @p0 .LBB2_1-.Ltmp1, $3  }
0x16d: {  	_ =	sdelay $0x1  }
0x16e: {  	[sflag:s1] =	ssyncset.done $0x0  }
0x16f: {  	s17 =	simm.s32 $0x7C80;
	[sflag:s1] =	ssyncadd.s32 $0xFFFFE700  }
0x170: {  	_ =	sfence.sel $0x180000  }
0x171: {  	[bflag:$0x0] =	sbarrier.arrive $0xFFFF  }
0x172: {  	_ =	strace $0x90000047  }
0x173: {  	s0 =	stileid.u32;
	[bflag:$0x2] =	sbarrier.arrive $0xFFFF  }
0x174: {  	p0 =	sne.s32 s0, $0x0;
	s0 =	rddreg [dreg:$0x2]  }
0x175: {  	s0 =	sadd.s32 @!p0 $0x100000, s0  }
0x176: {  	[sflag:s0] =	ssyncadd.tile.s32 @!p0 $0x1;
	_ =	shalt  }
.Lfunc_end2:
_tile_overlayer_lowered:
.L_overlay_start_2:
0x177: {  	(tag) =	ssettag $0x2  }
0x178: {  	s0 =	rddreg [dreg:$0x0];
	s2 =	stileid.u32  }
0x179: {  	s1 =	rddreg [dreg:$0x1];
	p0 =	sne.s32 s2, $0x0  }
0x17a: {  	s3 =	rddreg [dreg:$0x2];
	[bflag:$0x3] =	sbarrier.arrive $0xFFFF;
	s2 =	simm.s32 @!p0 $0x1C11  }
0x17b: {  	[timem:s3], [sflag:s2] =	dma.local @!p0 [hbm:s0], s1  }
0x17c: {  	s0 =	simm.s32 @!p0 $0x11  }
0x17d: {  	_ =	swait.ge @!p0 [sflag:s0], s1  }
0x17e: {  	s1 =	ssub.s32 @!p0 $0x0, s1;
	[sflag:s0] =	ssyncset.done @!p0 $0x0  }
0x17f: {  	[sflag:s0] =	ssyncadd.s32 @!p0 s1  }
0x180: {  	[bflag:$0x3] =	sbarrier.arrive $0xFFFF  }
0x181: {  	_ =	shalt  }

// kernel: sparse-core-data-format-call.cloned.1.call-start
scs
called_computation_lowered:
.L_overlay_start_0:
0x0: {  	s2 =	sld [smem:$0x3FD9]  }
0x1: {  	s3 =	sld [smem:$0x3FFE];
	_ =	sdelay $0x1  }
0x2: {  	s1 =	srdreg.scid  }
0x3: {  	s0 =	sand.u32 $0x1, s1  }
0x4: {  	s18 =	sshll.u32 s0, $0xA;
	s2 =	sadd.s32 s3, s2  }
0x5: {  	s2 =	sadd.s32 s2, s18  }
0x6: {  	[smem:$0x3FC6] =	sst s2  }
0x7: {  	_ = 	snop  }
0x8: {  	s2 =	sld [smem:$0x3FD0];
	(tm) =	ssettm $0x1  }
0x9: {  	s19 =	sld [smem:$0x3FFB];
	_ =	sdelay $0x3  }
0xa: {  	_ =	strace s19  }
0xb: {  	s3 =	sld [smem:$0x3FFC];
	_ =	sdelay $0x3  }
0xc: {  	_ =	strace s3  }
0xd: {  	s3 =	sld [smem:$0x3FFD];
	_ =	sdelay $0x3  }
0xe: {  	_ =	strace s3  }
0xf: {  	_ =	strace $0x8FFFFFFF  }
0x10: {  	s20 =	sld [smem:$0x3FDB];
	_ =	sdelay $0x1  }
0x11: {  	s4 =	simm.s32 $_scs_section_size  }
0x12: {  	s5 =	simm.s32 $_size__tile_overlayer_lowered;
	s6 =	simm.s32 $_tile_overlayer_lowered  }
0x13: {  	s23 =	simm.s32 $0x1BFF;
	s22 =	sshll.u32 s6, $0x1;
	s3 =	sadd.s32 s4, s20  }
0x14: {  	s7 =	simm.s32 $0x0;
	s21 =	sshll.u32 s5, $0x1;
	s5 =	sadd.s32 s22, s3  }
0x15: {  	[timem:s7], [sflag:s23] =	dma.local [hbm:s5], s21  }
0x16: {  	_ =	swait.ge [sflag:s23], s21  }
0x17: {  	s4 =	ssub.s32 $0x0, s21;
	[sflag:s23] =	ssyncset.done $0x0  }
0x18: {  	[sflag:s23] =	ssyncadd.s32 s4;
	_ =	sdelay $0x1  }
0x19: {  	s24 =	simm.s32 $0x1B8B  }
0x1a: {  	_ =	swait.ge [sflag:s24], $0x1  }
0x1b: {  	[sflag:s24] =	ssyncset.done $0x0  }
0x1c: {  	s26 =	simm.s32 $0x1B8E;
	s25 =	sld [smem:$0x3FFE];
	[sflag:s24] =	ssyncadd.s32 $0xFFFFFFFF  }
0x1d: {  	s27 =	simm.s32 $execute0_lowered;
	[smem:$0x3FD2] =	sst s26  }
0x1e: {  	s5 =	sshll.u32 s27, $0x1;
	_ =	strace $0x80000049;
	[dreg:$0x1] =	wrdreg $0xFFFFFFFF  }
0x1f: {  	s28 =	simm.s32 $_size_execute0_lowered;
	s3 =	sadd.s32 s3, s5;
	[dreg:$0x0] =	wrdreg $0x0  }
0x20: {  	s5 =	sshll.u32 s28, $0x1;
	[dreg:$0x2] =	wrdreg s3  }
0x21: {  	[dreg:$0x3] =	wrdreg s5  }
0x22: {  	[dreg:$0x4] =	wrdreg $0xC0  }
0x23: {  	_ =	task [dreg:s7], $0x5FFFF  }
0x24: {  	[dreg:$0x1] =	wrdreg $0xFFFFFFFF  }
0x25: {  	[dreg:$0x0] =	wrdreg $0x60  }
0x26: {  	[dreg:$0x2] =	wrdreg s25  }
0x27: {  	[dreg:$0x3] =	wrdreg s2  }
0x28: {  	[dreg:$0x4] =	wrdreg $0x9  }
0x29: {  	_ =	task.clear_ibuf [dreg:s7], $0x5FFFF;
	_ =	strace $0x90000049  }
0x2a: {  	s29 =	simm.s32 $0x9;
	_ =	strace $0x8000004B  }
0x2b: {  	_ =	swait.ge [sflag:s29], $0x1  }
0x2c: {  	[sflag:s29] =	ssyncadd.s32 $0xFFFFFFFF  }
0x2d: {  	_ =	strace $0x9000004B  }
0x2e: {  	_ =	sfence  }
0x2f: {  	s30 =	sld [smem:$0x0];
	_ =	sdelay $0x2  }
0x30: {  	s31 =	sshll.u32 s1, $0xD;
	s1 =	sshrl.u32 s1, $0x2  }
0x31: {  	s3 =	sand.u32 $0x4000, s31;
	s1 =	sadd.s32 s1, s30  }
0x32: {  	s0 =	sor.u32 s3, s0;
	s1 =	sshll.u32 s1, $0x11  }
0x33: {  	s0 =	sor.u32 s1, s0  }
0x34: {  	s0 =	sadd.s32 $0x8F2B, s0  }
0x35: {  	[sflag:s0] =	ssyncadd.remote.s32 $0x1  }
0x36: {  	_ =	sfence.sel $0xFFFF  }
0x37: {  	[dreg:$0x0] =	wrdreg $0xFFFFFFFF;
	(pc) =	sbr.abs _section_cstart, $3  }
0x38: {  	[dreg:$0x1] =	wrdreg $0xFFFFFFFF  }
0x39: {  	_ =	task.clear_ibuf [dreg:s7], $0x2FFFF;
	_ =	strace $0x9FFFFFFF  }
0x3a: {  	(tm) =	ssettm $0x7FFFFFFF  }
0x3b: {  	_ =	shalt  }
tec
execute0_lowered:
.L_overlay_start_1:
0x0: {  	(tag) =	ssettag $0x1  }
0x1: {  	s0 =	srdreg.scid  }
0x2: {  	s1 =	sshll.u32 s0, $0x4  }
0x3: {  	s0 =	stileid.u32;
	s1 =	sand.u32 $0x10, s1  }
0x4: {  	s1 =	sor.u32 s0, s1  }
0x5: {  	s6 =	rddreg [dreg:$0x0];
	s4 =	simm.s32 $0x1;
	s2 =	sshll.u32 s1, $0x7  }
0x6: {  	s7 =	simm.s32 $0x2;
	s12 =	simm.s32 $0x0;
	s1 =	ssub.s32 $0x4000, s2  }
0x7: {  	s8 =	simm.s32 $0x20000;
	s13 =	simm.s32 $0x0;
	s3 =	sand.u32 $0xF80, s1  }
0x8: {  	s9 =	simm.s32 $0x0;
	s5 =	sshrl.u32 s1, $0xC;
	p0 =	sne.s32 s3, $0x0  }
.Ltmp0:
0x9: {  	s1 =	rddreg [dreg:$0x2];
	s4 =	simm.s32 @!p0 $0x0;
	(pc) =	sbr.rel .LBB1_1-.Ltmp0, $4  }
0xa: {  	s11 =	simm.s32 $0x0;
	s3 =	rddreg [dreg:$0x1];
	s5 =	sadd.s32 s4, s5  }
0xb: {  	_ =	strace $0x8000004A;
	s4 =	simm.s32 $0x1;
	s5 =	smul.u32 $0x32, s5  }
0xc: {  	s6 =	sadd.s32 $0xA00, s6;
	s10 =	smov.u32 s2;
	[sflag:s4] =	ssyncpa.u1 $0x0  }
0xd: {  	p0 =	por $0x0, $0x0;
	[sflag:s7] =	ssyncpa.u1 $0x0;
	s7 =	sor.u32 $0x1, s5  }
.LBB1_4:
0xe: {  	s16 =	sshll.u32 s13, $0x3;
	s17 =	sand.u32 $0x78, s13  }
0xf: {  	s30 =	sand.u32 $0x1F800, s13;
	s12 =	sshll.u32 s12, $0x11;
	s16 =	sand.u32 $0x3C00, s16  }
0x10: {  	[tilespmem:s15+$0x810 ss:$0x81] =	vst.msk $0xffff, v2;
	s31 =	sand.u32 $0x7, s13;
	s16 =	sor.u32 s17, s16;
	s17 =	sadd.s32 s3, s30  }
0x11: {  	[tilespmem:s15+$0x1020 ss:$0x81] =	vst.msk $0xffff, v0;
	s13 =	sshll.u32 s31, $0x12;
	s12 =	sadd.s32 s12, s17;
	s16 =	sshrl.u32 s16, $0x3  }
0x12: {  	[tilespmem:s15+$0x0 ss:$0x81] =	vst.msk $0xffff, v1;
	s13 =	sor.u32 $0x400, s13;
	s12 =	sadd.s32 s16, s12  }
0x13: {  	[hbm4b:s12+s13] =	stream.strided.scatter [tilespmem:s14], [sflag:$0x2], $0x2000, s8, s13, $0x20;
	[tilespmem:$0x8080] =	vst v63  }
.LBB1_5:
0x14: {  	s14 =	sadd.s32 $0x1, s9  }
0x15: {  	s12 =	sadd.s32 $0x1000, s10;
	s16 =	smov.u32 s10;
	p2 =	sgt.s32 s14, $0x31  }
0x16: {  	s16 =	smov.u32 @p2 s12  }
0x17: {  	s14 =	simm.s32 @p2 $0x0;
	p2 =	sgt.s32 s16, $0x3FFF  }
0x18: {  	s16 =	smov.u32 @p2 s2;
	p2 =	sne.s32 s11, s7  }
.Ltmp1:
0x19: {  	p1 =	slt.u32 s11, $0x2;
	(pc) =	sbr.rel @!p2 .LBB1_6-.Ltmp1, $4  }
0x1a: {  	s15 =	simm.s32 @!p1 $0x2  }
0x1b: {  	s13 =	smov.u32 s10;
	p0 =	por !p0, !p0;
	_ =	swait.ge @!p1 [sflag:s15], $0x2000  }
0x1c: {  	s12 =	smov.u32 s9;
	[sflag:s15] =	ssyncset.done @!p1 $0x0;
	s9 =	smov.u32 s14  }
0x1d: {  	s11 =	sadd.s32 $0x1, s11;
	[sflag:s15] =	ssyncadd.s32 @!p1 $0xFFFFE000;
	s10 =	smov.u32 s16  }
.LBB1_1:
0x1e: {  	p1 =	sge.u32 s11, s5  }
0x1f: {  	s14 =	sand.u32 @!p1 $0x1FFFFFF, s9  }
0x20: {  	s15 =	smulhi.u32 @!p1 $0x4924925, s14;
	_ =	sdelay $0x1  }
0x21: {  	s15 =	smul.u32 @!p1 $0x38, s15  }
0x22: {  	s16 =	sxor.u32 @!p1 $0xFFFFFFFF, s11;
	s17 =	smul.u32 @!p1 $0x380, s10  }
0x23: {  	s31 =	sadd.s32 $0xFFFFFFFF, s11;
	s16 =	sshll.u32 @!p1 s16, $0xD;
	s14 =	ssub.s32 @!p1 s14, s15  }
0x24: {  	s15 =	sand.u32 @!p1 $0x2000, s16;
	s16 =	sadd.s32 @!p1 s6, s17;
	s14 =	sshll.u32 @!p1 s14, $0x4  }
0x25: {  	s17 =	simm.s32 @!p1 $0x1C00;
	s14 =	sadd.s32 @!p1 s14, s16;
	s16 =	simm.s32 @!p1 $0x40  }
0x26: {  	[tilespmem:s15], [sflag:$0x1] =	stream.strided.gather @!p1 [hbm4b:s14+s16], $0x2000, s17, s16, $0x38;
	[tilespmem:$0x8080] =	vst v63  }
0x27: {  	p1 =	sge.u32 s31, s5  }
.Ltmp2:
0x28: {  	_ = 	snop;
	(pc) =	sbr.rel @p1 .LBB1_5-.Ltmp2, $1  }
0x29: {  	_ =	sdelay $0x3  }
0x2a: {  	s14 =	simm.s32 $0x1  }
0x2b: {  	_ =	swait.ge [sflag:s4], $0x2000;
	s14 =	simm.s32 @!p0 $0x0  }
0x2c: {  	[sflag:s4] =	ssyncset.done $0x0;
	s15 =	sshll.u32 s14, $0xD  }
0x2d: {  	[sflag:s4] =	ssyncadd.s32 $0xFFFFE000;
	s18 =	sor.u32 $0x20, s15  }
0x2e: {  	s14 =	smul.u32 $0x8100, s14;
	v3 =	vld [tilespmem:s18+$0x10]  }
0x2f: {  	s30 =	sand.u32 $0x1, s11;
	v2 =	vld [tilespmem:s18+$0xFFFFFFF0]  }
0x30: {  	s15 =	smul.u32 $0x8100, s30;
	s14 =	sshrl.u32 s14, $0x2;
	v0 =	vld [tilespmem:s18+$0x0]  }
0x31: {  	v1 =	vld [tilespmem:s18+$0xFFFFFFE0];
	s16 =	sor.u32 $0x4000, s14  }
0x32: {  	s31 =	sshrl.u32 s15, $0x2;
	s15 =	sadd.s32 $0x0, s16  }
0x33: {  	s17 =	simm.s32 $0x4;
	s18 =	sadd.s32 $0x40, s18;
	s14 =	sor.u32 $0x4000, s31;
	[tilespmem:s15+$0x1830 ss:$0x81] =	vst.msk $0xffff, v3  }
.LBB1_3:
0x34: {  	v3 =	vld [tilespmem:s18+$0x10];
	p1 =	sne.s32 s17, $0x1FC;
	[tilespmem:s15+$0x810 ss:$0x81] =	vst.msk $0xffff, v2;
	s19 =	smov.u32 s17;
	s17 =	sadd.s32 $0x4, s17  }
.Ltmp3:
0x35: {  	v2 =	vld [tilespmem:s18+$0xFFFFFFF0];
	[tilespmem:s15+$0x1020 ss:$0x81] =	vst.msk $0xffff, v0;
	(pc) =	sbr.rel @p1 .LBB1_3-.Ltmp3, $4  }
0x36: {  	v0 =	vld [tilespmem:s18+$0x0];
	[tilespmem:s15+$0x0 ss:$0x81] =	vst.msk $0xffff, v1  }
0x37: {  	s15 =	sshra.s32 s19, $0x2;
	v1 =	vld [tilespmem:s18+$0xFFFFFFE0]  }
0x38: {  	s15 =	sadd.s32 s15, s16  }
0x39: {  	s18 =	sadd.s32 $0x40, s18;
	[tilespmem:s15+$0x1830 ss:$0x81] =	vst.msk $0xffff, v3  }
.Ltmp4:
0x3a: {  	_ = 	snop;
	(pc) =	sbr.rel .LBB1_4-.Ltmp4, $1  }
0x3b: {  	_ =	sdelay $0x3  }
.LBB1_6:
0x3c: {  	_ =	sfence.sel $0x180000  }
0x3d: {  	s2 =	simm.s32 $0x1;
	[bflag:$0x0] =	sbarrier.arrive $0xFFFF  }
0x3e: {  	s31 =	simm.s32 $0x2;
	[sflag:s2] =	ssyncpa.u1 $0x1  }
0x3f: {  	[sflag:s31] =	ssyncpa.u1 $0x1  }
0x40: {  	p0 =	sne.s32 s0, $0x0;
	_ =	strace $0x9000004A  }
0x41: {  	s0 =	sadd.s32 @!p0 $0x100000, s1;
	[bflag:$0x2] =	sbarrier.arrive $0xFFFF  }
0x42: {  	[sflag:s0] =	ssyncadd.tile.s32 @!p0 $0x1;
	_ =	shalt  }
.Lfunc_end1:
_tile_overlayer_lowered:
.L_overlay_start_2:
0x43: {  	(tag) =	ssettag $0x2  }
0x44: {  	s0 =	rddreg [dreg:$0x0];
	s2 =	stileid.u32  }
0x45: {  	s1 =	rddreg [dreg:$0x1];
	p0 =	sne.s32 s2, $0x0  }
0x46: {  	s3 =	rddreg [dreg:$0x2];
	[bflag:$0x3] =	sbarrier.arrive $0xFFFF;
	s2 =	simm.s32 @!p0 $0x1C01  }
0x47: {  	[timem:s3], [sflag:s2] =	dma.local @!p0 [hbm:s0], s1  }
0x48: {  	s0 =	simm.s32 @!p0 $0x1  }
0x49: {  	_ =	swait.ge @!p0 [sflag:s0], s1  }
0x4a: {  	s1 =	ssub.s32 @!p0 $0x0, s1;
	[sflag:s0] =	ssyncset.done @!p0 $0x0  }
0x4b: {  	[sflag:s0] =	ssyncadd.s32 @!p0 s1  }
0x4c: {  	[bflag:$0x3] =	sbarrier.arrive $0xFFFF  }
0x4d: {  	_ =	shalt  }

</sc_bundles>
